<compile_context>
chip_gen: v7x
topology: tpu7x:2x2x1
jax: 0.10.2.dev20260603
libtpu: 0.0.44.dev20260713+nightly
codegen_flags: <defaults>
</compile_context>

<pallas_src>
import functools

import jax
import jax.numpy as jnp
from jax import lax
from jax.experimental import pallas as pl
from jax.experimental.pallas import tpu as pltpu
from jax.experimental.pallas import tpu_sc as plsc

_NC = 2
_NS = 16
_L = 16


def _sc_body(x_hbm, w_hbm, dl_hbm, out_hbm, loss_hbm,
             xb0, xb1, ob0, ob1, wb_v, dl_v, lbf_v,
             isem0, isem1, osem0, osem1, *, B, M, N, F, CB):
    nw = _NC * _NS
    bpw = B // nw
    wid = lax.axis_index("s") * _NC + lax.axis_index("c")
    base = wid * bpw
    nchunks = bpw // CB
    nfc = F // _L
    MN = M * N
    xbufs, obufs = [xb0, xb1], [ob0, ob1]
    isems, osems = [isem0, isem1], [osem0, osem1]

    def in_copies(ci, par):
        return [
            pltpu.make_async_copy(
                x_hbm.at[:, pl.ds(base + ci * CB, CB), :],
                xbufs[par],
                isems[par],
            )
        ]

    def out_copy(ci, par):
        return pltpu.make_async_copy(
            obufs[par], out_hbm.at[pl.ds(base + ci * CB, CB)], osems[par])

    for c in in_copies(0, 0):
        c.start()
    pltpu.sync_copy(w_hbm.at[pl.ds(base * MN, bpw * MN)], wb_v)
    pltpu.sync_copy(dl_hbm, dl_v)

    def chunk_pair(io, carry):
        for par in range(2):
            ci = io * 2 + par

            @pl.when(ci + 1 < nchunks)
            def _():
                for c in in_copies(ci + 1, 1 - par):
                    c.start()

            for c in in_copies(ci, par):
                c.wait()

            @pl.when(ci >= 2)
            def _():
                out_copy(ci - 2, par).wait()

            xb, ob = xbufs[par], obufs[par]
            for cb in range(CB):
                wbase = (ci * CB + cb) * MN
                wlo = wb_v[pl.ds(wbase, _L)]
                whi = wb_v[pl.ds(wbase + MN - _L, _L)]
                wv = [
                    jnp.full((_L,), wlo[j]) if j < _L
                    else jnp.full((_L,), whi[j - (MN - _L)])
                    for j in range(MN)
                ]

                def f_body(c, carry2):
                    col = pl.ds(c * _L, _L)
                    acc = [jnp.zeros((_L,), jnp.float32) for _ in range(N)]
                    for m in range(M):
                        xv = xb[m, cb, col]
                        for n in range(N):
                            acc[n] = acc[n] + wv[m * N + n] * xv
                    for n in range(N):
                        ob[cb, n, col] = acc[n]
                    return carry2

                lax.fori_loop(0, nfc, f_body, 0)
            out_copy(ci, par).start()
        return carry

    lax.fori_loop(0, nchunks // 2, chunk_pair, 0)
    out_copy(nchunks - 2, 0).wait()
    out_copy(nchunks - 1, 1).wait()

    iota = lax.iota(jnp.int32, _L)

    d0 = dl_v[pl.ds(0, _L)]
    d1 = dl_v[pl.ds(_L, _L)]
    d2 = dl_v[pl.ds(2 * _L, _L)]

    def dl_at(j):
        if j < _L:
            return d0[j]
        if j < 2 * _L:
            return d1[j - _L]
        return d2[j - 2 * _L]

    def loss_body(g, carry):
        rows = g * _L + iota
        for n in range(N):
            lacc = jnp.zeros((_L,), jnp.float32)
            for m in range(M):
                j = m * N + n
                dv = jnp.full((_L,), dl_at(j))
                lv = jnp.full((_L,), dl_at(MN + j))
                wvm = plsc.load_gather(wb_v, [rows * MN + j])
                lacc = lacc + wvm * dv + lv
            plsc.store_scatter(lbf_v, [rows * N + n], lacc)
        return carry

    lax.fori_loop(0, bpw // _L, loss_body, 0)
    pltpu.sync_copy(lbf_v, loss_hbm.at[pl.ds(base * N, bpw * N)])


def kernel(x, extra_loss, logits):
    B, M, F = x.shape
    N = logits.shape[1]
    probs = jax.nn.sigmoid(logits)
    wf = jax.random.bernoulli(
        jax.random.key(42), jnp.tile(probs.reshape(-1), B), shape=(B * M * N,)
    ).astype(jnp.float32)
    ls = jax.nn.log_sigmoid(logits)
    lsn = jax.nn.log_sigmoid(-logits)
    dl = jnp.concatenate(
        [jnp.stack([ls - lsn, lsn]).reshape(2 * M * N), jnp.zeros(8, jnp.float32)]
    )

    CB = 4
    mesh = plsc.VectorSubcoreMesh(
        core_axis_name="c", subcore_axis_name="s", num_cores=_NC, num_subcores=_NS
    )
    bpw = B // (_NC * _NS)
    fn = pl.kernel(
        functools.partial(_sc_body, B=B, M=M, N=N, F=F, CB=CB),
        out_type=(
            jax.ShapeDtypeStruct((B, N, F), jnp.float32),
            jax.ShapeDtypeStruct((B * N,), jnp.float32),
        ),
        mesh=mesh,
        compiler_params=pltpu.CompilerParams(
            needs_layout_passes=False, use_tc_tiling_on_sc=True
        ),
        scratch_types=[
            pltpu.VMEM((M, CB, F), jnp.float32),
            pltpu.VMEM((M, CB, F), jnp.float32),
            pltpu.VMEM((CB, N, F), jnp.float32),
            pltpu.VMEM((CB, N, F), jnp.float32),
            pltpu.VMEM((bpw * M * N,), jnp.float32),
            pltpu.VMEM((2 * M * N + 8,), jnp.float32),
            pltpu.VMEM((bpw * N,), jnp.float32),
            pltpu.SemaphoreType.DMA,
            pltpu.SemaphoreType.DMA,
            pltpu.SemaphoreType.DMA,
            pltpu.SemaphoreType.DMA,
        ],
    )
    out, sc_loss = fn(jnp.transpose(x, (1, 0, 2)), wf, dl)
    return (out, extra_loss + sc_loss.reshape(B, N))

# --- scband reference (transcript-rebuilt; emitter-appended) ---
"""Pipeline reference for scband-gating-39101382263174 (READ-ONLY COPY).

The authoritative reference and input builder live on the scoring server;
editing this copy changes nothing except your own understanding.
"""

import jax, jax.numpy as jnp
import numpy as np

M = 10
N = 2


def setup_inputs(seed: int = 0) -> dict:
    key = jax.random.key(seed)
    k1, k2 = jax.random.split(key)
    B = 8192
    F = 768
    x = jax.random.normal(k1, (B, M, F), dtype=jnp.float32)
    extra_loss = jnp.zeros((B, N), dtype=jnp.float32)
    # learned parameter: gating logits, initialized to zeros as in the torch module
    logits = jnp.zeros((M, N), dtype=jnp.float32)
    return {"x": x, "extra_loss": extra_loss, "logits": logits}


def reference(x, extra_loss, logits):
    # Bernoulli(logits=logits), sampled per batch element -> b: [B, M, N]
    probs = jax.nn.sigmoid(logits)
    sample_key = jax.random.key(42)
    b = jax.random.bernoulli(sample_key, probs, shape=(x.shape[0], M, N)).astype(jnp.float32)
    w = b
    # Bernoulli log_prob(b) = b*log(sigmoid(l)) + (1-b)*log(sigmoid(-l))
    log_prob = b * jax.nn.log_sigmoid(logits) + (1.0 - b) * jax.nn.log_sigmoid(-logits)
    logits_loss = jnp.sum(log_prob, axis=1)  # sum over M -> [B, N]
    output = jnp.einsum('bmn,bmf->bnf', w, x)  # [B, N, F]
    return (output, extra_loss + logits_loss)

if __name__ == "__main__":
    import jax
    _d = setup_inputs()
    print(jax.jit(kernel)(*tuple(_d.values())))

</pallas_src>

<mosaic_0001>
#map = affine_map<(d0, d1) -> (0, 0, 0)>
#map1 = affine_map<(d0, d1) -> (0)>
module attributes {stable_mosaic.version = 14 : i64} {
  func.func @_sc_body(%arg0: i32, %arg1: i32, %arg2: memref<10x8192x768xf32, #tpu.memory_space<hbm>>, %arg3: memref<163840xf32, #tpu.memory_space<hbm>>, %arg4: memref<48xf32, #tpu.memory_space<hbm>>, %arg5: memref<8192x2x768xf32, #tpu.memory_space<hbm>>, %arg6: memref<16384xf32, #tpu.memory_space<hbm>>, %arg7: memref<10x4x768xf32, #tpu.memory_space<vmem>>, %arg8: memref<10x4x768xf32, #tpu.memory_space<vmem>>, %arg9: memref<4x2x768xf32, #tpu.memory_space<vmem>>, %arg10: memref<4x2x768xf32, #tpu.memory_space<vmem>>, %arg11: memref<5120xf32, #tpu.memory_space<vmem>>, %arg12: memref<48xf32, #tpu.memory_space<vmem>>, %arg13: memref<512xf32, #tpu.memory_space<vmem>>, %arg14: memref<!tpu.dma_semaphore, #tpu.memory_space<semaphore_mem>>, %arg15: memref<!tpu.dma_semaphore, #tpu.memory_space<semaphore_mem>>, %arg16: memref<!tpu.dma_semaphore, #tpu.memory_space<semaphore_mem>>, %arg17: memref<!tpu.dma_semaphore, #tpu.memory_space<semaphore_mem>>) attributes {dimension_semantics = [#tpu.dimension_semantics<core_parallel>, #tpu.dimension_semantics<subcore_parallel>], iteration_bounds = array<i64: 2, 16>, scalar_prefetch = 0 : i64, scratch_operands = 11 : i64, tpu.core_type = #tpu.core_type<sc_vector_subcore>, window_params = [{transform_indices = #map}, {transform_indices = #map1}, {transform_indices = #map1}, {transform_indices = #map}, {transform_indices = #map1}]} {
    %mul3A = arith.constant 2 : i32
    %mul3A_0 = arith.muli %arg1, %mul3A : i32
    %add3A = arith.addi %mul3A_0, %arg0 : i32
    %mul3A_1 = arith.constant 256 : i32
    %mul3A_2 = arith.muli %add3A, %mul3A_1 : i32
    %add3A_3 = arith.constant 0 : i32
    %add3A_4 = arith.addi %mul3A_2, %add3A_3 : i32
    %dma_start3A = arith.constant 0 : i32
    %dma_start3A_5 = arith.constant 0 : i32
    %dma_start3A_6 = tpu.memref_slice %arg2[%dma_start3A, %add3A_4, %dma_start3A_5] : memref<10x8192x768xf32, #tpu.memory_space<hbm>> -> memref<10x4x768xf32, #tpu.memory_space<hbm>>
    %dma_start3A_7 = arith.constant 0 : i32
    %dma_start3A_8 = arith.constant 0 : i32
    %dma_start3A_9 = tpu.memref_slice %arg2[%dma_start3A_7, %add3A_4, %dma_start3A_8] : memref<10x8192x768xf32, #tpu.memory_space<hbm>> -> memref<10x4x768xf32, #tpu.memory_space<hbm>>
    tpu.enqueue_dma source(%dma_start3A_9 : memref<10x4x768xf32, #tpu.memory_space<hbm>>) target(%arg7 : memref<10x4x768xf32, #tpu.memory_space<vmem>>) target_semaphore(%arg14 : memref<!tpu.dma_semaphore, #tpu.memory_space<semaphore_mem>>)
    %mul3A_10 = arith.constant 20 : i32
    %mul3A_11 = arith.muli %mul3A_2, %mul3A_10 : i32
    "tpu.region"() ({
      %run_scoped3A = tpu.sem_alloc : memref<!tpu.dma_semaphore, #tpu.memory_space<semaphore_mem>>
      %dma_start3A_45 = tpu.memref_slice %arg3[%mul3A_11] : memref<163840xf32, #tpu.memory_space<hbm>> -> memref<5120xf32, #tpu.memory_space<hbm>>
      %dma_start3A_46 = tpu.memref_slice %arg3[%mul3A_11] : memref<163840xf32, #tpu.memory_space<hbm>> -> memref<5120xf32, #tpu.memory_space<hbm>>
      tpu.enqueue_dma source(%dma_start3A_46 : memref<5120xf32, #tpu.memory_space<hbm>>) target(%arg11 : memref<5120xf32, #tpu.memory_space<vmem>>) target_semaphore(%run_scoped3A : memref<!tpu.dma_semaphore, #tpu.memory_space<semaphore_mem>>)
      %dma_wait3A_47 = tpu.memref_slice %arg3[%mul3A_11] : memref<163840xf32, #tpu.memory_space<hbm>> -> memref<5120xf32, #tpu.memory_space<hbm>>
      %dma_wait3A_48 = tpu.memref_slice %arg3[%mul3A_11] : memref<163840xf32, #tpu.memory_space<hbm>> -> memref<5120xf32, #tpu.memory_space<hbm>>
      tpu.wait_dma2 semaphore(%run_scoped3A : memref<!tpu.dma_semaphore, #tpu.memory_space<semaphore_mem>>) src(%dma_wait3A_48 : memref<5120xf32, #tpu.memory_space<hbm>>) dst(%arg11 : memref<5120xf32, #tpu.memory_space<vmem>>)
      tpu.yield
    }) : () -> ()
    "tpu.region"() ({
      %run_scoped3A = tpu.sem_alloc : memref<!tpu.dma_semaphore, #tpu.memory_space<semaphore_mem>>
      tpu.enqueue_dma source(%arg4 : memref<48xf32, #tpu.memory_space<hbm>>) target(%arg12 : memref<48xf32, #tpu.memory_space<vmem>>) target_semaphore(%run_scoped3A : memref<!tpu.dma_semaphore, #tpu.memory_space<semaphore_mem>>)
      tpu.wait_dma2 semaphore(%run_scoped3A : memref<!tpu.dma_semaphore, #tpu.memory_space<semaphore_mem>>) src(%arg4 : memref<48xf32, #tpu.memory_space<hbm>>) dst(%arg12 : memref<48xf32, #tpu.memory_space<vmem>>)
      tpu.yield
    }) : () -> ()
    %scan3A = arith.constant 0 : i32
    %scan3A_12 = arith.constant 0 : i32
    %scan3A_13 = arith.constant 32 : i32
    %scan3A_14 = arith.addi %scan3A_12, %scan3A_13 : i32
    %scan3A_15 = arith.constant 1 : i32
    scf.for %scan3A_45 = %scan3A_12 to %scan3A_14 step %scan3A_15  : i32 {
      %mul3A_46 = arith.constant 2 : i32
      %mul3A_47 = arith.muli %scan3A_45, %mul3A_46 : i32
      %add3A_48 = arith.constant 0 : i32
      %add3A_49 = arith.addi %mul3A_47, %add3A_48 : i32
      %add3A_50 = arith.constant 1 : i32
      %add3A_51 = arith.addi %add3A_49, %add3A_50 : i32
      %lt3A = arith.constant 64 : i32
      %lt3A_52 = arith.cmpi slt, %add3A_51, %lt3A : i32
      %convert_element_type3A = arith.extui %lt3A_52 : i1 to i32
      %cond3A = arith.constant 0 : i32
      %cond3A_53 = arith.cmpi ne, %convert_element_type3A, %cond3A : i32
      scf.if %cond3A_53 {
        %add3A_746 = arith.constant 1 : i32
        %add3A_747 = arith.addi %add3A_49, %add3A_746 : i32
        %mul3A_748 = arith.constant 4 : i32
        %mul3A_749 = arith.muli %add3A_747, %mul3A_748 : i32
        %add3A_750 = arith.addi %mul3A_2, %mul3A_749 : i32
        %dma_start3A_751 = arith.constant 0 : i32
        %dma_start3A_752 = arith.constant 0 : i32
        %dma_start3A_753 = tpu.memref_slice %arg2[%dma_start3A_751, %add3A_750, %dma_start3A_752] : memref<10x8192x768xf32, #tpu.memory_space<hbm>> -> memref<10x4x768xf32, #tpu.memory_space<hbm>>
        %dma_start3A_754 = arith.constant 0 : i32
        %dma_start3A_755 = arith.constant 0 : i32
        %dma_start3A_756 = tpu.memref_slice %arg2[%dma_start3A_754, %add3A_750, %dma_start3A_755] : memref<10x8192x768xf32, #tpu.memory_space<hbm>> -> memref<10x4x768xf32, #tpu.memory_space<hbm>>
        tpu.enqueue_dma source(%dma_start3A_756 : memref<10x4x768xf32, #tpu.memory_space<hbm>>) target(%arg8 : memref<10x4x768xf32, #tpu.memory_space<vmem>>) target_semaphore(%arg15 : memref<!tpu.dma_semaphore, #tpu.memory_space<semaphore_mem>>)
      } else {
      }
      %mul3A_54 = arith.constant 4 : i32
      %mul3A_55 = arith.muli %add3A_49, %mul3A_54 : i32
      %add3A_56 = arith.addi %mul3A_2, %mul3A_55 : i32
      %dma_wait3A_57 = arith.constant 0 : i32
      %dma_wait3A_58 = arith.constant 0 : i32
      %dma_wait3A_59 = tpu.memref_slice %arg2[%dma_wait3A_57, %add3A_56, %dma_wait3A_58] : memref<10x8192x768xf32, #tpu.memory_space<hbm>> -> memref<10x4x768xf32, #tpu.memory_space<hbm>>
      %dma_wait3A_60 = arith.constant 0 : i32
      %dma_wait3A_61 = arith.constant 0 : i32
      %dma_wait3A_62 = tpu.memref_slice %arg2[%dma_wait3A_60, %add3A_56, %dma_wait3A_61] : memref<10x8192x768xf32, #tpu.memory_space<hbm>> -> memref<10x4x768xf32, #tpu.memory_space<hbm>>
      tpu.wait_dma2 semaphore(%arg14 : memref<!tpu.dma_semaphore, #tpu.memory_space<semaphore_mem>>) src(%dma_wait3A_62 : memref<10x4x768xf32, #tpu.memory_space<hbm>>) dst(%arg7 : memref<10x4x768xf32, #tpu.memory_space<vmem>>)
      %ge3A = arith.constant 2 : i32
      %ge3A_63 = arith.cmpi sge, %add3A_49, %ge3A : i32
      %convert_element_type3A_64 = arith.extui %ge3A_63 : i1 to i32
      %cond3A_65 = arith.constant 0 : i32
      %cond3A_66 = arith.cmpi ne, %convert_element_type3A_64, %cond3A_65 : i32
      scf.if %cond3A_66 {
        %sub3A_746 = arith.constant 2 : i32
        %sub3A_747 = arith.subi %add3A_49, %sub3A_746 : i32
        %mul3A_748 = arith.constant 4 : i32
        %mul3A_749 = arith.muli %sub3A_747, %mul3A_748 : i32
        %add3A_750 = arith.addi %mul3A_2, %mul3A_749 : i32
        %dma_wait3A_751 = arith.constant 0 : i32
        %dma_wait3A_752 = arith.constant 0 : i32
        %dma_wait3A_753 = tpu.memref_slice %arg5[%add3A_750, %dma_wait3A_751, %dma_wait3A_752] : memref<8192x2x768xf32, #tpu.memory_space<hbm>> -> memref<4x2x768xf32, #tpu.memory_space<hbm>>
        %dma_wait3A_754 = arith.constant 0 : i32
        %dma_wait3A_755 = arith.constant 0 : i32
        %dma_wait3A_756 = tpu.memref_slice %arg5[%add3A_750, %dma_wait3A_754, %dma_wait3A_755] : memref<8192x2x768xf32, #tpu.memory_space<hbm>> -> memref<4x2x768xf32, #tpu.memory_space<hbm>>
        tpu.wait_dma2 semaphore(%arg16 : memref<!tpu.dma_semaphore, #tpu.memory_space<semaphore_mem>>) src(%arg9 : memref<4x2x768xf32, #tpu.memory_space<vmem>>) dst(%dma_wait3A_756 : memref<4x2x768xf32, #tpu.memory_space<hbm>>)
      } else {
      }
      %mul3A_67 = arith.constant 4 : i32
      %mul3A_68 = arith.muli %add3A_49, %mul3A_67 : i32
      %add3A_69 = arith.constant 0 : i32
      %add3A_70 = arith.addi %mul3A_68, %add3A_69 : i32
      %mul3A_71 = arith.constant 20 : i32
      %mul3A_72 = arith.muli %add3A_70, %mul3A_71 : i32
      %get3A_73 = arith.index_cast %mul3A_72 : i32 to index
      %get3A_74 = tpu.vector_load %arg11[%get3A_73] {strides = array<i32>} : memref<5120xf32, #tpu.memory_space<vmem>>, vector<16xf32>,
      %add3A_75 = arith.constant 20 : i32
      %add3A_76 = arith.addi %mul3A_72, %add3A_75 : i32
      %sub3A = arith.constant 16 : i32
      %sub3A_77 = arith.subi %add3A_76, %sub3A : i32
      %get3A_78 = arith.index_cast %sub3A_77 : i32 to index
      %get3A_79 = tpu.vector_load %arg11[%get3A_78] {strides = array<i32>} : memref<5120xf32, #tpu.memory_space<vmem>>, vector<16xf32>,
      %slice3A = vector.extract_strided_slice %get3A_74 {offsets = [0], sizes = [1], strides = [1]} : vector<16xf32> to vector<1xf32>
      %squeeze3A = vector.extract %slice3A[0] : f32 from vector<1xf32>
      %broadcast_in_dim3A = vector.broadcast %squeeze3A : f32 to vector<16xf32>
      %slice3A_80 = vector.extract_strided_slice %get3A_74 {offsets = [1], sizes = [1], strides = [1]} : vector<16xf32> to vector<1xf32>
      %squeeze3A_81 = vector.extract %slice3A_80[0] : f32 from vector<1xf32>
      %broadcast_in_dim3A_82 = vector.broadcast %squeeze3A_81 : f32 to vector<16xf32>
      %slice3A_83 = vector.extract_strided_slice %get3A_74 {offsets = [2], sizes = [1], strides = [1]} : vector<16xf32> to vector<1xf32>
      %squeeze3A_84 = vector.extract %slice3A_83[0] : f32 from vector<1xf32>
      %broadcast_in_dim3A_85 = vector.broadcast %squeeze3A_84 : f32 to vector<16xf32>
      %slice3A_86 = vector.extract_strided_slice %get3A_74 {offsets = [3], sizes = [1], strides = [1]} : vector<16xf32> to vector<1xf32>
      %squeeze3A_87 = vector.extract %slice3A_86[0] : f32 from vector<1xf32>
      %broadcast_in_dim3A_88 = vector.broadcast %squeeze3A_87 : f32 to vector<16xf32>
      %slice3A_89 = vector.extract_strided_slice %get3A_74 {offsets = [4], sizes = [1], strides = [1]} : vector<16xf32> to vector<1xf32>
      %squeeze3A_90 = vector.extract %slice3A_89[0] : f32 from vector<1xf32>
      %broadcast_in_dim3A_91 = vector.broadcast %squeeze3A_90 : f32 to vector<16xf32>
      %slice3A_92 = vector.extract_strided_slice %get3A_74 {offsets = [5], sizes = [1], strides = [1]} : vector<16xf32> to vector<1xf32>
      %squeeze3A_93 = vector.extract %slice3A_92[0] : f32 from vector<1xf32>
      %broadcast_in_dim3A_94 = vector.broadcast %squeeze3A_93 : f32 to vector<16xf32>
      %slice3A_95 = vector.extract_strided_slice %get3A_74 {offsets = [6], sizes = [1], strides = [1]} : vector<16xf32> to vector<1xf32>
      %squeeze3A_96 = vector.extract %slice3A_95[0] : f32 from vector<1xf32>
      %broadcast_in_dim3A_97 = vector.broadcast %squeeze3A_96 : f32 to vector<16xf32>
      %slice3A_98 = vector.extract_strided_slice %get3A_74 {offsets = [7], sizes = [1], strides = [1]} : vector<16xf32> to vector<1xf32>
      %squeeze3A_99 = vector.extract %slice3A_98[0] : f32 from vector<1xf32>
      %broadcast_in_dim3A_100 = vector.broadcast %squeeze3A_99 : f32 to vector<16xf32>
      %slice3A_101 = vector.extract_strided_slice %get3A_74 {offsets = [8], sizes = [1], strides = [1]} : vector<16xf32> to vector<1xf32>
      %squeeze3A_102 = vector.extract %slice3A_101[0] : f32 from vector<1xf32>
      %broadcast_in_dim3A_103 = vector.broadcast %squeeze3A_102 : f32 to vector<16xf32>
      %slice3A_104 = vector.extract_strided_slice %get3A_74 {offsets = [9], sizes = [1], strides = [1]} : vector<16xf32> to vector<1xf32>
      %squeeze3A_105 = vector.extract %slice3A_104[0] : f32 from vector<1xf32>
      %broadcast_in_dim3A_106 = vector.broadcast %squeeze3A_105 : f32 to vector<16xf32>
      %slice3A_107 = vector.extract_strided_slice %get3A_74 {offsets = [10], sizes = [1], strides = [1]} : vector<16xf32> to vector<1xf32>
      %squeeze3A_108 = vector.extract %slice3A_107[0] : f32 from vector<1xf32>
      %broadcast_in_dim3A_109 = vector.broadcast %squeeze3A_108 : f32 to vector<16xf32>
      %slice3A_110 = vector.extract_strided_slice %get3A_74 {offsets = [11], sizes = [1], strides = [1]} : vector<16xf32> to vector<1xf32>
      %squeeze3A_111 = vector.extract %slice3A_110[0] : f32 from vector<1xf32>
      %broadcast_in_dim3A_112 = vector.broadcast %squeeze3A_111 : f32 to vector<16xf32>
      %slice3A_113 = vector.extract_strided_slice %get3A_74 {offsets = [12], sizes = [1], strides = [1]} : vector<16xf32> to vector<1xf32>
      %squeeze3A_114 = vector.extract %slice3A_113[0] : f32 from vector<1xf32>
      %broadcast_in_dim3A_115 = vector.broadcast %squeeze3A_114 : f32 to vector<16xf32>
      %slice3A_116 = vector.extract_strided_slice %get3A_74 {offsets = [13], sizes = [1], strides = [1]} : vector<16xf32> to vector<1xf32>
      %squeeze3A_117 = vector.extract %slice3A_116[0] : f32 from vector<1xf32>
      %broadcast_in_dim3A_118 = vector.broadcast %squeeze3A_117 : f32 to vector<16xf32>
      %slice3A_119 = vector.extract_strided_slice %get3A_74 {offsets = [14], sizes = [1], strides = [1]} : vector<16xf32> to vector<1xf32>
      %squeeze3A_120 = vector.extract %slice3A_119[0] : f32 from vector<1xf32>
      %broadcast_in_dim3A_121 = vector.broadcast %squeeze3A_120 : f32 to vector<16xf32>
      %slice3A_122 = vector.extract_strided_slice %get3A_74 {offsets = [15], sizes = [1], strides = [1]} : vector<16xf32> to vector<1xf32>
      %squeeze3A_123 = vector.extract %slice3A_122[0] : f32 from vector<1xf32>
      %broadcast_in_dim3A_124 = vector.broadcast %squeeze3A_123 : f32 to vector<16xf32>
      %slice3A_125 = vector.extract_strided_slice %get3A_79 {offsets = [12], sizes = [1], strides = [1]} : vector<16xf32> to vector<1xf32>
      %squeeze3A_126 = vector.extract %slice3A_125[0] : f32 from vector<1xf32>
      %broadcast_in_dim3A_127 = vector.broadcast %squeeze3A_126 : f32 to vector<16xf32>
      %slice3A_128 = vector.extract_strided_slice %get3A_79 {offsets = [13], sizes = [1], strides = [1]} : vector<16xf32> to vector<1xf32>
      %squeeze3A_129 = vector.extract %slice3A_128[0] : f32 from vector<1xf32>
      %broadcast_in_dim3A_130 = vector.broadcast %squeeze3A_129 : f32 to vector<16xf32>
      %slice3A_131 = vector.extract_strided_slice %get3A_79 {offsets = [14], sizes = [1], strides = [1]} : vector<16xf32> to vector<1xf32>
      %squeeze3A_132 = vector.extract %slice3A_131[0] : f32 from vector<1xf32>
      %broadcast_in_dim3A_133 = vector.broadcast %squeeze3A_132 : f32 to vector<16xf32>
      %slice3A_134 = vector.extract_strided_slice %get3A_79 {offsets = [15], sizes = [1], strides = [1]} : vector<16xf32> to vector<1xf32>
      %squeeze3A_135 = vector.extract %slice3A_134[0] : f32 from vector<1xf32>
      %broadcast_in_dim3A_136 = vector.broadcast %squeeze3A_135 : f32 to vector<16xf32>
      %scan3A_137 = arith.constant 0 : i32
      %scan3A_138 = arith.constant 0 : i32
      %scan3A_139 = arith.constant 48 : i32
      %scan3A_140 = arith.addi %scan3A_138, %scan3A_139 : i32
      %scan3A_141 = arith.constant 1 : i32
      scf.for %scan3A_746 = %scan3A_138 to %scan3A_140 step %scan3A_141  : i32 {
        %mul3A_747 = arith.constant 16 : i32
        %mul3A_748 = arith.muli %scan3A_746, %mul3A_747 : i32
        %broadcast_in_dim3A_749 = arith.constant 0.000000e+00 : f32
        %broadcast_in_dim3A_750 = vector.broadcast %broadcast_in_dim3A_749 : f32 to vector<16xf32>
        %broadcast_in_dim3A_751 = arith.constant 0.000000e+00 : f32
        %broadcast_in_dim3A_752 = vector.broadcast %broadcast_in_dim3A_751 : f32 to vector<16xf32>
        %get3A_753 = arith.constant 0 : i32
        %get3A_754 = arith.constant 0 : i32
        %get3A_755 = arith.index_cast %get3A_753 : i32 to index
        %get3A_756 = arith.index_cast %get3A_754 : i32 to index
        %get3A_757 = arith.index_cast %mul3A_748 : i32 to index
        %get3A_758 = tpu.vector_load %arg7[%get3A_755, %get3A_756, %get3A_757] {strides = array<i32>} : memref<10x4x768xf32, #tpu.memory_space<vmem>>, vector<16xf32>,
        %mul3A_759 = arith.mulf %broadcast_in_dim3A, %get3A_758 : vector<16xf32>
        %add3A_760 = arith.addf %broadcast_in_dim3A_750, %mul3A_759 : vector<16xf32>
        %mul3A_761 = arith.mulf %broadcast_in_dim3A_82, %get3A_758 : vector<16xf32>
        %add3A_762 = arith.addf %broadcast_in_dim3A_752, %mul3A_761 : vector<16xf32>
        %get3A_763 = arith.constant 1 : i32
        %get3A_764 = arith.constant 0 : i32
        %get3A_765 = arith.index_cast %get3A_763 : i32 to index
        %get3A_766 = arith.index_cast %get3A_764 : i32 to index
        %get3A_767 = arith.index_cast %mul3A_748 : i32 to index
        %get3A_768 = tpu.vector_load %arg7[%get3A_765, %get3A_766, %get3A_767] {strides = array<i32>} : memref<10x4x768xf32, #tpu.memory_space<vmem>>, vector<16xf32>,
        %mul3A_769 = arith.mulf %broadcast_in_dim3A_85, %get3A_768 : vector<16xf32>
        %add3A_770 = arith.addf %add3A_760, %mul3A_769 : vector<16xf32>
        %mul3A_771 = arith.mulf %broadcast_in_dim3A_88, %get3A_768 : vector<16xf32>
        %add3A_772 = arith.addf %add3A_762, %mul3A_771 : vector<16xf32>
        %get3A_773 = arith.constant 2 : i32
        %get3A_774 = arith.constant 0 : i32
        %get3A_775 = arith.index_cast %get3A_773 : i32 to index
        %get3A_776 = arith.index_cast %get3A_774 : i32 to index
        %get3A_777 = arith.index_cast %mul3A_748 : i32 to index
        %get3A_778 = tpu.vector_load %arg7[%get3A_775, %get3A_776, %get3A_777] {strides = array<i32>} : memref<10x4x768xf32, #tpu.memory_space<vmem>>, vector<16xf32>,
        %mul3A_779 = arith.mulf %broadcast_in_dim3A_91, %get3A_778 : vector<16xf32>
        %add3A_780 = arith.addf %add3A_770, %mul3A_779 : vector<16xf32>
        %mul3A_781 = arith.mulf %broadcast_in_dim3A_94, %get3A_778 : vector<16xf32>
        %add3A_782 = arith.addf %add3A_772, %mul3A_781 : vector<16xf32>
        %get3A_783 = arith.constant 3 : i32
        %get3A_784 = arith.constant 0 : i32
        %get3A_785 = arith.index_cast %get3A_783 : i32 to index
        %get3A_786 = arith.index_cast %get3A_784 : i32 to index
        %get3A_787 = arith.index_cast %mul3A_748 : i32 to index
        %get3A_788 = tpu.vector_load %arg7[%get3A_785, %get3A_786, %get3A_787] {strides = array<i32>} : memref<10x4x768xf32, #tpu.memory_space<vmem>>, vector<16xf32>,
        %mul3A_789 = arith.mulf %broadcast_in_dim3A_97, %get3A_788 : vector<16xf32>
        %add3A_790 = arith.addf %add3A_780, %mul3A_789 : vector<16xf32>
        %mul3A_791 = arith.mulf %broadcast_in_dim3A_100, %get3A_788 : vector<16xf32>
        %add3A_792 = arith.addf %add3A_782, %mul3A_791 : vector<16xf32>
        %get3A_793 = arith.constant 4 : i32
        %get3A_794 = arith.constant 0 : i32
        %get3A_795 = arith.index_cast %get3A_793 : i32 to index
        %get3A_796 = arith.index_cast %get3A_794 : i32 to index
        %get3A_797 = arith.index_cast %mul3A_748 : i32 to index
        %get3A_798 = tpu.vector_load %arg7[%get3A_795, %get3A_796, %get3A_797] {strides = array<i32>} : memref<10x4x768xf32, #tpu.memory_space<vmem>>, vector<16xf32>,
        %mul3A_799 = arith.mulf %broadcast_in_dim3A_103, %get3A_798 : vector<16xf32>
        %add3A_800 = arith.addf %add3A_790, %mul3A_799 : vector<16xf32>
        %mul3A_801 = arith.mulf %broadcast_in_dim3A_106, %get3A_798 : vector<16xf32>
        %add3A_802 = arith.addf %add3A_792, %mul3A_801 : vector<16xf32>
        %get3A_803 = arith.constant 5 : i32
        %get3A_804 = arith.constant 0 : i32
        %get3A_805 = arith.index_cast %get3A_803 : i32 to index
        %get3A_806 = arith.index_cast %get3A_804 : i32 to index
        %get3A_807 = arith.index_cast %mul3A_748 : i32 to index
        %get3A_808 = tpu.vector_load %arg7[%get3A_805, %get3A_806, %get3A_807] {strides = array<i32>} : memref<10x4x768xf32, #tpu.memory_space<vmem>>, vector<16xf32>,
        %mul3A_809 = arith.mulf %broadcast_in_dim3A_109, %get3A_808 : vector<16xf32>
        %add3A_810 = arith.addf %add3A_800, %mul3A_809 : vector<16xf32>
        %mul3A_811 = arith.mulf %broadcast_in_dim3A_112, %get3A_808 : vector<16xf32>
        %add3A_812 = arith.addf %add3A_802, %mul3A_811 : vector<16xf32>
        %get3A_813 = arith.constant 6 : i32
        %get3A_814 = arith.constant 0 : i32
        %get3A_815 = arith.index_cast %get3A_813 : i32 to index
        %get3A_816 = arith.index_cast %get3A_814 : i32 to index
        %get3A_817 = arith.index_cast %mul3A_748 : i32 to index
        %get3A_818 = tpu.vector_load %arg7[%get3A_815, %get3A_816, %get3A_817] {strides = array<i32>} : memref<10x4x768xf32, #tpu.memory_space<vmem>>, vector<16xf32>,
        %mul3A_819 = arith.mulf %broadcast_in_dim3A_115, %get3A_818 : vector<16xf32>
        %add3A_820 = arith.addf %add3A_810, %mul3A_819 : vector<16xf32>
        %mul3A_821 = arith.mulf %broadcast_in_dim3A_118, %get3A_818 : vector<16xf32>
        %add3A_822 = arith.addf %add3A_812, %mul3A_821 : vector<16xf32>
        %get3A_823 = arith.constant 7 : i32
        %get3A_824 = arith.constant 0 : i32
        %get3A_825 = arith.index_cast %get3A_823 : i32 to index
        %get3A_826 = arith.index_cast %get3A_824 : i32 to index
        %get3A_827 = arith.index_cast %mul3A_748 : i32 to index
        %get3A_828 = tpu.vector_load %arg7[%get3A_825, %get3A_826, %get3A_827] {strides = array<i32>} : memref<10x4x768xf32, #tpu.memory_space<vmem>>, vector<16xf32>,
        %mul3A_829 = arith.mulf %broadcast_in_dim3A_121, %get3A_828 : vector<16xf32>
        %add3A_830 = arith.addf %add3A_820, %mul3A_829 : vector<16xf32>
        %mul3A_831 = arith.mulf %broadcast_in_dim3A_124, %get3A_828 : vector<16xf32>
        %add3A_832 = arith.addf %add3A_822, %mul3A_831 : vector<16xf32>
        %get3A_833 = arith.constant 8 : i32
        %get3A_834 = arith.constant 0 : i32
        %get3A_835 = arith.index_cast %get3A_833 : i32 to index
        %get3A_836 = arith.index_cast %get3A_834 : i32 to index
        %get3A_837 = arith.index_cast %mul3A_748 : i32 to index
        %get3A_838 = tpu.vector_load %arg7[%get3A_835, %get3A_836, %get3A_837] {strides = array<i32>} : memref<10x4x768xf32, #tpu.memory_space<vmem>>, vector<16xf32>,
        %mul3A_839 = arith.mulf %broadcast_in_dim3A_127, %get3A_838 : vector<16xf32>
        %add3A_840 = arith.addf %add3A_830, %mul3A_839 : vector<16xf32>
        %mul3A_841 = arith.mulf %broadcast_in_dim3A_130, %get3A_838 : vector<16xf32>
        %add3A_842 = arith.addf %add3A_832, %mul3A_841 : vector<16xf32>
        %get3A_843 = arith.constant 9 : i32
        %get3A_844 = arith.constant 0 : i32
        %get3A_845 = arith.index_cast %get3A_843 : i32 to index
        %get3A_846 = arith.index_cast %get3A_844 : i32 to index
        %get3A_847 = arith.index_cast %mul3A_748 : i32 to index
        %get3A_848 = tpu.vector_load %arg7[%get3A_845, %get3A_846, %get3A_847] {strides = array<i32>} : memref<10x4x768xf32, #tpu.memory_space<vmem>>, vector<16xf32>,
        %mul3A_849 = arith.mulf %broadcast_in_dim3A_133, %get3A_848 : vector<16xf32>
        %add3A_850 = arith.addf %add3A_840, %mul3A_849 : vector<16xf32>
        %mul3A_851 = arith.mulf %broadcast_in_dim3A_136, %get3A_848 : vector<16xf32>
        %add3A_852 = arith.addf %add3A_842, %mul3A_851 : vector<16xf32>
        %swap3A = arith.constant 0 : i32
        %swap3A_853 = arith.constant 0 : i32
        %swap3A_854 = arith.index_cast %swap3A : i32 to index
        %swap3A_855 = arith.index_cast %swap3A_853 : i32 to index
        %swap3A_856 = arith.index_cast %mul3A_748 : i32 to index
        %swap3A_857 = tpu.vector_load %arg9[%swap3A_854, %swap3A_855, %swap3A_856] {strides = array<i32>} : memref<4x2x768xf32, #tpu.memory_space<vmem>>, vector<16xf32>,
        tpu.vector_store %arg9[%swap3A_854, %swap3A_855, %swap3A_856], %add3A_850 {strides = array<i32>} : memref<4x2x768xf32, #tpu.memory_space<vmem>>, vector<16xf32>,
        %swap3A_858 = arith.constant 0 : i32
        %swap3A_859 = arith.constant 1 : i32
        %swap3A_860 = arith.index_cast %swap3A_858 : i32 to index
        %swap3A_861 = arith.index_cast %swap3A_859 : i32 to index
        %swap3A_862 = arith.index_cast %mul3A_748 : i32 to index
        %swap3A_863 = tpu.vector_load %arg9[%swap3A_860, %swap3A_861, %swap3A_862] {strides = array<i32>} : memref<4x2x768xf32, #tpu.memory_space<vmem>>, vector<16xf32>,
        tpu.vector_store %arg9[%swap3A_860, %swap3A_861, %swap3A_862], %add3A_852 {strides = array<i32>} : memref<4x2x768xf32, #tpu.memory_space<vmem>>, vector<16xf32>,
      }
      %scan3A_142 = arith.constant 48 : i32
      %mul3A_143 = arith.constant 4 : i32
      %mul3A_144 = arith.muli %add3A_49, %mul3A_143 : i32
      %add3A_145 = arith.constant 1 : i32
      %add3A_146 = arith.addi %mul3A_144, %add3A_145 : i32
      %mul3A_147 = arith.constant 20 : i32
      %mul3A_148 = arith.muli %add3A_146, %mul3A_147 : i32
      %get3A_149 = arith.index_cast %mul3A_148 : i32 to index
      %get3A_150 = tpu.vector_load %arg11[%get3A_149] {strides = array<i32>} : memref<5120xf32, #tpu.memory_space<vmem>>, vector<16xf32>,
      %add3A_151 = arith.constant 20 : i32
      %add3A_152 = arith.addi %mul3A_148, %add3A_151 : i32
      %sub3A_153 = arith.constant 16 : i32
      %sub3A_154 = arith.subi %add3A_152, %sub3A_153 : i32
      %get3A_155 = arith.index_cast %sub3A_154 : i32 to index
      %get3A_156 = tpu.vector_load %arg11[%get3A_155] {strides = array<i32>} : memref<5120xf32, #tpu.memory_space<vmem>>, vector<16xf32>,
      %slice3A_157 = vector.extract_strided_slice %get3A_150 {offsets = [0], sizes = [1], strides = [1]} : vector<16xf32> to vector<1xf32>
      %squeeze3A_158 = vector.extract %slice3A_157[0] : f32 from vector<1xf32>
      %broadcast_in_dim3A_159 = vector.broadcast %squeeze3A_158 : f32 to vector<16xf32>
      %slice3A_160 = vector.extract_strided_slice %get3A_150 {offsets = [1], sizes = [1], strides = [1]} : vector<16xf32> to vector<1xf32>
      %squeeze3A_161 = vector.extract %slice3A_160[0] : f32 from vector<1xf32>
      %broadcast_in_dim3A_162 = vector.broadcast %squeeze3A_161 : f32 to vector<16xf32>
      %slice3A_163 = vector.extract_strided_slice %get3A_150 {offsets = [2], sizes = [1], strides = [1]} : vector<16xf32> to vector<1xf32>
      %squeeze3A_164 = vector.extract %slice3A_163[0] : f32 from vector<1xf32>
      %broadcast_in_dim3A_165 = vector.broadcast %squeeze3A_164 : f32 to vector<16xf32>
      %slice3A_166 = vector.extract_strided_slice %get3A_150 {offsets = [3], sizes = [1], strides = [1]} : vector<16xf32> to vector<1xf32>
      %squeeze3A_167 = vector.extract %slice3A_166[0] : f32 from vector<1xf32>
      %broadcast_in_dim3A_168 = vector.broadcast %squeeze3A_167 : f32 to vector<16xf32>
      %slice3A_169 = vector.extract_strided_slice %get3A_150 {offsets = [4], sizes = [1], strides = [1]} : vector<16xf32> to vector<1xf32>
      %squeeze3A_170 = vector.extract %slice3A_169[0] : f32 from vector<1xf32>
      %broadcast_in_dim3A_171 = vector.broadcast %squeeze3A_170 : f32 to vector<16xf32>
      %slice3A_172 = vector.extract_strided_slice %get3A_150 {offsets = [5], sizes = [1], strides = [1]} : vector<16xf32> to vector<1xf32>
      %squeeze3A_173 = vector.extract %slice3A_172[0] : f32 from vector<1xf32>
      %broadcast_in_dim3A_174 = vector.broadcast %squeeze3A_173 : f32 to vector<16xf32>
      %slice3A_175 = vector.extract_strided_slice %get3A_150 {offsets = [6], sizes = [1], strides = [1]} : vector<16xf32> to vector<1xf32>
      %squeeze3A_176 = vector.extract %slice3A_175[0] : f32 from vector<1xf32>
      %broadcast_in_dim3A_177 = vector.broadcast %squeeze3A_176 : f32 to vector<16xf32>
      %slice3A_178 = vector.extract_strided_slice %get3A_150 {offsets = [7], sizes = [1], strides = [1]} : vector<16xf32> to vector<1xf32>
      %squeeze3A_179 = vector.extract %slice3A_178[0] : f32 from vector<1xf32>
      %broadcast_in_dim3A_180 = vector.broadcast %squeeze3A_179 : f32 to vector<16xf32>
      %slice3A_181 = vector.extract_strided_slice %get3A_150 {offsets = [8], sizes = [1], strides = [1]} : vector<16xf32> to vector<1xf32>
      %squeeze3A_182 = vector.extract %slice3A_181[0] : f32 from vector<1xf32>
      %broadcast_in_dim3A_183 = vector.broadcast %squeeze3A_182 : f32 to vector<16xf32>
      %slice3A_184 = vector.extract_strided_slice %get3A_150 {offsets = [9], sizes = [1], strides = [1]} : vector<16xf32> to vector<1xf32>
      %squeeze3A_185 = vector.extract %slice3A_184[0] : f32 from vector<1xf32>
      %broadcast_in_dim3A_186 = vector.broadcast %squeeze3A_185 : f32 to vector<16xf32>
      %slice3A_187 = vector.extract_strided_slice %get3A_150 {offsets = [10], sizes = [1], strides = [1]} : vector<16xf32> to vector<1xf32>
      %squeeze3A_188 = vector.extract %slice3A_187[0] : f32 from vector<1xf32>
      %broadcast_in_dim3A_189 = vector.broadcast %squeeze3A_188 : f32 to vector<16xf32>
      %slice3A_190 = vector.extract_strided_slice %get3A_150 {offsets = [11], sizes = [1], strides = [1]} : vector<16xf32> to vector<1xf32>
      %squeeze3A_191 = vector.extract %slice3A_190[0] : f32 from vector<1xf32>
      %broadcast_in_dim3A_192 = vector.broadcast %squeeze3A_191 : f32 to vector<16xf32>
      %slice3A_193 = vector.extract_strided_slice %get3A_150 {offsets = [12], sizes = [1], strides = [1]} : vector<16xf32> to vector<1xf32>
      %squeeze3A_194 = vector.extract %slice3A_193[0] : f32 from vector<1xf32>
      %broadcast_in_dim3A_195 = vector.broadcast %squeeze3A_194 : f32 to vector<16xf32>
      %slice3A_196 = vector.extract_strided_slice %get3A_150 {offsets = [13], sizes = [1], strides = [1]} : vector<16xf32> to vector<1xf32>
      %squeeze3A_197 = vector.extract %slice3A_196[0] : f32 from vector<1xf32>
      %broadcast_in_dim3A_198 = vector.broadcast %squeeze3A_197 : f32 to vector<16xf32>
      %slice3A_199 = vector.extract_strided_slice %get3A_150 {offsets = [14], sizes = [1], strides = [1]} : vector<16xf32> to vector<1xf32>
      %squeeze3A_200 = vector.extract %slice3A_199[0] : f32 from vector<1xf32>
      %broadcast_in_dim3A_201 = vector.broadcast %squeeze3A_200 : f32 to vector<16xf32>
      %slice3A_202 = vector.extract_strided_slice %get3A_150 {offsets = [15], sizes = [1], strides = [1]} : vector<16xf32> to vector<1xf32>
      %squeeze3A_203 = vector.extract %slice3A_202[0] : f32 from vector<1xf32>
      %broadcast_in_dim3A_204 = vector.broadcast %squeeze3A_203 : f32 to vector<16xf32>
      %slice3A_205 = vector.extract_strided_slice %get3A_156 {offsets = [12], sizes = [1], strides = [1]} : vector<16xf32> to vector<1xf32>
      %squeeze3A_206 = vector.extract %slice3A_205[0] : f32 from vector<1xf32>
      %broadcast_in_dim3A_207 = vector.broadcast %squeeze3A_206 : f32 to vector<16xf32>
      %slice3A_208 = vector.extract_strided_slice %get3A_156 {offsets = [13], sizes = [1], strides = [1]} : vector<16xf32> to vector<1xf32>
      %squeeze3A_209 = vector.extract %slice3A_208[0] : f32 from vector<1xf32>
      %broadcast_in_dim3A_210 = vector.broadcast %squeeze3A_209 : f32 to vector<16xf32>
      %slice3A_211 = vector.extract_strided_slice %get3A_156 {offsets = [14], sizes = [1], strides = [1]} : vector<16xf32> to vector<1xf32>
      %squeeze3A_212 = vector.extract %slice3A_211[0] : f32 from vector<1xf32>
      %broadcast_in_dim3A_213 = vector.broadcast %squeeze3A_212 : f32 to vector<16xf32>
      %slice3A_214 = vector.extract_strided_slice %get3A_156 {offsets = [15], sizes = [1], strides = [1]} : vector<16xf32> to vector<1xf32>
      %squeeze3A_215 = vector.extract %slice3A_214[0] : f32 from vector<1xf32>
      %broadcast_in_dim3A_216 = vector.broadcast %squeeze3A_215 : f32 to vector<16xf32>
      %scan3A_217 = arith.constant 0 : i32
      %scan3A_218 = arith.constant 0 : i32
      %scan3A_219 = arith.constant 48 : i32
      %scan3A_220 = arith.addi %scan3A_218, %scan3A_219 : i32
      %scan3A_221 = arith.constant 1 : i32
      scf.for %scan3A_746 = %scan3A_218 to %scan3A_220 step %scan3A_221  : i32 {
        %mul3A_747 = arith.constant 16 : i32
        %mul3A_748 = arith.muli %scan3A_746, %mul3A_747 : i32
        %broadcast_in_dim3A_749 = arith.constant 0.000000e+00 : f32
        %broadcast_in_dim3A_750 = vector.broadcast %broadcast_in_dim3A_749 : f32 to vector<16xf32>
        %broadcast_in_dim3A_751 = arith.constant 0.000000e+00 : f32
        %broadcast_in_dim3A_752 = vector.broadcast %broadcast_in_dim3A_751 : f32 to vector<16xf32>
        %get3A_753 = arith.constant 0 : i32
        %get3A_754 = arith.constant 1 : i32
        %get3A_755 = arith.index_cast %get3A_753 : i32 to index
        %get3A_756 = arith.index_cast %get3A_754 : i32 to index
        %get3A_757 = arith.index_cast %mul3A_748 : i32 to index
        %get3A_758 = tpu.vector_load %arg7[%get3A_755, %get3A_756, %get3A_757] {strides = array<i32>} : memref<10x4x768xf32, #tpu.memory_space<vmem>>, vector<16xf32>,
        %mul3A_759 = arith.mulf %broadcast_in_dim3A_159, %get3A_758 : vector<16xf32>
        %add3A_760 = arith.addf %broadcast_in_dim3A_750, %mul3A_759 : vector<16xf32>
        %mul3A_761 = arith.mulf %broadcast_in_dim3A_162, %get3A_758 : vector<16xf32>
        %add3A_762 = arith.addf %broadcast_in_dim3A_752, %mul3A_761 : vector<16xf32>
        %get3A_763 = arith.constant 1 : i32
        %get3A_764 = arith.constant 1 : i32
        %get3A_765 = arith.index_cast %get3A_763 : i32 to index
        %get3A_766 = arith.index_cast %get3A_764 : i32 to index
        %get3A_767 = arith.index_cast %mul3A_748 : i32 to index
        %get3A_768 = tpu.vector_load %arg7[%get3A_765, %get3A_766, %get3A_767] {strides = array<i32>} : memref<10x4x768xf32, #tpu.memory_space<vmem>>, vector<16xf32>,
        %mul3A_769 = arith.mulf %broadcast_in_dim3A_165, %get3A_768 : vector<16xf32>
        %add3A_770 = arith.addf %add3A_760, %mul3A_769 : vector<16xf32>
        %mul3A_771 = arith.mulf %broadcast_in_dim3A_168, %get3A_768 : vector<16xf32>
        %add3A_772 = arith.addf %add3A_762, %mul3A_771 : vector<16xf32>
        %get3A_773 = arith.constant 2 : i32
        %get3A_774 = arith.constant 1 : i32
        %get3A_775 = arith.index_cast %get3A_773 : i32 to index
        %get3A_776 = arith.index_cast %get3A_774 : i32 to index
        %get3A_777 = arith.index_cast %mul3A_748 : i32 to index
        %get3A_778 = tpu.vector_load %arg7[%get3A_775, %get3A_776, %get3A_777] {strides = array<i32>} : memref<10x4x768xf32, #tpu.memory_space<vmem>>, vector<16xf32>,
        %mul3A_779 = arith.mulf %broadcast_in_dim3A_171, %get3A_778 : vector<16xf32>
        %add3A_780 = arith.addf %add3A_770, %mul3A_779 : vector<16xf32>
        %mul3A_781 = arith.mulf %broadcast_in_dim3A_174, %get3A_778 : vector<16xf32>
        %add3A_782 = arith.addf %add3A_772, %mul3A_781 : vector<16xf32>
        %get3A_783 = arith.constant 3 : i32
        %get3A_784 = arith.constant 1 : i32
        %get3A_785 = arith.index_cast %get3A_783 : i32 to index
        %get3A_786 = arith.index_cast %get3A_784 : i32 to index
        %get3A_787 = arith.index_cast %mul3A_748 : i32 to index
        %get3A_788 = tpu.vector_load %arg7[%get3A_785, %get3A_786, %get3A_787] {strides = array<i32>} : memref<10x4x768xf32, #tpu.memory_space<vmem>>, vector<16xf32>,
        %mul3A_789 = arith.mulf %broadcast_in_dim3A_177, %get3A_788 : vector<16xf32>
        %add3A_790 = arith.addf %add3A_780, %mul3A_789 : vector<16xf32>
        %mul3A_791 = arith.mulf %broadcast_in_dim3A_180, %get3A_788 : vector<16xf32>
        %add3A_792 = arith.addf %add3A_782, %mul3A_791 : vector<16xf32>
        %get3A_793 = arith.constant 4 : i32
        %get3A_794 = arith.constant 1 : i32
        %get3A_795 = arith.index_cast %get3A_793 : i32 to index
        %get3A_796 = arith.index_cast %get3A_794 : i32 to index
        %get3A_797 = arith.index_cast %mul3A_748 : i32 to index
        %get3A_798 = tpu.vector_load %arg7[%get3A_795, %get3A_796, %get3A_797] {strides = array<i32>} : memref<10x4x768xf32, #tpu.memory_space<vmem>>, vector<16xf32>,
        %mul3A_799 = arith.mulf %broadcast_in_dim3A_183, %get3A_798 : vector<16xf32>
        %add3A_800 = arith.addf %add3A_790, %mul3A_799 : vector<16xf32>
        %mul3A_801 = arith.mulf %broadcast_in_dim3A_186, %get3A_798 : vector<16xf32>
        %add3A_802 = arith.addf %add3A_792, %mul3A_801 : vector<16xf32>
        %get3A_803 = arith.constant 5 : i32
        %get3A_804 = arith.constant 1 : i32
        %get3A_805 = arith.index_cast %get3A_803 : i32 to index
        %get3A_806 = arith.index_cast %get3A_804 : i32 to index
        %get3A_807 = arith.index_cast %mul3A_748 : i32 to index
        %get3A_808 = tpu.vector_load %arg7[%get3A_805, %get3A_806, %get3A_807] {strides = array<i32>} : memref<10x4x768xf32, #tpu.memory_space<vmem>>, vector<16xf32>,
        %mul3A_809 = arith.mulf %broadcast_in_dim3A_189, %get3A_808 : vector<16xf32>
        %add3A_810 = arith.addf %add3A_800, %mul3A_809 : vector<16xf32>
        %mul3A_811 = arith.mulf %broadcast_in_dim3A_192, %get3A_808 : vector<16xf32>
        %add3A_812 = arith.addf %add3A_802, %mul3A_811 : vector<16xf32>
        %get3A_813 = arith.constant 6 : i32
        %get3A_814 = arith.constant 1 : i32
        %get3A_815 = arith.index_cast %get3A_813 : i32 to index
        %get3A_816 = arith.index_cast %get3A_814 : i32 to index
        %get3A_817 = arith.index_cast %mul3A_748 : i32 to index
        %get3A_818 = tpu.vector_load %arg7[%get3A_815, %get3A_816, %get3A_817] {strides = array<i32>} : memref<10x4x768xf32, #tpu.memory_space<vmem>>, vector<16xf32>,
        %mul3A_819 = arith.mulf %broadcast_in_dim3A_195, %get3A_818 : vector<16xf32>
        %add3A_820 = arith.addf %add3A_810, %mul3A_819 : vector<16xf32>
        %mul3A_821 = arith.mulf %broadcast_in_dim3A_198, %get3A_818 : vector<16xf32>
        %add3A_822 = arith.addf %add3A_812, %mul3A_821 : vector<16xf32>
        %get3A_823 = arith.constant 7 : i32
        %get3A_824 = arith.constant 1 : i32
        %get3A_825 = arith.index_cast %get3A_823 : i32 to index
        %get3A_826 = arith.index_cast %get3A_824 : i32 to index
        %get3A_827 = arith.index_cast %mul3A_748 : i32 to index
        %get3A_828 = tpu.vector_load %arg7[%get3A_825, %get3A_826, %get3A_827] {strides = array<i32>} : memref<10x4x768xf32, #tpu.memory_space<vmem>>, vector<16xf32>,
        %mul3A_829 = arith.mulf %broadcast_in_dim3A_201, %get3A_828 : vector<16xf32>
        %add3A_830 = arith.addf %add3A_820, %mul3A_829 : vector<16xf32>
        %mul3A_831 = arith.mulf %broadcast_in_dim3A_204, %get3A_828 : vector<16xf32>
        %add3A_832 = arith.addf %add3A_822, %mul3A_831 : vector<16xf32>
        %get3A_833 = arith.constant 8 : i32
        %get3A_834 = arith.constant 1 : i32
        %get3A_835 = arith.index_cast %get3A_833 : i32 to index
        %get3A_836 = arith.index_cast %get3A_834 : i32 to index
        %get3A_837 = arith.index_cast %mul3A_748 : i32 to index
        %get3A_838 = tpu.vector_load %arg7[%get3A_835, %get3A_836, %get3A_837] {strides = array<i32>} : memref<10x4x768xf32, #tpu.memory_space<vmem>>, vector<16xf32>,
        %mul3A_839 = arith.mulf %broadcast_in_dim3A_207, %get3A_838 : vector<16xf32>
        %add3A_840 = arith.addf %add3A_830, %mul3A_839 : vector<16xf32>
        %mul3A_841 = arith.mulf %broadcast_in_dim3A_210, %get3A_838 : vector<16xf32>
        %add3A_842 = arith.addf %add3A_832, %mul3A_841 : vector<16xf32>
        %get3A_843 = arith.constant 9 : i32
        %get3A_844 = arith.constant 1 : i32
        %get3A_845 = arith.index_cast %get3A_843 : i32 to index
        %get3A_846 = arith.index_cast %get3A_844 : i32 to index
        %get3A_847 = arith.index_cast %mul3A_748 : i32 to index
        %get3A_848 = tpu.vector_load %arg7[%get3A_845, %get3A_846, %get3A_847] {strides = array<i32>} : memref<10x4x768xf32, #tpu.memory_space<vmem>>, vector<16xf32>,
        %mul3A_849 = arith.mulf %broadcast_in_dim3A_213, %get3A_848 : vector<16xf32>
        %add3A_850 = arith.addf %add3A_840, %mul3A_849 : vector<16xf32>
        %mul3A_851 = arith.mulf %broadcast_in_dim3A_216, %get3A_848 : vector<16xf32>
        %add3A_852 = arith.addf %add3A_842, %mul3A_851 : vector<16xf32>
        %swap3A = arith.constant 1 : i32
        %swap3A_853 = arith.constant 0 : i32
        %swap3A_854 = arith.index_cast %swap3A : i32 to index
        %swap3A_855 = arith.index_cast %swap3A_853 : i32 to index
        %swap3A_856 = arith.index_cast %mul3A_748 : i32 to index
        %swap3A_857 = tpu.vector_load %arg9[%swap3A_854, %swap3A_855, %swap3A_856] {strides = array<i32>} : memref<4x2x768xf32, #tpu.memory_space<vmem>>, vector<16xf32>,
        tpu.vector_store %arg9[%swap3A_854, %swap3A_855, %swap3A_856], %add3A_850 {strides = array<i32>} : memref<4x2x768xf32, #tpu.memory_space<vmem>>, vector<16xf32>,
        %swap3A_858 = arith.constant 1 : i32
        %swap3A_859 = arith.constant 1 : i32
        %swap3A_860 = arith.index_cast %swap3A_858 : i32 to index
        %swap3A_861 = arith.index_cast %swap3A_859 : i32 to index
        %swap3A_862 = arith.index_cast %mul3A_748 : i32 to index
        %swap3A_863 = tpu.vector_load %arg9[%swap3A_860, %swap3A_861, %swap3A_862] {strides = array<i32>} : memref<4x2x768xf32, #tpu.memory_space<vmem>>, vector<16xf32>,
        tpu.vector_store %arg9[%swap3A_860, %swap3A_861, %swap3A_862], %add3A_852 {strides = array<i32>} : memref<4x2x768xf32, #tpu.memory_space<vmem>>, vector<16xf32>,
      }
      %scan3A_222 = arith.constant 48 : i32
      %mul3A_223 = arith.constant 4 : i32
      %mul3A_224 = arith.muli %add3A_49, %mul3A_223 : i32
      %add3A_225 = arith.constant 2 : i32
      %add3A_226 = arith.addi %mul3A_224, %add3A_225 : i32
      %mul3A_227 = arith.constant 20 : i32
      %mul3A_228 = arith.muli %add3A_226, %mul3A_227 : i32
      %get3A_229 = arith.index_cast %mul3A_228 : i32 to index
      %get3A_230 = tpu.vector_load %arg11[%get3A_229] {strides = array<i32>} : memref<5120xf32, #tpu.memory_space<vmem>>, vector<16xf32>,
      %add3A_231 = arith.constant 20 : i32
      %add3A_232 = arith.addi %mul3A_228, %add3A_231 : i32
      %sub3A_233 = arith.constant 16 : i32
      %sub3A_234 = arith.subi %add3A_232, %sub3A_233 : i32
      %get3A_235 = arith.index_cast %sub3A_234 : i32 to index
      %get3A_236 = tpu.vector_load %arg11[%get3A_235] {strides = array<i32>} : memref<5120xf32, #tpu.memory_space<vmem>>, vector<16xf32>,
      %slice3A_237 = vector.extract_strided_slice %get3A_230 {offsets = [0], sizes = [1], strides = [1]} : vector<16xf32> to vector<1xf32>
      %squeeze3A_238 = vector.extract %slice3A_237[0] : f32 from vector<1xf32>
      %broadcast_in_dim3A_239 = vector.broadcast %squeeze3A_238 : f32 to vector<16xf32>
      %slice3A_240 = vector.extract_strided_slice %get3A_230 {offsets = [1], sizes = [1], strides = [1]} : vector<16xf32> to vector<1xf32>
      %squeeze3A_241 = vector.extract %slice3A_240[0] : f32 from vector<1xf32>
      %broadcast_in_dim3A_242 = vector.broadcast %squeeze3A_241 : f32 to vector<16xf32>
      %slice3A_243 = vector.extract_strided_slice %get3A_230 {offsets = [2], sizes = [1], strides = [1]} : vector<16xf32> to vector<1xf32>
      %squeeze3A_244 = vector.extract %slice3A_243[0] : f32 from vector<1xf32>
      %broadcast_in_dim3A_245 = vector.broadcast %squeeze3A_244 : f32 to vector<16xf32>
      %slice3A_246 = vector.extract_strided_slice %get3A_230 {offsets = [3], sizes = [1], strides = [1]} : vector<16xf32> to vector<1xf32>
      %squeeze3A_247 = vector.extract %slice3A_246[0] : f32 from vector<1xf32>
      %broadcast_in_dim3A_248 = vector.broadcast %squeeze3A_247 : f32 to vector<16xf32>
      %slice3A_249 = vector.extract_strided_slice %get3A_230 {offsets = [4], sizes = [1], strides = [1]} : vector<16xf32> to vector<1xf32>
      %squeeze3A_250 = vector.extract %slice3A_249[0] : f32 from vector<1xf32>
      %broadcast_in_dim3A_251 = vector.broadcast %squeeze3A_250 : f32 to vector<16xf32>
      %slice3A_252 = vector.extract_strided_slice %get3A_230 {offsets = [5], sizes = [1], strides = [1]} : vector<16xf32> to vector<1xf32>
      %squeeze3A_253 = vector.extract %slice3A_252[0] : f32 from vector<1xf32>
      %broadcast_in_dim3A_254 = vector.broadcast %squeeze3A_253 : f32 to vector<16xf32>
      %slice3A_255 = vector.extract_strided_slice %get3A_230 {offsets = [6], sizes = [1], strides = [1]} : vector<16xf32> to vector<1xf32>
      %squeeze3A_256 = vector.extract %slice3A_255[0] : f32 from vector<1xf32>
      %broadcast_in_dim3A_257 = vector.broadcast %squeeze3A_256 : f32 to vector<16xf32>
      %slice3A_258 = vector.extract_strided_slice %get3A_230 {offsets = [7], sizes = [1], strides = [1]} : vector<16xf32> to vector<1xf32>
      %squeeze3A_259 = vector.extract %slice3A_258[0] : f32 from vector<1xf32>
      %broadcast_in_dim3A_260 = vector.broadcast %squeeze3A_259 : f32 to vector<16xf32>
      %slice3A_261 = vector.extract_strided_slice %get3A_230 {offsets = [8], sizes = [1], strides = [1]} : vector<16xf32> to vector<1xf32>
      %squeeze3A_262 = vector.extract %slice3A_261[0] : f32 from vector<1xf32>
      %broadcast_in_dim3A_263 = vector.broadcast %squeeze3A_262 : f32 to vector<16xf32>
      %slice3A_264 = vector.extract_strided_slice %get3A_230 {offsets = [9], sizes = [1], strides = [1]} : vector<16xf32> to vector<1xf32>
      %squeeze3A_265 = vector.extract %slice3A_264[0] : f32 from vector<1xf32>
      %broadcast_in_dim3A_266 = vector.broadcast %squeeze3A_265 : f32 to vector<16xf32>
      %slice3A_267 = vector.extract_strided_slice %get3A_230 {offsets = [10], sizes = [1], strides = [1]} : vector<16xf32> to vector<1xf32>
      %squeeze3A_268 = vector.extract %slice3A_267[0] : f32 from vector<1xf32>
      %broadcast_in_dim3A_269 = vector.broadcast %squeeze3A_268 : f32 to vector<16xf32>
      %slice3A_270 = vector.extract_strided_slice %get3A_230 {offsets = [11], sizes = [1], strides = [1]} : vector<16xf32> to vector<1xf32>
      %squeeze3A_271 = vector.extract %slice3A_270[0] : f32 from vector<1xf32>
      %broadcast_in_dim3A_272 = vector.broadcast %squeeze3A_271 : f32 to vector<16xf32>
      %slice3A_273 = vector.extract_strided_slice %get3A_230 {offsets = [12], sizes = [1], strides = [1]} : vector<16xf32> to vector<1xf32>
      %squeeze3A_274 = vector.extract %slice3A_273[0] : f32 from vector<1xf32>
      %broadcast_in_dim3A_275 = vector.broadcast %squeeze3A_274 : f32 to vector<16xf32>
      %slice3A_276 = vector.extract_strided_slice %get3A_230 {offsets = [13], sizes = [1], strides = [1]} : vector<16xf32> to vector<1xf32>
      %squeeze3A_277 = vector.extract %slice3A_276[0] : f32 from vector<1xf32>
      %broadcast_in_dim3A_278 = vector.broadcast %squeeze3A_277 : f32 to vector<16xf32>
      %slice3A_279 = vector.extract_strided_slice %get3A_230 {offsets = [14], sizes = [1], strides = [1]} : vector<16xf32> to vector<1xf32>
      %squeeze3A_280 = vector.extract %slice3A_279[0] : f32 from vector<1xf32>
      %broadcast_in_dim3A_281 = vector.broadcast %squeeze3A_280 : f32 to vector<16xf32>
      %slice3A_282 = vector.extract_strided_slice %get3A_230 {offsets = [15], sizes = [1], strides = [1]} : vector<16xf32> to vector<1xf32>
      %squeeze3A_283 = vector.extract %slice3A_282[0] : f32 from vector<1xf32>
      %broadcast_in_dim3A_284 = vector.broadcast %squeeze3A_283 : f32 to vector<16xf32>
      %slice3A_285 = vector.extract_strided_slice %get3A_236 {offsets = [12], sizes = [1], strides = [1]} : vector<16xf32> to vector<1xf32>
      %squeeze3A_286 = vector.extract %slice3A_285[0] : f32 from vector<1xf32>
      %broadcast_in_dim3A_287 = vector.broadcast %squeeze3A_286 : f32 to vector<16xf32>
      %slice3A_288 = vector.extract_strided_slice %get3A_236 {offsets = [13], sizes = [1], strides = [1]} : vector<16xf32> to vector<1xf32>
      %squeeze3A_289 = vector.extract %slice3A_288[0] : f32 from vector<1xf32>
      %broadcast_in_dim3A_290 = vector.broadcast %squeeze3A_289 : f32 to vector<16xf32>
      %slice3A_291 = vector.extract_strided_slice %get3A_236 {offsets = [14], sizes = [1], strides = [1]} : vector<16xf32> to vector<1xf32>
      %squeeze3A_292 = vector.extract %slice3A_291[0] : f32 from vector<1xf32>
      %broadcast_in_dim3A_293 = vector.broadcast %squeeze3A_292 : f32 to vector<16xf32>
      %slice3A_294 = vector.extract_strided_slice %get3A_236 {offsets = [15], sizes = [1], strides = [1]} : vector<16xf32> to vector<1xf32>
      %squeeze3A_295 = vector.extract %slice3A_294[0] : f32 from vector<1xf32>
      %broadcast_in_dim3A_296 = vector.broadcast %squeeze3A_295 : f32 to vector<16xf32>
      %scan3A_297 = arith.constant 0 : i32
      %scan3A_298 = arith.constant 0 : i32
      %scan3A_299 = arith.constant 48 : i32
      %scan3A_300 = arith.addi %scan3A_298, %scan3A_299 : i32
      %scan3A_301 = arith.constant 1 : i32
      scf.for %scan3A_746 = %scan3A_298 to %scan3A_300 step %scan3A_301  : i32 {
        %mul3A_747 = arith.constant 16 : i32
        %mul3A_748 = arith.muli %scan3A_746, %mul3A_747 : i32
        %broadcast_in_dim3A_749 = arith.constant 0.000000e+00 : f32
        %broadcast_in_dim3A_750 = vector.broadcast %broadcast_in_dim3A_749 : f32 to vector<16xf32>
        %broadcast_in_dim3A_751 = arith.constant 0.000000e+00 : f32
        %broadcast_in_dim3A_752 = vector.broadcast %broadcast_in_dim3A_751 : f32 to vector<16xf32>
        %get3A_753 = arith.constant 0 : i32
        %get3A_754 = arith.constant 2 : i32
        %get3A_755 = arith.index_cast %get3A_753 : i32 to index
        %get3A_756 = arith.index_cast %get3A_754 : i32 to index
        %get3A_757 = arith.index_cast %mul3A_748 : i32 to index
        %get3A_758 = tpu.vector_load %arg7[%get3A_755, %get3A_756, %get3A_757] {strides = array<i32>} : memref<10x4x768xf32, #tpu.memory_space<vmem>>, vector<16xf32>,
        %mul3A_759 = arith.mulf %broadcast_in_dim3A_239, %get3A_758 : vector<16xf32>
        %add3A_760 = arith.addf %broadcast_in_dim3A_750, %mul3A_759 : vector<16xf32>
        %mul3A_761 = arith.mulf %broadcast_in_dim3A_242, %get3A_758 : vector<16xf32>
        %add3A_762 = arith.addf %broadcast_in_dim3A_752, %mul3A_761 : vector<16xf32>
        %get3A_763 = arith.constant 1 : i32
        %get3A_764 = arith.constant 2 : i32
        %get3A_765 = arith.index_cast %get3A_763 : i32 to index
        %get3A_766 = arith.index_cast %get3A_764 : i32 to index
        %get3A_767 = arith.index_cast %mul3A_748 : i32 to index
        %get3A_768 = tpu.vector_load %arg7[%get3A_765, %get3A_766, %get3A_767] {strides = array<i32>} : memref<10x4x768xf32, #tpu.memory_space<vmem>>, vector<16xf32>,
        %mul3A_769 = arith.mulf %broadcast_in_dim3A_245, %get3A_768 : vector<16xf32>
        %add3A_770 = arith.addf %add3A_760, %mul3A_769 : vector<16xf32>
        %mul3A_771 = arith.mulf %broadcast_in_dim3A_248, %get3A_768 : vector<16xf32>
        %add3A_772 = arith.addf %add3A_762, %mul3A_771 : vector<16xf32>
        %get3A_773 = arith.constant 2 : i32
        %get3A_774 = arith.constant 2 : i32
        %get3A_775 = arith.index_cast %get3A_773 : i32 to index
        %get3A_776 = arith.index_cast %get3A_774 : i32 to index
        %get3A_777 = arith.index_cast %mul3A_748 : i32 to index
        %get3A_778 = tpu.vector_load %arg7[%get3A_775, %get3A_776, %get3A_777] {strides = array<i32>} : memref<10x4x768xf32, #tpu.memory_space<vmem>>, vector<16xf32>,
        %mul3A_779 = arith.mulf %broadcast_in_dim3A_251, %get3A_778 : vector<16xf32>
        %add3A_780 = arith.addf %add3A_770, %mul3A_779 : vector<16xf32>
        %mul3A_781 = arith.mulf %broadcast_in_dim3A_254, %get3A_778 : vector<16xf32>
        %add3A_782 = arith.addf %add3A_772, %mul3A_781 : vector<16xf32>
        %get3A_783 = arith.constant 3 : i32
        %get3A_784 = arith.constant 2 : i32
        %get3A_785 = arith.index_cast %get3A_783 : i32 to index
        %get3A_786 = arith.index_cast %get3A_784 : i32 to index
        %get3A_787 = arith.index_cast %mul3A_748 : i32 to index
        %get3A_788 = tpu.vector_load %arg7[%get3A_785, %get3A_786, %get3A_787] {strides = array<i32>} : memref<10x4x768xf32, #tpu.memory_space<vmem>>, vector<16xf32>,
        %mul3A_789 = arith.mulf %broadcast_in_dim3A_257, %get3A_788 : vector<16xf32>
        %add3A_790 = arith.addf %add3A_780, %mul3A_789 : vector<16xf32>
        %mul3A_791 = arith.mulf %broadcast_in_dim3A_260, %get3A_788 : vector<16xf32>
        %add3A_792 = arith.addf %add3A_782, %mul3A_791 : vector<16xf32>
        %get3A_793 = arith.constant 4 : i32
        %get3A_794 = arith.constant 2 : i32
        %get3A_795 = arith.index_cast %get3A_793 : i32 to index
        %get3A_796 = arith.index_cast %get3A_794 : i32 to index
        %get3A_797 = arith.index_cast %mul3A_748 : i32 to index
        %get3A_798 = tpu.vector_load %arg7[%get3A_795, %get3A_796, %get3A_797] {strides = array<i32>} : memref<10x4x768xf32, #tpu.memory_space<vmem>>, vector<16xf32>,
        %mul3A_799 = arith.mulf %broadcast_in_dim3A_263, %get3A_798 : vector<16xf32>
        %add3A_800 = arith.addf %add3A_790, %mul3A_799 : vector<16xf32>
        %mul3A_801 = arith.mulf %broadcast_in_dim3A_266, %get3A_798 : vector<16xf32>
        %add3A_802 = arith.addf %add3A_792, %mul3A_801 : vector<16xf32>
        %get3A_803 = arith.constant 5 : i32
        %get3A_804 = arith.constant 2 : i32
        %get3A_805 = arith.index_cast %get3A_803 : i32 to index
        %get3A_806 = arith.index_cast %get3A_804 : i32 to index
        %get3A_807 = arith.index_cast %mul3A_748 : i32 to index
        %get3A_808 = tpu.vector_load %arg7[%get3A_805, %get3A_806, %get3A_807] {strides = array<i32>} : memref<10x4x768xf32, #tpu.memory_space<vmem>>, vector<16xf32>,
        %mul3A_809 = arith.mulf %broadcast_in_dim3A_269, %get3A_808 : vector<16xf32>
        %add3A_810 = arith.addf %add3A_800, %mul3A_809 : vector<16xf32>
        %mul3A_811 = arith.mulf %broadcast_in_dim3A_272, %get3A_808 : vector<16xf32>
        %add3A_812 = arith.addf %add3A_802, %mul3A_811 : vector<16xf32>
        %get3A_813 = arith.constant 6 : i32
        %get3A_814 = arith.constant 2 : i32
        %get3A_815 = arith.index_cast %get3A_813 : i32 to index
        %get3A_816 = arith.index_cast %get3A_814 : i32 to index
        %get3A_817 = arith.index_cast %mul3A_748 : i32 to index
        %get3A_818 = tpu.vector_load %arg7[%get3A_815, %get3A_816, %get3A_817] {strides = array<i32>} : memref<10x4x768xf32, #tpu.memory_space<vmem>>, vector<16xf32>,
        %mul3A_819 = arith.mulf %broadcast_in_dim3A_275, %get3A_818 : vector<16xf32>
        %add3A_820 = arith.addf %add3A_810, %mul3A_819 : vector<16xf32>
        %mul3A_821 = arith.mulf %broadcast_in_dim3A_278, %get3A_818 : vector<16xf32>
        %add3A_822 = arith.addf %add3A_812, %mul3A_821 : vector<16xf32>
        %get3A_823 = arith.constant 7 : i32
        %get3A_824 = arith.constant 2 : i32
        %get3A_825 = arith.index_cast %get3A_823 : i32 to index
        %get3A_826 = arith.index_cast %get3A_824 : i32 to index
        %get3A_827 = arith.index_cast %mul3A_748 : i32 to index
        %get3A_828 = tpu.vector_load %arg7[%get3A_825, %get3A_826, %get3A_827] {strides = array<i32>} : memref<10x4x768xf32, #tpu.memory_space<vmem>>, vector<16xf32>,
        %mul3A_829 = arith.mulf %broadcast_in_dim3A_281, %get3A_828 : vector<16xf32>
        %add3A_830 = arith.addf %add3A_820, %mul3A_829 : vector<16xf32>
        %mul3A_831 = arith.mulf %broadcast_in_dim3A_284, %get3A_828 : vector<16xf32>
        %add3A_832 = arith.addf %add3A_822, %mul3A_831 : vector<16xf32>
        %get3A_833 = arith.constant 8 : i32
        %get3A_834 = arith.constant 2 : i32
        %get3A_835 = arith.index_cast %get3A_833 : i32 to index
        %get3A_836 = arith.index_cast %get3A_834 : i32 to index
        %get3A_837 = arith.index_cast %mul3A_748 : i32 to index
        %get3A_838 = tpu.vector_load %arg7[%get3A_835, %get3A_836, %get3A_837] {strides = array<i32>} : memref<10x4x768xf32, #tpu.memory_space<vmem>>, vector<16xf32>,
        %mul3A_839 = arith.mulf %broadcast_in_dim3A_287, %get3A_838 : vector<16xf32>
        %add3A_840 = arith.addf %add3A_830, %mul3A_839 : vector<16xf32>
        %mul3A_841 = arith.mulf %broadcast_in_dim3A_290, %get3A_838 : vector<16xf32>
        %add3A_842 = arith.addf %add3A_832, %mul3A_841 : vector<16xf32>
        %get3A_843 = arith.constant 9 : i32
        %get3A_844 = arith.constant 2 : i32
        %get3A_845 = arith.index_cast %get3A_843 : i32 to index
        %get3A_846 = arith.index_cast %get3A_844 : i32 to index
        %get3A_847 = arith.index_cast %mul3A_748 : i32 to index
        %get3A_848 = tpu.vector_load %arg7[%get3A_845, %get3A_846, %get3A_847] {strides = array<i32>} : memref<10x4x768xf32, #tpu.memory_space<vmem>>, vector<16xf32>,
        %mul3A_849 = arith.mulf %broadcast_in_dim3A_293, %get3A_848 : vector<16xf32>
        %add3A_850 = arith.addf %add3A_840, %mul3A_849 : vector<16xf32>
        %mul3A_851 = arith.mulf %broadcast_in_dim3A_296, %get3A_848 : vector<16xf32>
        %add3A_852 = arith.addf %add3A_842, %mul3A_851 : vector<16xf32>
        %swap3A = arith.constant 2 : i32
        %swap3A_853 = arith.constant 0 : i32
        %swap3A_854 = arith.index_cast %swap3A : i32 to index
        %swap3A_855 = arith.index_cast %swap3A_853 : i32 to index
        %swap3A_856 = arith.index_cast %mul3A_748 : i32 to index
        %swap3A_857 = tpu.vector_load %arg9[%swap3A_854, %swap3A_855, %swap3A_856] {strides = array<i32>} : memref<4x2x768xf32, #tpu.memory_space<vmem>>, vector<16xf32>,
        tpu.vector_store %arg9[%swap3A_854, %swap3A_855, %swap3A_856], %add3A_850 {strides = array<i32>} : memref<4x2x768xf32, #tpu.memory_space<vmem>>, vector<16xf32>,
        %swap3A_858 = arith.constant 2 : i32
        %swap3A_859 = arith.constant 1 : i32
        %swap3A_860 = arith.index_cast %swap3A_858 : i32 to index
        %swap3A_861 = arith.index_cast %swap3A_859 : i32 to index
        %swap3A_862 = arith.index_cast %mul3A_748 : i32 to index
        %swap3A_863 = tpu.vector_load %arg9[%swap3A_860, %swap3A_861, %swap3A_862] {strides = array<i32>} : memref<4x2x768xf32, #tpu.memory_space<vmem>>, vector<16xf32>,
        tpu.vector_store %arg9[%swap3A_860, %swap3A_861, %swap3A_862], %add3A_852 {strides = array<i32>} : memref<4x2x768xf32, #tpu.memory_space<vmem>>, vector<16xf32>,
      }
      %scan3A_302 = arith.constant 48 : i32
      %mul3A_303 = arith.constant 4 : i32
      %mul3A_304 = arith.muli %add3A_49, %mul3A_303 : i32
      %add3A_305 = arith.constant 3 : i32
      %add3A_306 = arith.addi %mul3A_304, %add3A_305 : i32
      %mul3A_307 = arith.constant 20 : i32
      %mul3A_308 = arith.muli %add3A_306, %mul3A_307 : i32
      %get3A_309 = arith.index_cast %mul3A_308 : i32 to index
      %get3A_310 = tpu.vector_load %arg11[%get3A_309] {strides = array<i32>} : memref<5120xf32, #tpu.memory_space<vmem>>, vector<16xf32>,
      %add3A_311 = arith.constant 20 : i32
      %add3A_312 = arith.addi %mul3A_308, %add3A_311 : i32
      %sub3A_313 = arith.constant 16 : i32
      %sub3A_314 = arith.subi %add3A_312, %sub3A_313 : i32
      %get3A_315 = arith.index_cast %sub3A_314 : i32 to index
      %get3A_316 = tpu.vector_load %arg11[%get3A_315] {strides = array<i32>} : memref<5120xf32, #tpu.memory_space<vmem>>, vector<16xf32>,
      %slice3A_317 = vector.extract_strided_slice %get3A_310 {offsets = [0], sizes = [1], strides = [1]} : vector<16xf32> to vector<1xf32>
      %squeeze3A_318 = vector.extract %slice3A_317[0] : f32 from vector<1xf32>
      %broadcast_in_dim3A_319 = vector.broadcast %squeeze3A_318 : f32 to vector<16xf32>
      %slice3A_320 = vector.extract_strided_slice %get3A_310 {offsets = [1], sizes = [1], strides = [1]} : vector<16xf32> to vector<1xf32>
      %squeeze3A_321 = vector.extract %slice3A_320[0] : f32 from vector<1xf32>
      %broadcast_in_dim3A_322 = vector.broadcast %squeeze3A_321 : f32 to vector<16xf32>
      %slice3A_323 = vector.extract_strided_slice %get3A_310 {offsets = [2], sizes = [1], strides = [1]} : vector<16xf32> to vector<1xf32>
      %squeeze3A_324 = vector.extract %slice3A_323[0] : f32 from vector<1xf32>
      %broadcast_in_dim3A_325 = vector.broadcast %squeeze3A_324 : f32 to vector<16xf32>
      %slice3A_326 = vector.extract_strided_slice %get3A_310 {offsets = [3], sizes = [1], strides = [1]} : vector<16xf32> to vector<1xf32>
      %squeeze3A_327 = vector.extract %slice3A_326[0] : f32 from vector<1xf32>
      %broadcast_in_dim3A_328 = vector.broadcast %squeeze3A_327 : f32 to vector<16xf32>
      %slice3A_329 = vector.extract_strided_slice %get3A_310 {offsets = [4], sizes = [1], strides = [1]} : vector<16xf32> to vector<1xf32>
      %squeeze3A_330 = vector.extract %slice3A_329[0] : f32 from vector<1xf32>
      %broadcast_in_dim3A_331 = vector.broadcast %squeeze3A_330 : f32 to vector<16xf32>
      %slice3A_332 = vector.extract_strided_slice %get3A_310 {offsets = [5], sizes = [1], strides = [1]} : vector<16xf32> to vector<1xf32>
      %squeeze3A_333 = vector.extract %slice3A_332[0] : f32 from vector<1xf32>
      %broadcast_in_dim3A_334 = vector.broadcast %squeeze3A_333 : f32 to vector<16xf32>
      %slice3A_335 = vector.extract_strided_slice %get3A_310 {offsets = [6], sizes = [1], strides = [1]} : vector<16xf32> to vector<1xf32>
      %squeeze3A_336 = vector.extract %slice3A_335[0] : f32 from vector<1xf32>
      %broadcast_in_dim3A_337 = vector.broadcast %squeeze3A_336 : f32 to vector<16xf32>
      %slice3A_338 = vector.extract_strided_slice %get3A_310 {offsets = [7], sizes = [1], strides = [1]} : vector<16xf32> to vector<1xf32>
      %squeeze3A_339 = vector.extract %slice3A_338[0] : f32 from vector<1xf32>
      %broadcast_in_dim3A_340 = vector.broadcast %squeeze3A_339 : f32 to vector<16xf32>
      %slice3A_341 = vector.extract_strided_slice %get3A_310 {offsets = [8], sizes = [1], strides = [1]} : vector<16xf32> to vector<1xf32>
      %squeeze3A_342 = vector.extract %slice3A_341[0] : f32 from vector<1xf32>
      %broadcast_in_dim3A_343 = vector.broadcast %squeeze3A_342 : f32 to vector<16xf32>
      %slice3A_344 = vector.extract_strided_slice %get3A_310 {offsets = [9], sizes = [1], strides = [1]} : vector<16xf32> to vector<1xf32>
      %squeeze3A_345 = vector.extract %slice3A_344[0] : f32 from vector<1xf32>
      %broadcast_in_dim3A_346 = vector.broadcast %squeeze3A_345 : f32 to vector<16xf32>
      %slice3A_347 = vector.extract_strided_slice %get3A_310 {offsets = [10], sizes = [1], strides = [1]} : vector<16xf32> to vector<1xf32>
      %squeeze3A_348 = vector.extract %slice3A_347[0] : f32 from vector<1xf32>
      %broadcast_in_dim3A_349 = vector.broadcast %squeeze3A_348 : f32 to vector<16xf32>
      %slice3A_350 = vector.extract_strided_slice %get3A_310 {offsets = [11], sizes = [1], strides = [1]} : vector<16xf32> to vector<1xf32>
      %squeeze3A_351 = vector.extract %slice3A_350[0] : f32 from vector<1xf32>
      %broadcast_in_dim3A_352 = vector.broadcast %squeeze3A_351 : f32 to vector<16xf32>
      %slice3A_353 = vector.extract_strided_slice %get3A_310 {offsets = [12], sizes = [1], strides = [1]} : vector<16xf32> to vector<1xf32>
      %squeeze3A_354 = vector.extract %slice3A_353[0] : f32 from vector<1xf32>
      %broadcast_in_dim3A_355 = vector.broadcast %squeeze3A_354 : f32 to vector<16xf32>
      %slice3A_356 = vector.extract_strided_slice %get3A_310 {offsets = [13], sizes = [1], strides = [1]} : vector<16xf32> to vector<1xf32>
      %squeeze3A_357 = vector.extract %slice3A_356[0] : f32 from vector<1xf32>
      %broadcast_in_dim3A_358 = vector.broadcast %squeeze3A_357 : f32 to vector<16xf32>
      %slice3A_359 = vector.extract_strided_slice %get3A_310 {offsets = [14], sizes = [1], strides = [1]} : vector<16xf32> to vector<1xf32>
      %squeeze3A_360 = vector.extract %slice3A_359[0] : f32 from vector<1xf32>
      %broadcast_in_dim3A_361 = vector.broadcast %squeeze3A_360 : f32 to vector<16xf32>
      %slice3A_362 = vector.extract_strided_slice %get3A_310 {offsets = [15], sizes = [1], strides = [1]} : vector<16xf32> to vector<1xf32>
      %squeeze3A_363 = vector.extract %slice3A_362[0] : f32 from vector<1xf32>
      %broadcast_in_dim3A_364 = vector.broadcast %squeeze3A_363 : f32 to vector<16xf32>
      %slice3A_365 = vector.extract_strided_slice %get3A_316 {offsets = [12], sizes = [1], strides = [1]} : vector<16xf32> to vector<1xf32>
      %squeeze3A_366 = vector.extract %slice3A_365[0] : f32 from vector<1xf32>
      %broadcast_in_dim3A_367 = vector.broadcast %squeeze3A_366 : f32 to vector<16xf32>
      %slice3A_368 = vector.extract_strided_slice %get3A_316 {offsets = [13], sizes = [1], strides = [1]} : vector<16xf32> to vector<1xf32>
      %squeeze3A_369 = vector.extract %slice3A_368[0] : f32 from vector<1xf32>
      %broadcast_in_dim3A_370 = vector.broadcast %squeeze3A_369 : f32 to vector<16xf32>
      %slice3A_371 = vector.extract_strided_slice %get3A_316 {offsets = [14], sizes = [1], strides = [1]} : vector<16xf32> to vector<1xf32>
      %squeeze3A_372 = vector.extract %slice3A_371[0] : f32 from vector<1xf32>
      %broadcast_in_dim3A_373 = vector.broadcast %squeeze3A_372 : f32 to vector<16xf32>
      %slice3A_374 = vector.extract_strided_slice %get3A_316 {offsets = [15], sizes = [1], strides = [1]} : vector<16xf32> to vector<1xf32>
      %squeeze3A_375 = vector.extract %slice3A_374[0] : f32 from vector<1xf32>
      %broadcast_in_dim3A_376 = vector.broadcast %squeeze3A_375 : f32 to vector<16xf32>
      %scan3A_377 = arith.constant 0 : i32
      %scan3A_378 = arith.constant 0 : i32
      %scan3A_379 = arith.constant 48 : i32
      %scan3A_380 = arith.addi %scan3A_378, %scan3A_379 : i32
      %scan3A_381 = arith.constant 1 : i32
      scf.for %scan3A_746 = %scan3A_378 to %scan3A_380 step %scan3A_381  : i32 {
        %mul3A_747 = arith.constant 16 : i32
        %mul3A_748 = arith.muli %scan3A_746, %mul3A_747 : i32
        %broadcast_in_dim3A_749 = arith.constant 0.000000e+00 : f32
        %broadcast_in_dim3A_750 = vector.broadcast %broadcast_in_dim3A_749 : f32 to vector<16xf32>
        %broadcast_in_dim3A_751 = arith.constant 0.000000e+00 : f32
        %broadcast_in_dim3A_752 = vector.broadcast %broadcast_in_dim3A_751 : f32 to vector<16xf32>
        %get3A_753 = arith.constant 0 : i32
        %get3A_754 = arith.constant 3 : i32
        %get3A_755 = arith.index_cast %get3A_753 : i32 to index
        %get3A_756 = arith.index_cast %get3A_754 : i32 to index
        %get3A_757 = arith.index_cast %mul3A_748 : i32 to index
        %get3A_758 = tpu.vector_load %arg7[%get3A_755, %get3A_756, %get3A_757] {strides = array<i32>} : memref<10x4x768xf32, #tpu.memory_space<vmem>>, vector<16xf32>,
        %mul3A_759 = arith.mulf %broadcast_in_dim3A_319, %get3A_758 : vector<16xf32>
        %add3A_760 = arith.addf %broadcast_in_dim3A_750, %mul3A_759 : vector<16xf32>
        %mul3A_761 = arith.mulf %broadcast_in_dim3A_322, %get3A_758 : vector<16xf32>
        %add3A_762 = arith.addf %broadcast_in_dim3A_752, %mul3A_761 : vector<16xf32>
        %get3A_763 = arith.constant 1 : i32
        %get3A_764 = arith.constant 3 : i32
        %get3A_765 = arith.index_cast %get3A_763 : i32 to index
        %get3A_766 = arith.index_cast %get3A_764 : i32 to index
        %get3A_767 = arith.index_cast %mul3A_748 : i32 to index
        %get3A_768 = tpu.vector_load %arg7[%get3A_765, %get3A_766, %get3A_767] {strides = array<i32>} : memref<10x4x768xf32, #tpu.memory_space<vmem>>, vector<16xf32>,
        %mul3A_769 = arith.mulf %broadcast_in_dim3A_325, %get3A_768 : vector<16xf32>
        %add3A_770 = arith.addf %add3A_760, %mul3A_769 : vector<16xf32>
        %mul3A_771 = arith.mulf %broadcast_in_dim3A_328, %get3A_768 : vector<16xf32>
        %add3A_772 = arith.addf %add3A_762, %mul3A_771 : vector<16xf32>
        %get3A_773 = arith.constant 2 : i32
        %get3A_774 = arith.constant 3 : i32
        %get3A_775 = arith.index_cast %get3A_773 : i32 to index
        %get3A_776 = arith.index_cast %get3A_774 : i32 to index
        %get3A_777 = arith.index_cast %mul3A_748 : i32 to index
        %get3A_778 = tpu.vector_load %arg7[%get3A_775, %get3A_776, %get3A_777] {strides = array<i32>} : memref<10x4x768xf32, #tpu.memory_space<vmem>>, vector<16xf32>,
        %mul3A_779 = arith.mulf %broadcast_in_dim3A_331, %get3A_778 : vector<16xf32>
        %add3A_780 = arith.addf %add3A_770, %mul3A_779 : vector<16xf32>
        %mul3A_781 = arith.mulf %broadcast_in_dim3A_334, %get3A_778 : vector<16xf32>
        %add3A_782 = arith.addf %add3A_772, %mul3A_781 : vector<16xf32>
        %get3A_783 = arith.constant 3 : i32
        %get3A_784 = arith.constant 3 : i32
        %get3A_785 = arith.index_cast %get3A_783 : i32 to index
        %get3A_786 = arith.index_cast %get3A_784 : i32 to index
        %get3A_787 = arith.index_cast %mul3A_748 : i32 to index
        %get3A_788 = tpu.vector_load %arg7[%get3A_785, %get3A_786, %get3A_787] {strides = array<i32>} : memref<10x4x768xf32, #tpu.memory_space<vmem>>, vector<16xf32>,
        %mul3A_789 = arith.mulf %broadcast_in_dim3A_337, %get3A_788 : vector<16xf32>
        %add3A_790 = arith.addf %add3A_780, %mul3A_789 : vector<16xf32>
        %mul3A_791 = arith.mulf %broadcast_in_dim3A_340, %get3A_788 : vector<16xf32>
        %add3A_792 = arith.addf %add3A_782, %mul3A_791 : vector<16xf32>
        %get3A_793 = arith.constant 4 : i32
        %get3A_794 = arith.constant 3 : i32
        %get3A_795 = arith.index_cast %get3A_793 : i32 to index
        %get3A_796 = arith.index_cast %get3A_794 : i32 to index
        %get3A_797 = arith.index_cast %mul3A_748 : i32 to index
        %get3A_798 = tpu.vector_load %arg7[%get3A_795, %get3A_796, %get3A_797] {strides = array<i32>} : memref<10x4x768xf32, #tpu.memory_space<vmem>>, vector<16xf32>,
        %mul3A_799 = arith.mulf %broadcast_in_dim3A_343, %get3A_798 : vector<16xf32>
        %add3A_800 = arith.addf %add3A_790, %mul3A_799 : vector<16xf32>
        %mul3A_801 = arith.mulf %broadcast_in_dim3A_346, %get3A_798 : vector<16xf32>
        %add3A_802 = arith.addf %add3A_792, %mul3A_801 : vector<16xf32>
        %get3A_803 = arith.constant 5 : i32
        %get3A_804 = arith.constant 3 : i32
        %get3A_805 = arith.index_cast %get3A_803 : i32 to index
        %get3A_806 = arith.index_cast %get3A_804 : i32 to index
        %get3A_807 = arith.index_cast %mul3A_748 : i32 to index
        %get3A_808 = tpu.vector_load %arg7[%get3A_805, %get3A_806, %get3A_807] {strides = array<i32>} : memref<10x4x768xf32, #tpu.memory_space<vmem>>, vector<16xf32>,
        %mul3A_809 = arith.mulf %broadcast_in_dim3A_349, %get3A_808 : vector<16xf32>
        %add3A_810 = arith.addf %add3A_800, %mul3A_809 : vector<16xf32>
        %mul3A_811 = arith.mulf %broadcast_in_dim3A_352, %get3A_808 : vector<16xf32>
        %add3A_812 = arith.addf %add3A_802, %mul3A_811 : vector<16xf32>
        %get3A_813 = arith.constant 6 : i32
        %get3A_814 = arith.constant 3 : i32
        %get3A_815 = arith.index_cast %get3A_813 : i32 to index
        %get3A_816 = arith.index_cast %get3A_814 : i32 to index
        %get3A_817 = arith.index_cast %mul3A_748 : i32 to index
        %get3A_818 = tpu.vector_load %arg7[%get3A_815, %get3A_816, %get3A_817] {strides = array<i32>} : memref<10x4x768xf32, #tpu.memory_space<vmem>>, vector<16xf32>,
        %mul3A_819 = arith.mulf %broadcast_in_dim3A_355, %get3A_818 : vector<16xf32>
        %add3A_820 = arith.addf %add3A_810, %mul3A_819 : vector<16xf32>
        %mul3A_821 = arith.mulf %broadcast_in_dim3A_358, %get3A_818 : vector<16xf32>
        %add3A_822 = arith.addf %add3A_812, %mul3A_821 : vector<16xf32>
        %get3A_823 = arith.constant 7 : i32
        %get3A_824 = arith.constant 3 : i32
        %get3A_825 = arith.index_cast %get3A_823 : i32 to index
        %get3A_826 = arith.index_cast %get3A_824 : i32 to index
        %get3A_827 = arith.index_cast %mul3A_748 : i32 to index
        %get3A_828 = tpu.vector_load %arg7[%get3A_825, %get3A_826, %get3A_827] {strides = array<i32>} : memref<10x4x768xf32, #tpu.memory_space<vmem>>, vector<16xf32>,
        %mul3A_829 = arith.mulf %broadcast_in_dim3A_361, %get3A_828 : vector<16xf32>
        %add3A_830 = arith.addf %add3A_820, %mul3A_829 : vector<16xf32>
        %mul3A_831 = arith.mulf %broadcast_in_dim3A_364, %get3A_828 : vector<16xf32>
        %add3A_832 = arith.addf %add3A_822, %mul3A_831 : vector<16xf32>
        %get3A_833 = arith.constant 8 : i32
        %get3A_834 = arith.constant 3 : i32
        %get3A_835 = arith.index_cast %get3A_833 : i32 to index
        %get3A_836 = arith.index_cast %get3A_834 : i32 to index
        %get3A_837 = arith.index_cast %mul3A_748 : i32 to index
        %get3A_838 = tpu.vector_load %arg7[%get3A_835, %get3A_836, %get3A_837] {strides = array<i32>} : memref<10x4x768xf32, #tpu.memory_space<vmem>>, vector<16xf32>,
        %mul3A_839 = arith.mulf %broadcast_in_dim3A_367, %get3A_838 : vector<16xf32>
        %add3A_840 = arith.addf %add3A_830, %mul3A_839 : vector<16xf32>
        %mul3A_841 = arith.mulf %broadcast_in_dim3A_370, %get3A_838 : vector<16xf32>
        %add3A_842 = arith.addf %add3A_832, %mul3A_841 : vector<16xf32>
        %get3A_843 = arith.constant 9 : i32
        %get3A_844 = arith.constant 3 : i32
        %get3A_845 = arith.index_cast %get3A_843 : i32 to index
        %get3A_846 = arith.index_cast %get3A_844 : i32 to index
        %get3A_847 = arith.index_cast %mul3A_748 : i32 to index
        %get3A_848 = tpu.vector_load %arg7[%get3A_845, %get3A_846, %get3A_847] {strides = array<i32>} : memref<10x4x768xf32, #tpu.memory_space<vmem>>, vector<16xf32>,
        %mul3A_849 = arith.mulf %broadcast_in_dim3A_373, %get3A_848 : vector<16xf32>
        %add3A_850 = arith.addf %add3A_840, %mul3A_849 : vector<16xf32>
        %mul3A_851 = arith.mulf %broadcast_in_dim3A_376, %get3A_848 : vector<16xf32>
        %add3A_852 = arith.addf %add3A_842, %mul3A_851 : vector<16xf32>
        %swap3A = arith.constant 3 : i32
        %swap3A_853 = arith.constant 0 : i32
        %swap3A_854 = arith.index_cast %swap3A : i32 to index
        %swap3A_855 = arith.index_cast %swap3A_853 : i32 to index
        %swap3A_856 = arith.index_cast %mul3A_748 : i32 to index
        %swap3A_857 = tpu.vector_load %arg9[%swap3A_854, %swap3A_855, %swap3A_856] {strides = array<i32>} : memref<4x2x768xf32, #tpu.memory_space<vmem>>, vector<16xf32>,
        tpu.vector_store %arg9[%swap3A_854, %swap3A_855, %swap3A_856], %add3A_850 {strides = array<i32>} : memref<4x2x768xf32, #tpu.memory_space<vmem>>, vector<16xf32>,
        %swap3A_858 = arith.constant 3 : i32
        %swap3A_859 = arith.constant 1 : i32
        %swap3A_860 = arith.index_cast %swap3A_858 : i32 to index
        %swap3A_861 = arith.index_cast %swap3A_859 : i32 to index
        %swap3A_862 = arith.index_cast %mul3A_748 : i32 to index
        %swap3A_863 = tpu.vector_load %arg9[%swap3A_860, %swap3A_861, %swap3A_862] {strides = array<i32>} : memref<4x2x768xf32, #tpu.memory_space<vmem>>, vector<16xf32>,
        tpu.vector_store %arg9[%swap3A_860, %swap3A_861, %swap3A_862], %add3A_852 {strides = array<i32>} : memref<4x2x768xf32, #tpu.memory_space<vmem>>, vector<16xf32>,
      }
      %scan3A_382 = arith.constant 48 : i32
      %mul3A_383 = arith.constant 4 : i32
      %mul3A_384 = arith.muli %add3A_49, %mul3A_383 : i32
      %add3A_385 = arith.addi %mul3A_2, %mul3A_384 : i32
      %dma_start3A_386 = arith.constant 0 : i32
      %dma_start3A_387 = arith.constant 0 : i32
      %dma_start3A_388 = tpu.memref_slice %arg5[%add3A_385, %dma_start3A_386, %dma_start3A_387] : memref<8192x2x768xf32, #tpu.memory_space<hbm>> -> memref<4x2x768xf32, #tpu.memory_space<hbm>>
      %dma_start3A_389 = arith.constant 0 : i32
      %dma_start3A_390 = arith.constant 0 : i32
      %dma_start3A_391 = tpu.memref_slice %arg5[%add3A_385, %dma_start3A_389, %dma_start3A_390] : memref<8192x2x768xf32, #tpu.memory_space<hbm>> -> memref<4x2x768xf32, #tpu.memory_space<hbm>>
      tpu.enqueue_dma source(%arg9 : memref<4x2x768xf32, #tpu.memory_space<vmem>>) target(%dma_start3A_391 : memref<4x2x768xf32, #tpu.memory_space<hbm>>) target_semaphore(%arg16 : memref<!tpu.dma_semaphore, #tpu.memory_space<semaphore_mem>>)
      %mul3A_392 = arith.constant 2 : i32
      %mul3A_393 = arith.muli %scan3A_45, %mul3A_392 : i32
      %add3A_394 = arith.constant 1 : i32
      %add3A_395 = arith.addi %mul3A_393, %add3A_394 : i32
      %add3A_396 = arith.constant 1 : i32
      %add3A_397 = arith.addi %add3A_395, %add3A_396 : i32
      %lt3A_398 = arith.constant 64 : i32
      %lt3A_399 = arith.cmpi slt, %add3A_397, %lt3A_398 : i32
      %convert_element_type3A_400 = arith.extui %lt3A_399 : i1 to i32
      %cond3A_401 = arith.constant 0 : i32
      %cond3A_402 = arith.cmpi ne, %convert_element_type3A_400, %cond3A_401 : i32
      scf.if %cond3A_402 {
        %add3A_746 = arith.constant 1 : i32
        %add3A_747 = arith.addi %add3A_395, %add3A_746 : i32
        %mul3A_748 = arith.constant 4 : i32
        %mul3A_749 = arith.muli %add3A_747, %mul3A_748 : i32
        %add3A_750 = arith.addi %mul3A_2, %mul3A_749 : i32
        %dma_start3A_751 = arith.constant 0 : i32
        %dma_start3A_752 = arith.constant 0 : i32
        %dma_start3A_753 = tpu.memref_slice %arg2[%dma_start3A_751, %add3A_750, %dma_start3A_752] : memref<10x8192x768xf32, #tpu.memory_space<hbm>> -> memref<10x4x768xf32, #tpu.memory_space<hbm>>
        %dma_start3A_754 = arith.constant 0 : i32
        %dma_start3A_755 = arith.constant 0 : i32
        %dma_start3A_756 = tpu.memref_slice %arg2[%dma_start3A_754, %add3A_750, %dma_start3A_755] : memref<10x8192x768xf32, #tpu.memory_space<hbm>> -> memref<10x4x768xf32, #tpu.memory_space<hbm>>
        tpu.enqueue_dma source(%dma_start3A_756 : memref<10x4x768xf32, #tpu.memory_space<hbm>>) target(%arg7 : memref<10x4x768xf32, #tpu.memory_space<vmem>>) target_semaphore(%arg14 : memref<!tpu.dma_semaphore, #tpu.memory_space<semaphore_mem>>)
      } else {
      }
      %mul3A_403 = arith.constant 4 : i32
      %mul3A_404 = arith.muli %add3A_395, %mul3A_403 : i32
      %add3A_405 = arith.addi %mul3A_2, %mul3A_404 : i32
      %dma_wait3A_406 = arith.constant 0 : i32
      %dma_wait3A_407 = arith.constant 0 : i32
      %dma_wait3A_408 = tpu.memref_slice %arg2[%dma_wait3A_406, %add3A_405, %dma_wait3A_407] : memref<10x8192x768xf32, #tpu.memory_space<hbm>> -> memref<10x4x768xf32, #tpu.memory_space<hbm>>
      %dma_wait3A_409 = arith.constant 0 : i32
      %dma_wait3A_410 = arith.constant 0 : i32
      %dma_wait3A_411 = tpu.memref_slice %arg2[%dma_wait3A_409, %add3A_405, %dma_wait3A_410] : memref<10x8192x768xf32, #tpu.memory_space<hbm>> -> memref<10x4x768xf32, #tpu.memory_space<hbm>>
      tpu.wait_dma2 semaphore(%arg15 : memref<!tpu.dma_semaphore, #tpu.memory_space<semaphore_mem>>) src(%dma_wait3A_411 : memref<10x4x768xf32, #tpu.memory_space<hbm>>) dst(%arg8 : memref<10x4x768xf32, #tpu.memory_space<vmem>>)
      %ge3A_412 = arith.constant 2 : i32
      %ge3A_413 = arith.cmpi sge, %add3A_395, %ge3A_412 : i32
      %convert_element_type3A_414 = arith.extui %ge3A_413 : i1 to i32
      %cond3A_415 = arith.constant 0 : i32
      %cond3A_416 = arith.cmpi ne, %convert_element_type3A_414, %cond3A_415 : i32
      scf.if %cond3A_416 {
        %sub3A_746 = arith.constant 2 : i32
        %sub3A_747 = arith.subi %add3A_395, %sub3A_746 : i32
        %mul3A_748 = arith.constant 4 : i32
        %mul3A_749 = arith.muli %sub3A_747, %mul3A_748 : i32
        %add3A_750 = arith.addi %mul3A_2, %mul3A_749 : i32
        %dma_wait3A_751 = arith.constant 0 : i32
        %dma_wait3A_752 = arith.constant 0 : i32
        %dma_wait3A_753 = tpu.memref_slice %arg5[%add3A_750, %dma_wait3A_751, %dma_wait3A_752] : memref<8192x2x768xf32, #tpu.memory_space<hbm>> -> memref<4x2x768xf32, #tpu.memory_space<hbm>>
        %dma_wait3A_754 = arith.constant 0 : i32
        %dma_wait3A_755 = arith.constant 0 : i32
        %dma_wait3A_756 = tpu.memref_slice %arg5[%add3A_750, %dma_wait3A_754, %dma_wait3A_755] : memref<8192x2x768xf32, #tpu.memory_space<hbm>> -> memref<4x2x768xf32, #tpu.memory_space<hbm>>
        tpu.wait_dma2 semaphore(%arg17 : memref<!tpu.dma_semaphore, #tpu.memory_space<semaphore_mem>>) src(%arg10 : memref<4x2x768xf32, #tpu.memory_space<vmem>>) dst(%dma_wait3A_756 : memref<4x2x768xf32, #tpu.memory_space<hbm>>)
      } else {
      }
      %mul3A_417 = arith.constant 4 : i32
      %mul3A_418 = arith.muli %add3A_395, %mul3A_417 : i32
      %add3A_419 = arith.constant 0 : i32
      %add3A_420 = arith.addi %mul3A_418, %add3A_419 : i32
      %mul3A_421 = arith.constant 20 : i32
      %mul3A_422 = arith.muli %add3A_420, %mul3A_421 : i32
      %get3A_423 = arith.index_cast %mul3A_422 : i32 to index
      %get3A_424 = tpu.vector_load %arg11[%get3A_423] {strides = array<i32>} : memref<5120xf32, #tpu.memory_space<vmem>>, vector<16xf32>,
      %add3A_425 = arith.constant 20 : i32
      %add3A_426 = arith.addi %mul3A_422, %add3A_425 : i32
      %sub3A_427 = arith.constant 16 : i32
      %sub3A_428 = arith.subi %add3A_426, %sub3A_427 : i32
      %get3A_429 = arith.index_cast %sub3A_428 : i32 to index
      %get3A_430 = tpu.vector_load %arg11[%get3A_429] {strides = array<i32>} : memref<5120xf32, #tpu.memory_space<vmem>>, vector<16xf32>,
      %slice3A_431 = vector.extract_strided_slice %get3A_424 {offsets = [0], sizes = [1], strides = [1]} : vector<16xf32> to vector<1xf32>
      %squeeze3A_432 = vector.extract %slice3A_431[0] : f32 from vector<1xf32>
      %broadcast_in_dim3A_433 = vector.broadcast %squeeze3A_432 : f32 to vector<16xf32>
      %slice3A_434 = vector.extract_strided_slice %get3A_424 {offsets = [1], sizes = [1], strides = [1]} : vector<16xf32> to vector<1xf32>
      %squeeze3A_435 = vector.extract %slice3A_434[0] : f32 from vector<1xf32>
      %broadcast_in_dim3A_436 = vector.broadcast %squeeze3A_435 : f32 to vector<16xf32>
      %slice3A_437 = vector.extract_strided_slice %get3A_424 {offsets = [2], sizes = [1], strides = [1]} : vector<16xf32> to vector<1xf32>
      %squeeze3A_438 = vector.extract %slice3A_437[0] : f32 from vector<1xf32>
      %broadcast_in_dim3A_439 = vector.broadcast %squeeze3A_438 : f32 to vector<16xf32>
      %slice3A_440 = vector.extract_strided_slice %get3A_424 {offsets = [3], sizes = [1], strides = [1]} : vector<16xf32> to vector<1xf32>
      %squeeze3A_441 = vector.extract %slice3A_440[0] : f32 from vector<1xf32>
      %broadcast_in_dim3A_442 = vector.broadcast %squeeze3A_441 : f32 to vector<16xf32>
      %slice3A_443 = vector.extract_strided_slice %get3A_424 {offsets = [4], sizes = [1], strides = [1]} : vector<16xf32> to vector<1xf32>
      %squeeze3A_444 = vector.extract %slice3A_443[0] : f32 from vector<1xf32>
      %broadcast_in_dim3A_445 = vector.broadcast %squeeze3A_444 : f32 to vector<16xf32>
      %slice3A_446 = vector.extract_strided_slice %get3A_424 {offsets = [5], sizes = [1], strides = [1]} : vector<16xf32> to vector<1xf32>
      %squeeze3A_447 = vector.extract %slice3A_446[0] : f32 from vector<1xf32>
      %broadcast_in_dim3A_448 = vector.broadcast %squeeze3A_447 : f32 to vector<16xf32>
      %slice3A_449 = vector.extract_strided_slice %get3A_424 {offsets = [6], sizes = [1], strides = [1]} : vector<16xf32> to vector<1xf32>
      %squeeze3A_450 = vector.extract %slice3A_449[0] : f32 from vector<1xf32>
      %broadcast_in_dim3A_451 = vector.broadcast %squeeze3A_450 : f32 to vector<16xf32>
      %slice3A_452 = vector.extract_strided_slice %get3A_424 {offsets = [7], sizes = [1], strides = [1]} : vector<16xf32> to vector<1xf32>
      %squeeze3A_453 = vector.extract %slice3A_452[0] : f32 from vector<1xf32>
      %broadcast_in_dim3A_454 = vector.broadcast %squeeze3A_453 : f32 to vector<16xf32>
      %slice3A_455 = vector.extract_strided_slice %get3A_424 {offsets = [8], sizes = [1], strides = [1]} : vector<16xf32> to vector<1xf32>
      %squeeze3A_456 = vector.extract %slice3A_455[0] : f32 from vector<1xf32>
      %broadcast_in_dim3A_457 = vector.broadcast %squeeze3A_456 : f32 to vector<16xf32>
      %slice3A_458 = vector.extract_strided_slice %get3A_424 {offsets = [9], sizes = [1], strides = [1]} : vector<16xf32> to vector<1xf32>
      %squeeze3A_459 = vector.extract %slice3A_458[0] : f32 from vector<1xf32>
      %broadcast_in_dim3A_460 = vector.broadcast %squeeze3A_459 : f32 to vector<16xf32>
      %slice3A_461 = vector.extract_strided_slice %get3A_424 {offsets = [10], sizes = [1], strides = [1]} : vector<16xf32> to vector<1xf32>
      %squeeze3A_462 = vector.extract %slice3A_461[0] : f32 from vector<1xf32>
      %broadcast_in_dim3A_463 = vector.broadcast %squeeze3A_462 : f32 to vector<16xf32>
      %slice3A_464 = vector.extract_strided_slice %get3A_424 {offsets = [11], sizes = [1], strides = [1]} : vector<16xf32> to vector<1xf32>
      %squeeze3A_465 = vector.extract %slice3A_464[0] : f32 from vector<1xf32>
      %broadcast_in_dim3A_466 = vector.broadcast %squeeze3A_465 : f32 to vector<16xf32>
      %slice3A_467 = vector.extract_strided_slice %get3A_424 {offsets = [12], sizes = [1], strides = [1]} : vector<16xf32> to vector<1xf32>
      %squeeze3A_468 = vector.extract %slice3A_467[0] : f32 from vector<1xf32>
      %broadcast_in_dim3A_469 = vector.broadcast %squeeze3A_468 : f32 to vector<16xf32>
      %slice3A_470 = vector.extract_strided_slice %get3A_424 {offsets = [13], sizes = [1], strides = [1]} : vector<16xf32> to vector<1xf32>
      %squeeze3A_471 = vector.extract %slice3A_470[0] : f32 from vector<1xf32>
      %broadcast_in_dim3A_472 = vector.broadcast %squeeze3A_471 : f32 to vector<16xf32>
      %slice3A_473 = vector.extract_strided_slice %get3A_424 {offsets = [14], sizes = [1], strides = [1]} : vector<16xf32> to vector<1xf32>
      %squeeze3A_474 = vector.extract %slice3A_473[0] : f32 from vector<1xf32>
      %broadcast_in_dim3A_475 = vector.broadcast %squeeze3A_474 : f32 to vector<16xf32>
      %slice3A_476 = vector.extract_strided_slice %get3A_424 {offsets = [15], sizes = [1], strides = [1]} : vector<16xf32> to vector<1xf32>
      %squeeze3A_477 = vector.extract %slice3A_476[0] : f32 from vector<1xf32>
      %broadcast_in_dim3A_478 = vector.broadcast %squeeze3A_477 : f32 to vector<16xf32>
      %slice3A_479 = vector.extract_strided_slice %get3A_430 {offsets = [12], sizes = [1], strides = [1]} : vector<16xf32> to vector<1xf32>
      %squeeze3A_480 = vector.extract %slice3A_479[0] : f32 from vector<1xf32>
      %broadcast_in_dim3A_481 = vector.broadcast %squeeze3A_480 : f32 to vector<16xf32>
      %slice3A_482 = vector.extract_strided_slice %get3A_430 {offsets = [13], sizes = [1], strides = [1]} : vector<16xf32> to vector<1xf32>
      %squeeze3A_483 = vector.extract %slice3A_482[0] : f32 from vector<1xf32>
      %broadcast_in_dim3A_484 = vector.broadcast %squeeze3A_483 : f32 to vector<16xf32>
      %slice3A_485 = vector.extract_strided_slice %get3A_430 {offsets = [14], sizes = [1], strides = [1]} : vector<16xf32> to vector<1xf32>
      %squeeze3A_486 = vector.extract %slice3A_485[0] : f32 from vector<1xf32>
      %broadcast_in_dim3A_487 = vector.broadcast %squeeze3A_486 : f32 to vector<16xf32>
      %slice3A_488 = vector.extract_strided_slice %get3A_430 {offsets = [15], sizes = [1], strides = [1]} : vector<16xf32> to vector<1xf32>
      %squeeze3A_489 = vector.extract %slice3A_488[0] : f32 from vector<1xf32>
      %broadcast_in_dim3A_490 = vector.broadcast %squeeze3A_489 : f32 to vector<16xf32>
      %scan3A_491 = arith.constant 0 : i32
      %scan3A_492 = arith.constant 0 : i32
      %scan3A_493 = arith.constant 48 : i32
      %scan3A_494 = arith.addi %scan3A_492, %scan3A_493 : i32
      %scan3A_495 = arith.constant 1 : i32
      scf.for %scan3A_746 = %scan3A_492 to %scan3A_494 step %scan3A_495  : i32 {
        %mul3A_747 = arith.constant 16 : i32
        %mul3A_748 = arith.muli %scan3A_746, %mul3A_747 : i32
        %broadcast_in_dim3A_749 = arith.constant 0.000000e+00 : f32
        %broadcast_in_dim3A_750 = vector.broadcast %broadcast_in_dim3A_749 : f32 to vector<16xf32>
        %broadcast_in_dim3A_751 = arith.constant 0.000000e+00 : f32
        %broadcast_in_dim3A_752 = vector.broadcast %broadcast_in_dim3A_751 : f32 to vector<16xf32>
        %get3A_753 = arith.constant 0 : i32
        %get3A_754 = arith.constant 0 : i32
        %get3A_755 = arith.index_cast %get3A_753 : i32 to index
        %get3A_756 = arith.index_cast %get3A_754 : i32 to index
        %get3A_757 = arith.index_cast %mul3A_748 : i32 to index
        %get3A_758 = tpu.vector_load %arg8[%get3A_755, %get3A_756, %get3A_757] {strides = array<i32>} : memref<10x4x768xf32, #tpu.memory_space<vmem>>, vector<16xf32>,
        %mul3A_759 = arith.mulf %broadcast_in_dim3A_433, %get3A_758 : vector<16xf32>
        %add3A_760 = arith.addf %broadcast_in_dim3A_750, %mul3A_759 : vector<16xf32>
        %mul3A_761 = arith.mulf %broadcast_in_dim3A_436, %get3A_758 : vector<16xf32>
        %add3A_762 = arith.addf %broadcast_in_dim3A_752, %mul3A_761 : vector<16xf32>
        %get3A_763 = arith.constant 1 : i32
        %get3A_764 = arith.constant 0 : i32
        %get3A_765 = arith.index_cast %get3A_763 : i32 to index
        %get3A_766 = arith.index_cast %get3A_764 : i32 to index
        %get3A_767 = arith.index_cast %mul3A_748 : i32 to index
        %get3A_768 = tpu.vector_load %arg8[%get3A_765, %get3A_766, %get3A_767] {strides = array<i32>} : memref<10x4x768xf32, #tpu.memory_space<vmem>>, vector<16xf32>,
        %mul3A_769 = arith.mulf %broadcast_in_dim3A_439, %get3A_768 : vector<16xf32>
        %add3A_770 = arith.addf %add3A_760, %mul3A_769 : vector<16xf32>
        %mul3A_771 = arith.mulf %broadcast_in_dim3A_442, %get3A_768 : vector<16xf32>
        %add3A_772 = arith.addf %add3A_762, %mul3A_771 : vector<16xf32>
        %get3A_773 = arith.constant 2 : i32
        %get3A_774 = arith.constant 0 : i32
        %get3A_775 = arith.index_cast %get3A_773 : i32 to index
        %get3A_776 = arith.index_cast %get3A_774 : i32 to index
        %get3A_777 = arith.index_cast %mul3A_748 : i32 to index
        %get3A_778 = tpu.vector_load %arg8[%get3A_775, %get3A_776, %get3A_777] {strides = array<i32>} : memref<10x4x768xf32, #tpu.memory_space<vmem>>, vector<16xf32>,
        %mul3A_779 = arith.mulf %broadcast_in_dim3A_445, %get3A_778 : vector<16xf32>
        %add3A_780 = arith.addf %add3A_770, %mul3A_779 : vector<16xf32>
        %mul3A_781 = arith.mulf %broadcast_in_dim3A_448, %get3A_778 : vector<16xf32>
        %add3A_782 = arith.addf %add3A_772, %mul3A_781 : vector<16xf32>
        %get3A_783 = arith.constant 3 : i32
        %get3A_784 = arith.constant 0 : i32
        %get3A_785 = arith.index_cast %get3A_783 : i32 to index
        %get3A_786 = arith.index_cast %get3A_784 : i32 to index
        %get3A_787 = arith.index_cast %mul3A_748 : i32 to index
        %get3A_788 = tpu.vector_load %arg8[%get3A_785, %get3A_786, %get3A_787] {strides = array<i32>} : memref<10x4x768xf32, #tpu.memory_space<vmem>>, vector<16xf32>,
        %mul3A_789 = arith.mulf %broadcast_in_dim3A_451, %get3A_788 : vector<16xf32>
        %add3A_790 = arith.addf %add3A_780, %mul3A_789 : vector<16xf32>
        %mul3A_791 = arith.mulf %broadcast_in_dim3A_454, %get3A_788 : vector<16xf32>
        %add3A_792 = arith.addf %add3A_782, %mul3A_791 : vector<16xf32>
        %get3A_793 = arith.constant 4 : i32
        %get3A_794 = arith.constant 0 : i32
        %get3A_795 = arith.index_cast %get3A_793 : i32 to index
        %get3A_796 = arith.index_cast %get3A_794 : i32 to index
        %get3A_797 = arith.index_cast %mul3A_748 : i32 to index
        %get3A_798 = tpu.vector_load %arg8[%get3A_795, %get3A_796, %get3A_797] {strides = array<i32>} : memref<10x4x768xf32, #tpu.memory_space<vmem>>, vector<16xf32>,
        %mul3A_799 = arith.mulf %broadcast_in_dim3A_457, %get3A_798 : vector<16xf32>
        %add3A_800 = arith.addf %add3A_790, %mul3A_799 : vector<16xf32>
        %mul3A_801 = arith.mulf %broadcast_in_dim3A_460, %get3A_798 : vector<16xf32>
        %add3A_802 = arith.addf %add3A_792, %mul3A_801 : vector<16xf32>
        %get3A_803 = arith.constant 5 : i32
        %get3A_804 = arith.constant 0 : i32
        %get3A_805 = arith.index_cast %get3A_803 : i32 to index
        %get3A_806 = arith.index_cast %get3A_804 : i32 to index
        %get3A_807 = arith.index_cast %mul3A_748 : i32 to index
        %get3A_808 = tpu.vector_load %arg8[%get3A_805, %get3A_806, %get3A_807] {strides = array<i32>} : memref<10x4x768xf32, #tpu.memory_space<vmem>>, vector<16xf32>,
        %mul3A_809 = arith.mulf %broadcast_in_dim3A_463, %get3A_808 : vector<16xf32>
        %add3A_810 = arith.addf %add3A_800, %mul3A_809 : vector<16xf32>
        %mul3A_811 = arith.mulf %broadcast_in_dim3A_466, %get3A_808 : vector<16xf32>
        %add3A_812 = arith.addf %add3A_802, %mul3A_811 : vector<16xf32>
        %get3A_813 = arith.constant 6 : i32
        %get3A_814 = arith.constant 0 : i32
        %get3A_815 = arith.index_cast %get3A_813 : i32 to index
        %get3A_816 = arith.index_cast %get3A_814 : i32 to index
        %get3A_817 = arith.index_cast %mul3A_748 : i32 to index
        %get3A_818 = tpu.vector_load %arg8[%get3A_815, %get3A_816, %get3A_817] {strides = array<i32>} : memref<10x4x768xf32, #tpu.memory_space<vmem>>, vector<16xf32>,
        %mul3A_819 = arith.mulf %broadcast_in_dim3A_469, %get3A_818 : vector<16xf32>
        %add3A_820 = arith.addf %add3A_810, %mul3A_819 : vector<16xf32>
        %mul3A_821 = arith.mulf %broadcast_in_dim3A_472, %get3A_818 : vector<16xf32>
        %add3A_822 = arith.addf %add3A_812, %mul3A_821 : vector<16xf32>
        %get3A_823 = arith.constant 7 : i32
        %get3A_824 = arith.constant 0 : i32
        %get3A_825 = arith.index_cast %get3A_823 : i32 to index
        %get3A_826 = arith.index_cast %get3A_824 : i32 to index
        %get3A_827 = arith.index_cast %mul3A_748 : i32 to index
        %get3A_828 = tpu.vector_load %arg8[%get3A_825, %get3A_826, %get3A_827] {strides = array<i32>} : memref<10x4x768xf32, #tpu.memory_space<vmem>>, vector<16xf32>,
        %mul3A_829 = arith.mulf %broadcast_in_dim3A_475, %get3A_828 : vector<16xf32>
        %add3A_830 = arith.addf %add3A_820, %mul3A_829 : vector<16xf32>
        %mul3A_831 = arith.mulf %broadcast_in_dim3A_478, %get3A_828 : vector<16xf32>
        %add3A_832 = arith.addf %add3A_822, %mul3A_831 : vector<16xf32>
        %get3A_833 = arith.constant 8 : i32
        %get3A_834 = arith.constant 0 : i32
        %get3A_835 = arith.index_cast %get3A_833 : i32 to index
        %get3A_836 = arith.index_cast %get3A_834 : i32 to index
        %get3A_837 = arith.index_cast %mul3A_748 : i32 to index
        %get3A_838 = tpu.vector_load %arg8[%get3A_835, %get3A_836, %get3A_837] {strides = array<i32>} : memref<10x4x768xf32, #tpu.memory_space<vmem>>, vector<16xf32>,
        %mul3A_839 = arith.mulf %broadcast_in_dim3A_481, %get3A_838 : vector<16xf32>
        %add3A_840 = arith.addf %add3A_830, %mul3A_839 : vector<16xf32>
        %mul3A_841 = arith.mulf %broadcast_in_dim3A_484, %get3A_838 : vector<16xf32>
        %add3A_842 = arith.addf %add3A_832, %mul3A_841 : vector<16xf32>
        %get3A_843 = arith.constant 9 : i32
        %get3A_844 = arith.constant 0 : i32
        %get3A_845 = arith.index_cast %get3A_843 : i32 to index
        %get3A_846 = arith.index_cast %get3A_844 : i32 to index
        %get3A_847 = arith.index_cast %mul3A_748 : i32 to index
        %get3A_848 = tpu.vector_load %arg8[%get3A_845, %get3A_846, %get3A_847] {strides = array<i32>} : memref<10x4x768xf32, #tpu.memory_space<vmem>>, vector<16xf32>,
        %mul3A_849 = arith.mulf %broadcast_in_dim3A_487, %get3A_848 : vector<16xf32>
        %add3A_850 = arith.addf %add3A_840, %mul3A_849 : vector<16xf32>
        %mul3A_851 = arith.mulf %broadcast_in_dim3A_490, %get3A_848 : vector<16xf32>
        %add3A_852 = arith.addf %add3A_842, %mul3A_851 : vector<16xf32>
        %swap3A = arith.constant 0 : i32
        %swap3A_853 = arith.constant 0 : i32
        %swap3A_854 = arith.index_cast %swap3A : i32 to index
        %swap3A_855 = arith.index_cast %swap3A_853 : i32 to index
        %swap3A_856 = arith.index_cast %mul3A_748 : i32 to index
        %swap3A_857 = tpu.vector_load %arg10[%swap3A_854, %swap3A_855, %swap3A_856] {strides = array<i32>} : memref<4x2x768xf32, #tpu.memory_space<vmem>>, vector<16xf32>,
        tpu.vector_store %arg10[%swap3A_854, %swap3A_855, %swap3A_856], %add3A_850 {strides = array<i32>} : memref<4x2x768xf32, #tpu.memory_space<vmem>>, vector<16xf32>,
        %swap3A_858 = arith.constant 0 : i32
        %swap3A_859 = arith.constant 1 : i32
        %swap3A_860 = arith.index_cast %swap3A_858 : i32 to index
        %swap3A_861 = arith.index_cast %swap3A_859 : i32 to index
        %swap3A_862 = arith.index_cast %mul3A_748 : i32 to index
        %swap3A_863 = tpu.vector_load %arg10[%swap3A_860, %swap3A_861, %swap3A_862] {strides = array<i32>} : memref<4x2x768xf32, #tpu.memory_space<vmem>>, vector<16xf32>,
        tpu.vector_store %arg10[%swap3A_860, %swap3A_861, %swap3A_862], %add3A_852 {strides = array<i32>} : memref<4x2x768xf32, #tpu.memory_space<vmem>>, vector<16xf32>,
      }
      %scan3A_496 = arith.constant 48 : i32
      %mul3A_497 = arith.constant 4 : i32
      %mul3A_498 = arith.muli %add3A_395, %mul3A_497 : i32
      %add3A_499 = arith.constant 1 : i32
      %add3A_500 = arith.addi %mul3A_498, %add3A_499 : i32
      %mul3A_501 = arith.constant 20 : i32
      %mul3A_502 = arith.muli %add3A_500, %mul3A_501 : i32
      %get3A_503 = arith.index_cast %mul3A_502 : i32 to index
      %get3A_504 = tpu.vector_load %arg11[%get3A_503] {strides = array<i32>} : memref<5120xf32, #tpu.memory_space<vmem>>, vector<16xf32>,
      %add3A_505 = arith.constant 20 : i32
      %add3A_506 = arith.addi %mul3A_502, %add3A_505 : i32
      %sub3A_507 = arith.constant 16 : i32
      %sub3A_508 = arith.subi %add3A_506, %sub3A_507 : i32
      %get3A_509 = arith.index_cast %sub3A_508 : i32 to index
      %get3A_510 = tpu.vector_load %arg11[%get3A_509] {strides = array<i32>} : memref<5120xf32, #tpu.memory_space<vmem>>, vector<16xf32>,
      %slice3A_511 = vector.extract_strided_slice %get3A_504 {offsets = [0], sizes = [1], strides = [1]} : vector<16xf32> to vector<1xf32>
      %squeeze3A_512 = vector.extract %slice3A_511[0] : f32 from vector<1xf32>
      %broadcast_in_dim3A_513 = vector.broadcast %squeeze3A_512 : f32 to vector<16xf32>
      %slice3A_514 = vector.extract_strided_slice %get3A_504 {offsets = [1], sizes = [1], strides = [1]} : vector<16xf32> to vector<1xf32>
      %squeeze3A_515 = vector.extract %slice3A_514[0] : f32 from vector<1xf32>
      %broadcast_in_dim3A_516 = vector.broadcast %squeeze3A_515 : f32 to vector<16xf32>
      %slice3A_517 = vector.extract_strided_slice %get3A_504 {offsets = [2], sizes = [1], strides = [1]} : vector<16xf32> to vector<1xf32>
      %squeeze3A_518 = vector.extract %slice3A_517[0] : f32 from vector<1xf32>
      %broadcast_in_dim3A_519 = vector.broadcast %squeeze3A_518 : f32 to vector<16xf32>
      %slice3A_520 = vector.extract_strided_slice %get3A_504 {offsets = [3], sizes = [1], strides = [1]} : vector<16xf32> to vector<1xf32>
      %squeeze3A_521 = vector.extract %slice3A_520[0] : f32 from vector<1xf32>
      %broadcast_in_dim3A_522 = vector.broadcast %squeeze3A_521 : f32 to vector<16xf32>
      %slice3A_523 = vector.extract_strided_slice %get3A_504 {offsets = [4], sizes = [1], strides = [1]} : vector<16xf32> to vector<1xf32>
      %squeeze3A_524 = vector.extract %slice3A_523[0] : f32 from vector<1xf32>
      %broadcast_in_dim3A_525 = vector.broadcast %squeeze3A_524 : f32 to vector<16xf32>
      %slice3A_526 = vector.extract_strided_slice %get3A_504 {offsets = [5], sizes = [1], strides = [1]} : vector<16xf32> to vector<1xf32>
      %squeeze3A_527 = vector.extract %slice3A_526[0] : f32 from vector<1xf32>
      %broadcast_in_dim3A_528 = vector.broadcast %squeeze3A_527 : f32 to vector<16xf32>
      %slice3A_529 = vector.extract_strided_slice %get3A_504 {offsets = [6], sizes = [1], strides = [1]} : vector<16xf32> to vector<1xf32>
      %squeeze3A_530 = vector.extract %slice3A_529[0] : f32 from vector<1xf32>
      %broadcast_in_dim3A_531 = vector.broadcast %squeeze3A_530 : f32 to vector<16xf32>
      %slice3A_532 = vector.extract_strided_slice %get3A_504 {offsets = [7], sizes = [1], strides = [1]} : vector<16xf32> to vector<1xf32>
      %squeeze3A_533 = vector.extract %slice3A_532[0] : f32 from vector<1xf32>
      %broadcast_in_dim3A_534 = vector.broadcast %squeeze3A_533 : f32 to vector<16xf32>
      %slice3A_535 = vector.extract_strided_slice %get3A_504 {offsets = [8], sizes = [1], strides = [1]} : vector<16xf32> to vector<1xf32>
      %squeeze3A_536 = vector.extract %slice3A_535[0] : f32 from vector<1xf32>
      %broadcast_in_dim3A_537 = vector.broadcast %squeeze3A_536 : f32 to vector<16xf32>
      %slice3A_538 = vector.extract_strided_slice %get3A_504 {offsets = [9], sizes = [1], strides = [1]} : vector<16xf32> to vector<1xf32>
      %squeeze3A_539 = vector.extract %slice3A_538[0] : f32 from vector<1xf32>
      %broadcast_in_dim3A_540 = vector.broadcast %squeeze3A_539 : f32 to vector<16xf32>
      %slice3A_541 = vector.extract_strided_slice %get3A_504 {offsets = [10], sizes = [1], strides = [1]} : vector<16xf32> to vector<1xf32>
      %squeeze3A_542 = vector.extract %slice3A_541[0] : f32 from vector<1xf32>
      %broadcast_in_dim3A_543 = vector.broadcast %squeeze3A_542 : f32 to vector<16xf32>
      %slice3A_544 = vector.extract_strided_slice %get3A_504 {offsets = [11], sizes = [1], strides = [1]} : vector<16xf32> to vector<1xf32>
      %squeeze3A_545 = vector.extract %slice3A_544[0] : f32 from vector<1xf32>
      %broadcast_in_dim3A_546 = vector.broadcast %squeeze3A_545 : f32 to vector<16xf32>
      %slice3A_547 = vector.extract_strided_slice %get3A_504 {offsets = [12], sizes = [1], strides = [1]} : vector<16xf32> to vector<1xf32>
      %squeeze3A_548 = vector.extract %slice3A_547[0] : f32 from vector<1xf32>
      %broadcast_in_dim3A_549 = vector.broadcast %squeeze3A_548 : f32 to vector<16xf32>
      %slice3A_550 = vector.extract_strided_slice %get3A_504 {offsets = [13], sizes = [1], strides = [1]} : vector<16xf32> to vector<1xf32>
      %squeeze3A_551 = vector.extract %slice3A_550[0] : f32 from vector<1xf32>
      %broadcast_in_dim3A_552 = vector.broadcast %squeeze3A_551 : f32 to vector<16xf32>
      %slice3A_553 = vector.extract_strided_slice %get3A_504 {offsets = [14], sizes = [1], strides = [1]} : vector<16xf32> to vector<1xf32>
      %squeeze3A_554 = vector.extract %slice3A_553[0] : f32 from vector<1xf32>
      %broadcast_in_dim3A_555 = vector.broadcast %squeeze3A_554 : f32 to vector<16xf32>
      %slice3A_556 = vector.extract_strided_slice %get3A_504 {offsets = [15], sizes = [1], strides = [1]} : vector<16xf32> to vector<1xf32>
      %squeeze3A_557 = vector.extract %slice3A_556[0] : f32 from vector<1xf32>
      %broadcast_in_dim3A_558 = vector.broadcast %squeeze3A_557 : f32 to vector<16xf32>
      %slice3A_559 = vector.extract_strided_slice %get3A_510 {offsets = [12], sizes = [1], strides = [1]} : vector<16xf32> to vector<1xf32>
      %squeeze3A_560 = vector.extract %slice3A_559[0] : f32 from vector<1xf32>
      %broadcast_in_dim3A_561 = vector.broadcast %squeeze3A_560 : f32 to vector<16xf32>
      %slice3A_562 = vector.extract_strided_slice %get3A_510 {offsets = [13], sizes = [1], strides = [1]} : vector<16xf32> to vector<1xf32>
      %squeeze3A_563 = vector.extract %slice3A_562[0] : f32 from vector<1xf32>
      %broadcast_in_dim3A_564 = vector.broadcast %squeeze3A_563 : f32 to vector<16xf32>
      %slice3A_565 = vector.extract_strided_slice %get3A_510 {offsets = [14], sizes = [1], strides = [1]} : vector<16xf32> to vector<1xf32>
      %squeeze3A_566 = vector.extract %slice3A_565[0] : f32 from vector<1xf32>
      %broadcast_in_dim3A_567 = vector.broadcast %squeeze3A_566 : f32 to vector<16xf32>
      %slice3A_568 = vector.extract_strided_slice %get3A_510 {offsets = [15], sizes = [1], strides = [1]} : vector<16xf32> to vector<1xf32>
      %squeeze3A_569 = vector.extract %slice3A_568[0] : f32 from vector<1xf32>
      %broadcast_in_dim3A_570 = vector.broadcast %squeeze3A_569 : f32 to vector<16xf32>
      %scan3A_571 = arith.constant 0 : i32
      %scan3A_572 = arith.constant 0 : i32
      %scan3A_573 = arith.constant 48 : i32
      %scan3A_574 = arith.addi %scan3A_572, %scan3A_573 : i32
      %scan3A_575 = arith.constant 1 : i32
      scf.for %scan3A_746 = %scan3A_572 to %scan3A_574 step %scan3A_575  : i32 {
        %mul3A_747 = arith.constant 16 : i32
        %mul3A_748 = arith.muli %scan3A_746, %mul3A_747 : i32
        %broadcast_in_dim3A_749 = arith.constant 0.000000e+00 : f32
        %broadcast_in_dim3A_750 = vector.broadcast %broadcast_in_dim3A_749 : f32 to vector<16xf32>
        %broadcast_in_dim3A_751 = arith.constant 0.000000e+00 : f32
        %broadcast_in_dim3A_752 = vector.broadcast %broadcast_in_dim3A_751 : f32 to vector<16xf32>
        %get3A_753 = arith.constant 0 : i32
        %get3A_754 = arith.constant 1 : i32
        %get3A_755 = arith.index_cast %get3A_753 : i32 to index
        %get3A_756 = arith.index_cast %get3A_754 : i32 to index
        %get3A_757 = arith.index_cast %mul3A_748 : i32 to index
        %get3A_758 = tpu.vector_load %arg8[%get3A_755, %get3A_756, %get3A_757] {strides = array<i32>} : memref<10x4x768xf32, #tpu.memory_space<vmem>>, vector<16xf32>,
        %mul3A_759 = arith.mulf %broadcast_in_dim3A_513, %get3A_758 : vector<16xf32>
        %add3A_760 = arith.addf %broadcast_in_dim3A_750, %mul3A_759 : vector<16xf32>
        %mul3A_761 = arith.mulf %broadcast_in_dim3A_516, %get3A_758 : vector<16xf32>
        %add3A_762 = arith.addf %broadcast_in_dim3A_752, %mul3A_761 : vector<16xf32>
        %get3A_763 = arith.constant 1 : i32
        %get3A_764 = arith.constant 1 : i32
        %get3A_765 = arith.index_cast %get3A_763 : i32 to index
        %get3A_766 = arith.index_cast %get3A_764 : i32 to index
        %get3A_767 = arith.index_cast %mul3A_748 : i32 to index
        %get3A_768 = tpu.vector_load %arg8[%get3A_765, %get3A_766, %get3A_767] {strides = array<i32>} : memref<10x4x768xf32, #tpu.memory_space<vmem>>, vector<16xf32>,
        %mul3A_769 = arith.mulf %broadcast_in_dim3A_519, %get3A_768 : vector<16xf32>
        %add3A_770 = arith.addf %add3A_760, %mul3A_769 : vector<16xf32>
        %mul3A_771 = arith.mulf %broadcast_in_dim3A_522, %get3A_768 : vector<16xf32>
        %add3A_772 = arith.addf %add3A_762, %mul3A_771 : vector<16xf32>
        %get3A_773 = arith.constant 2 : i32
        %get3A_774 = arith.constant 1 : i32
        %get3A_775 = arith.index_cast %get3A_773 : i32 to index
        %get3A_776 = arith.index_cast %get3A_774 : i32 to index
        %get3A_777 = arith.index_cast %mul3A_748 : i32 to index
        %get3A_778 = tpu.vector_load %arg8[%get3A_775, %get3A_776, %get3A_777] {strides = array<i32>} : memref<10x4x768xf32, #tpu.memory_space<vmem>>, vector<16xf32>,
        %mul3A_779 = arith.mulf %broadcast_in_dim3A_525, %get3A_778 : vector<16xf32>
        %add3A_780 = arith.addf %add3A_770, %mul3A_779 : vector<16xf32>
        %mul3A_781 = arith.mulf %broadcast_in_dim3A_528, %get3A_778 : vector<16xf32>
        %add3A_782 = arith.addf %add3A_772, %mul3A_781 : vector<16xf32>
        %get3A_783 = arith.constant 3 : i32
        %get3A_784 = arith.constant 1 : i32
        %get3A_785 = arith.index_cast %get3A_783 : i32 to index
        %get3A_786 = arith.index_cast %get3A_784 : i32 to index
        %get3A_787 = arith.index_cast %mul3A_748 : i32 to index
        %get3A_788 = tpu.vector_load %arg8[%get3A_785, %get3A_786, %get3A_787] {strides = array<i32>} : memref<10x4x768xf32, #tpu.memory_space<vmem>>, vector<16xf32>,
        %mul3A_789 = arith.mulf %broadcast_in_dim3A_531, %get3A_788 : vector<16xf32>
        %add3A_790 = arith.addf %add3A_780, %mul3A_789 : vector<16xf32>
        %mul3A_791 = arith.mulf %broadcast_in_dim3A_534, %get3A_788 : vector<16xf32>
        %add3A_792 = arith.addf %add3A_782, %mul3A_791 : vector<16xf32>
        %get3A_793 = arith.constant 4 : i32
        %get3A_794 = arith.constant 1 : i32
        %get3A_795 = arith.index_cast %get3A_793 : i32 to index
        %get3A_796 = arith.index_cast %get3A_794 : i32 to index
        %get3A_797 = arith.index_cast %mul3A_748 : i32 to index
        %get3A_798 = tpu.vector_load %arg8[%get3A_795, %get3A_796, %get3A_797] {strides = array<i32>} : memref<10x4x768xf32, #tpu.memory_space<vmem>>, vector<16xf32>,
        %mul3A_799 = arith.mulf %broadcast_in_dim3A_537, %get3A_798 : vector<16xf32>
        %add3A_800 = arith.addf %add3A_790, %mul3A_799 : vector<16xf32>
        %mul3A_801 = arith.mulf %broadcast_in_dim3A_540, %get3A_798 : vector<16xf32>
        %add3A_802 = arith.addf %add3A_792, %mul3A_801 : vector<16xf32>
        %get3A_803 = arith.constant 5 : i32
        %get3A_804 = arith.constant 1 : i32
        %get3A_805 = arith.index_cast %get3A_803 : i32 to index
        %get3A_806 = arith.index_cast %get3A_804 : i32 to index
        %get3A_807 = arith.index_cast %mul3A_748 : i32 to index
        %get3A_808 = tpu.vector_load %arg8[%get3A_805, %get3A_806, %get3A_807] {strides = array<i32>} : memref<10x4x768xf32, #tpu.memory_space<vmem>>, vector<16xf32>,
        %mul3A_809 = arith.mulf %broadcast_in_dim3A_543, %get3A_808 : vector<16xf32>
        %add3A_810 = arith.addf %add3A_800, %mul3A_809 : vector<16xf32>
        %mul3A_811 = arith.mulf %broadcast_in_dim3A_546, %get3A_808 : vector<16xf32>
        %add3A_812 = arith.addf %add3A_802, %mul3A_811 : vector<16xf32>
        %get3A_813 = arith.constant 6 : i32
        %get3A_814 = arith.constant 1 : i32
        %get3A_815 = arith.index_cast %get3A_813 : i32 to index
        %get3A_816 = arith.index_cast %get3A_814 : i32 to index
        %get3A_817 = arith.index_cast %mul3A_748 : i32 to index
        %get3A_818 = tpu.vector_load %arg8[%get3A_815, %get3A_816, %get3A_817] {strides = array<i32>} : memref<10x4x768xf32, #tpu.memory_space<vmem>>, vector<16xf32>,
        %mul3A_819 = arith.mulf %broadcast_in_dim3A_549, %get3A_818 : vector<16xf32>
        %add3A_820 = arith.addf %add3A_810, %mul3A_819 : vector<16xf32>
        %mul3A_821 = arith.mulf %broadcast_in_dim3A_552, %get3A_818 : vector<16xf32>
        %add3A_822 = arith.addf %add3A_812, %mul3A_821 : vector<16xf32>
        %get3A_823 = arith.constant 7 : i32
        %get3A_824 = arith.constant 1 : i32
        %get3A_825 = arith.index_cast %get3A_823 : i32 to index
        %get3A_826 = arith.index_cast %get3A_824 : i32 to index
        %get3A_827 = arith.index_cast %mul3A_748 : i32 to index
        %get3A_828 = tpu.vector_load %arg8[%get3A_825, %get3A_826, %get3A_827] {strides = array<i32>} : memref<10x4x768xf32, #tpu.memory_space<vmem>>, vector<16xf32>,
        %mul3A_829 = arith.mulf %broadcast_in_dim3A_555, %get3A_828 : vector<16xf32>
        %add3A_830 = arith.addf %add3A_820, %mul3A_829 : vector<16xf32>
        %mul3A_831 = arith.mulf %broadcast_in_dim3A_558, %get3A_828 : vector<16xf32>
        %add3A_832 = arith.addf %add3A_822, %mul3A_831 : vector<16xf32>
        %get3A_833 = arith.constant 8 : i32
        %get3A_834 = arith.constant 1 : i32
        %get3A_835 = arith.index_cast %get3A_833 : i32 to index
        %get3A_836 = arith.index_cast %get3A_834 : i32 to index
        %get3A_837 = arith.index_cast %mul3A_748 : i32 to index
        %get3A_838 = tpu.vector_load %arg8[%get3A_835, %get3A_836, %get3A_837] {strides = array<i32>} : memref<10x4x768xf32, #tpu.memory_space<vmem>>, vector<16xf32>,
        %mul3A_839 = arith.mulf %broadcast_in_dim3A_561, %get3A_838 : vector<16xf32>
        %add3A_840 = arith.addf %add3A_830, %mul3A_839 : vector<16xf32>
        %mul3A_841 = arith.mulf %broadcast_in_dim3A_564, %get3A_838 : vector<16xf32>
        %add3A_842 = arith.addf %add3A_832, %mul3A_841 : vector<16xf32>
        %get3A_843 = arith.constant 9 : i32
        %get3A_844 = arith.constant 1 : i32
        %get3A_845 = arith.index_cast %get3A_843 : i32 to index
        %get3A_846 = arith.index_cast %get3A_844 : i32 to index
        %get3A_847 = arith.index_cast %mul3A_748 : i32 to index
        %get3A_848 = tpu.vector_load %arg8[%get3A_845, %get3A_846, %get3A_847] {strides = array<i32>} : memref<10x4x768xf32, #tpu.memory_space<vmem>>, vector<16xf32>,
        %mul3A_849 = arith.mulf %broadcast_in_dim3A_567, %get3A_848 : vector<16xf32>
        %add3A_850 = arith.addf %add3A_840, %mul3A_849 : vector<16xf32>
        %mul3A_851 = arith.mulf %broadcast_in_dim3A_570, %get3A_848 : vector<16xf32>
        %add3A_852 = arith.addf %add3A_842, %mul3A_851 : vector<16xf32>
        %swap3A = arith.constant 1 : i32
        %swap3A_853 = arith.constant 0 : i32
        %swap3A_854 = arith.index_cast %swap3A : i32 to index
        %swap3A_855 = arith.index_cast %swap3A_853 : i32 to index
        %swap3A_856 = arith.index_cast %mul3A_748 : i32 to index
        %swap3A_857 = tpu.vector_load %arg10[%swap3A_854, %swap3A_855, %swap3A_856] {strides = array<i32>} : memref<4x2x768xf32, #tpu.memory_space<vmem>>, vector<16xf32>,
        tpu.vector_store %arg10[%swap3A_854, %swap3A_855, %swap3A_856], %add3A_850 {strides = array<i32>} : memref<4x2x768xf32, #tpu.memory_space<vmem>>, vector<16xf32>,
        %swap3A_858 = arith.constant 1 : i32
        %swap3A_859 = arith.constant 1 : i32
        %swap3A_860 = arith.index_cast %swap3A_858 : i32 to index
        %swap3A_861 = arith.index_cast %swap3A_859 : i32 to index
        %swap3A_862 = arith.index_cast %mul3A_748 : i32 to index
        %swap3A_863 = tpu.vector_load %arg10[%swap3A_860, %swap3A_861, %swap3A_862] {strides = array<i32>} : memref<4x2x768xf32, #tpu.memory_space<vmem>>, vector<16xf32>,
        tpu.vector_store %arg10[%swap3A_860, %swap3A_861, %swap3A_862], %add3A_852 {strides = array<i32>} : memref<4x2x768xf32, #tpu.memory_space<vmem>>, vector<16xf32>,
      }
      %scan3A_576 = arith.constant 48 : i32
      %mul3A_577 = arith.constant 4 : i32
      %mul3A_578 = arith.muli %add3A_395, %mul3A_577 : i32
      %add3A_579 = arith.constant 2 : i32
      %add3A_580 = arith.addi %mul3A_578, %add3A_579 : i32
      %mul3A_581 = arith.constant 20 : i32
      %mul3A_582 = arith.muli %add3A_580, %mul3A_581 : i32
      %get3A_583 = arith.index_cast %mul3A_582 : i32 to index
      %get3A_584 = tpu.vector_load %arg11[%get3A_583] {strides = array<i32>} : memref<5120xf32, #tpu.memory_space<vmem>>, vector<16xf32>,
      %add3A_585 = arith.constant 20 : i32
      %add3A_586 = arith.addi %mul3A_582, %add3A_585 : i32
      %sub3A_587 = arith.constant 16 : i32
      %sub3A_588 = arith.subi %add3A_586, %sub3A_587 : i32
      %get3A_589 = arith.index_cast %sub3A_588 : i32 to index
      %get3A_590 = tpu.vector_load %arg11[%get3A_589] {strides = array<i32>} : memref<5120xf32, #tpu.memory_space<vmem>>, vector<16xf32>,
      %slice3A_591 = vector.extract_strided_slice %get3A_584 {offsets = [0], sizes = [1], strides = [1]} : vector<16xf32> to vector<1xf32>
      %squeeze3A_592 = vector.extract %slice3A_591[0] : f32 from vector<1xf32>
      %broadcast_in_dim3A_593 = vector.broadcast %squeeze3A_592 : f32 to vector<16xf32>
      %slice3A_594 = vector.extract_strided_slice %get3A_584 {offsets = [1], sizes = [1], strides = [1]} : vector<16xf32> to vector<1xf32>
      %squeeze3A_595 = vector.extract %slice3A_594[0] : f32 from vector<1xf32>
      %broadcast_in_dim3A_596 = vector.broadcast %squeeze3A_595 : f32 to vector<16xf32>
      %slice3A_597 = vector.extract_strided_slice %get3A_584 {offsets = [2], sizes = [1], strides = [1]} : vector<16xf32> to vector<1xf32>
      %squeeze3A_598 = vector.extract %slice3A_597[0] : f32 from vector<1xf32>
      %broadcast_in_dim3A_599 = vector.broadcast %squeeze3A_598 : f32 to vector<16xf32>
      %slice3A_600 = vector.extract_strided_slice %get3A_584 {offsets = [3], sizes = [1], strides = [1]} : vector<16xf32> to vector<1xf32>
      %squeeze3A_601 = vector.extract %slice3A_600[0] : f32 from vector<1xf32>
      %broadcast_in_dim3A_602 = vector.broadcast %squeeze3A_601 : f32 to vector<16xf32>
      %slice3A_603 = vector.extract_strided_slice %get3A_584 {offsets = [4], sizes = [1], strides = [1]} : vector<16xf32> to vector<1xf32>
      %squeeze3A_604 = vector.extract %slice3A_603[0] : f32 from vector<1xf32>
      %broadcast_in_dim3A_605 = vector.broadcast %squeeze3A_604 : f32 to vector<16xf32>
      %slice3A_606 = vector.extract_strided_slice %get3A_584 {offsets = [5], sizes = [1], strides = [1]} : vector<16xf32> to vector<1xf32>
      %squeeze3A_607 = vector.extract %slice3A_606[0] : f32 from vector<1xf32>
      %broadcast_in_dim3A_608 = vector.broadcast %squeeze3A_607 : f32 to vector<16xf32>
      %slice3A_609 = vector.extract_strided_slice %get3A_584 {offsets = [6], sizes = [1], strides = [1]} : vector<16xf32> to vector<1xf32>
      %squeeze3A_610 = vector.extract %slice3A_609[0] : f32 from vector<1xf32>
      %broadcast_in_dim3A_611 = vector.broadcast %squeeze3A_610 : f32 to vector<16xf32>
      %slice3A_612 = vector.extract_strided_slice %get3A_584 {offsets = [7], sizes = [1], strides = [1]} : vector<16xf32> to vector<1xf32>
      %squeeze3A_613 = vector.extract %slice3A_612[0] : f32 from vector<1xf32>
      %broadcast_in_dim3A_614 = vector.broadcast %squeeze3A_613 : f32 to vector<16xf32>
      %slice3A_615 = vector.extract_strided_slice %get3A_584 {offsets = [8], sizes = [1], strides = [1]} : vector<16xf32> to vector<1xf32>
      %squeeze3A_616 = vector.extract %slice3A_615[0] : f32 from vector<1xf32>
      %broadcast_in_dim3A_617 = vector.broadcast %squeeze3A_616 : f32 to vector<16xf32>
      %slice3A_618 = vector.extract_strided_slice %get3A_584 {offsets = [9], sizes = [1], strides = [1]} : vector<16xf32> to vector<1xf32>
      %squeeze3A_619 = vector.extract %slice3A_618[0] : f32 from vector<1xf32>
      %broadcast_in_dim3A_620 = vector.broadcast %squeeze3A_619 : f32 to vector<16xf32>
      %slice3A_621 = vector.extract_strided_slice %get3A_584 {offsets = [10], sizes = [1], strides = [1]} : vector<16xf32> to vector<1xf32>
      %squeeze3A_622 = vector.extract %slice3A_621[0] : f32 from vector<1xf32>
      %broadcast_in_dim3A_623 = vector.broadcast %squeeze3A_622 : f32 to vector<16xf32>
      %slice3A_624 = vector.extract_strided_slice %get3A_584 {offsets = [11], sizes = [1], strides = [1]} : vector<16xf32> to vector<1xf32>
      %squeeze3A_625 = vector.extract %slice3A_624[0] : f32 from vector<1xf32>
      %broadcast_in_dim3A_626 = vector.broadcast %squeeze3A_625 : f32 to vector<16xf32>
      %slice3A_627 = vector.extract_strided_slice %get3A_584 {offsets = [12], sizes = [1], strides = [1]} : vector<16xf32> to vector<1xf32>
      %squeeze3A_628 = vector.extract %slice3A_627[0] : f32 from vector<1xf32>
      %broadcast_in_dim3A_629 = vector.broadcast %squeeze3A_628 : f32 to vector<16xf32>
      %slice3A_630 = vector.extract_strided_slice %get3A_584 {offsets = [13], sizes = [1], strides = [1]} : vector<16xf32> to vector<1xf32>
      %squeeze3A_631 = vector.extract %slice3A_630[0] : f32 from vector<1xf32>
      %broadcast_in_dim3A_632 = vector.broadcast %squeeze3A_631 : f32 to vector<16xf32>
      %slice3A_633 = vector.extract_strided_slice %get3A_584 {offsets = [14], sizes = [1], strides = [1]} : vector<16xf32> to vector<1xf32>
      %squeeze3A_634 = vector.extract %slice3A_633[0] : f32 from vector<1xf32>
      %broadcast_in_dim3A_635 = vector.broadcast %squeeze3A_634 : f32 to vector<16xf32>
      %slice3A_636 = vector.extract_strided_slice %get3A_584 {offsets = [15], sizes = [1], strides = [1]} : vector<16xf32> to vector<1xf32>
      %squeeze3A_637 = vector.extract %slice3A_636[0] : f32 from vector<1xf32>
      %broadcast_in_dim3A_638 = vector.broadcast %squeeze3A_637 : f32 to vector<16xf32>
      %slice3A_639 = vector.extract_strided_slice %get3A_590 {offsets = [12], sizes = [1], strides = [1]} : vector<16xf32> to vector<1xf32>
      %squeeze3A_640 = vector.extract %slice3A_639[0] : f32 from vector<1xf32>
      %broadcast_in_dim3A_641 = vector.broadcast %squeeze3A_640 : f32 to vector<16xf32>
      %slice3A_642 = vector.extract_strided_slice %get3A_590 {offsets = [13], sizes = [1], strides = [1]} : vector<16xf32> to vector<1xf32>
      %squeeze3A_643 = vector.extract %slice3A_642[0] : f32 from vector<1xf32>
      %broadcast_in_dim3A_644 = vector.broadcast %squeeze3A_643 : f32 to vector<16xf32>
      %slice3A_645 = vector.extract_strided_slice %get3A_590 {offsets = [14], sizes = [1], strides = [1]} : vector<16xf32> to vector<1xf32>
      %squeeze3A_646 = vector.extract %slice3A_645[0] : f32 from vector<1xf32>
      %broadcast_in_dim3A_647 = vector.broadcast %squeeze3A_646 : f32 to vector<16xf32>
      %slice3A_648 = vector.extract_strided_slice %get3A_590 {offsets = [15], sizes = [1], strides = [1]} : vector<16xf32> to vector<1xf32>
      %squeeze3A_649 = vector.extract %slice3A_648[0] : f32 from vector<1xf32>
      %broadcast_in_dim3A_650 = vector.broadcast %squeeze3A_649 : f32 to vector<16xf32>
      %scan3A_651 = arith.constant 0 : i32
      %scan3A_652 = arith.constant 0 : i32
      %scan3A_653 = arith.constant 48 : i32
      %scan3A_654 = arith.addi %scan3A_652, %scan3A_653 : i32
      %scan3A_655 = arith.constant 1 : i32
      scf.for %scan3A_746 = %scan3A_652 to %scan3A_654 step %scan3A_655  : i32 {
        %mul3A_747 = arith.constant 16 : i32
        %mul3A_748 = arith.muli %scan3A_746, %mul3A_747 : i32
        %broadcast_in_dim3A_749 = arith.constant 0.000000e+00 : f32
        %broadcast_in_dim3A_750 = vector.broadcast %broadcast_in_dim3A_749 : f32 to vector<16xf32>
        %broadcast_in_dim3A_751 = arith.constant 0.000000e+00 : f32
        %broadcast_in_dim3A_752 = vector.broadcast %broadcast_in_dim3A_751 : f32 to vector<16xf32>
        %get3A_753 = arith.constant 0 : i32
        %get3A_754 = arith.constant 2 : i32
        %get3A_755 = arith.index_cast %get3A_753 : i32 to index
        %get3A_756 = arith.index_cast %get3A_754 : i32 to index
        %get3A_757 = arith.index_cast %mul3A_748 : i32 to index
        %get3A_758 = tpu.vector_load %arg8[%get3A_755, %get3A_756, %get3A_757] {strides = array<i32>} : memref<10x4x768xf32, #tpu.memory_space<vmem>>, vector<16xf32>,
        %mul3A_759 = arith.mulf %broadcast_in_dim3A_593, %get3A_758 : vector<16xf32>
        %add3A_760 = arith.addf %broadcast_in_dim3A_750, %mul3A_759 : vector<16xf32>
        %mul3A_761 = arith.mulf %broadcast_in_dim3A_596, %get3A_758 : vector<16xf32>
        %add3A_762 = arith.addf %broadcast_in_dim3A_752, %mul3A_761 : vector<16xf32>
        %get3A_763 = arith.constant 1 : i32
        %get3A_764 = arith.constant 2 : i32
        %get3A_765 = arith.index_cast %get3A_763 : i32 to index
        %get3A_766 = arith.index_cast %get3A_764 : i32 to index
        %get3A_767 = arith.index_cast %mul3A_748 : i32 to index
        %get3A_768 = tpu.vector_load %arg8[%get3A_765, %get3A_766, %get3A_767] {strides = array<i32>} : memref<10x4x768xf32, #tpu.memory_space<vmem>>, vector<16xf32>,
        %mul3A_769 = arith.mulf %broadcast_in_dim3A_599, %get3A_768 : vector<16xf32>
        %add3A_770 = arith.addf %add3A_760, %mul3A_769 : vector<16xf32>
        %mul3A_771 = arith.mulf %broadcast_in_dim3A_602, %get3A_768 : vector<16xf32>
        %add3A_772 = arith.addf %add3A_762, %mul3A_771 : vector<16xf32>
        %get3A_773 = arith.constant 2 : i32
        %get3A_774 = arith.constant 2 : i32
        %get3A_775 = arith.index_cast %get3A_773 : i32 to index
        %get3A_776 = arith.index_cast %get3A_774 : i32 to index
        %get3A_777 = arith.index_cast %mul3A_748 : i32 to index
        %get3A_778 = tpu.vector_load %arg8[%get3A_775, %get3A_776, %get3A_777] {strides = array<i32>} : memref<10x4x768xf32, #tpu.memory_space<vmem>>, vector<16xf32>,
        %mul3A_779 = arith.mulf %broadcast_in_dim3A_605, %get3A_778 : vector<16xf32>
        %add3A_780 = arith.addf %add3A_770, %mul3A_779 : vector<16xf32>
        %mul3A_781 = arith.mulf %broadcast_in_dim3A_608, %get3A_778 : vector<16xf32>
        %add3A_782 = arith.addf %add3A_772, %mul3A_781 : vector<16xf32>
        %get3A_783 = arith.constant 3 : i32
        %get3A_784 = arith.constant 2 : i32
        %get3A_785 = arith.index_cast %get3A_783 : i32 to index
        %get3A_786 = arith.index_cast %get3A_784 : i32 to index
        %get3A_787 = arith.index_cast %mul3A_748 : i32 to index
        %get3A_788 = tpu.vector_load %arg8[%get3A_785, %get3A_786, %get3A_787] {strides = array<i32>} : memref<10x4x768xf32, #tpu.memory_space<vmem>>, vector<16xf32>,
        %mul3A_789 = arith.mulf %broadcast_in_dim3A_611, %get3A_788 : vector<16xf32>
        %add3A_790 = arith.addf %add3A_780, %mul3A_789 : vector<16xf32>
        %mul3A_791 = arith.mulf %broadcast_in_dim3A_614, %get3A_788 : vector<16xf32>
        %add3A_792 = arith.addf %add3A_782, %mul3A_791 : vector<16xf32>
        %get3A_793 = arith.constant 4 : i32
        %get3A_794 = arith.constant 2 : i32
        %get3A_795 = arith.index_cast %get3A_793 : i32 to index
        %get3A_796 = arith.index_cast %get3A_794 : i32 to index
        %get3A_797 = arith.index_cast %mul3A_748 : i32 to index
        %get3A_798 = tpu.vector_load %arg8[%get3A_795, %get3A_796, %get3A_797] {strides = array<i32>} : memref<10x4x768xf32, #tpu.memory_space<vmem>>, vector<16xf32>,
        %mul3A_799 = arith.mulf %broadcast_in_dim3A_617, %get3A_798 : vector<16xf32>
        %add3A_800 = arith.addf %add3A_790, %mul3A_799 : vector<16xf32>
        %mul3A_801 = arith.mulf %broadcast_in_dim3A_620, %get3A_798 : vector<16xf32>
        %add3A_802 = arith.addf %add3A_792, %mul3A_801 : vector<16xf32>
        %get3A_803 = arith.constant 5 : i32
        %get3A_804 = arith.constant 2 : i32
        %get3A_805 = arith.index_cast %get3A_803 : i32 to index
        %get3A_806 = arith.index_cast %get3A_804 : i32 to index
        %get3A_807 = arith.index_cast %mul3A_748 : i32 to index
        %get3A_808 = tpu.vector_load %arg8[%get3A_805, %get3A_806, %get3A_807] {strides = array<i32>} : memref<10x4x768xf32, #tpu.memory_space<vmem>>, vector<16xf32>,
        %mul3A_809 = arith.mulf %broadcast_in_dim3A_623, %get3A_808 : vector<16xf32>
        %add3A_810 = arith.addf %add3A_800, %mul3A_809 : vector<16xf32>
        %mul3A_811 = arith.mulf %broadcast_in_dim3A_626, %get3A_808 : vector<16xf32>
        %add3A_812 = arith.addf %add3A_802, %mul3A_811 : vector<16xf32>
        %get3A_813 = arith.constant 6 : i32
        %get3A_814 = arith.constant 2 : i32
        %get3A_815 = arith.index_cast %get3A_813 : i32 to index
        %get3A_816 = arith.index_cast %get3A_814 : i32 to index
        %get3A_817 = arith.index_cast %mul3A_748 : i32 to index
        %get3A_818 = tpu.vector_load %arg8[%get3A_815, %get3A_816, %get3A_817] {strides = array<i32>} : memref<10x4x768xf32, #tpu.memory_space<vmem>>, vector<16xf32>,
        %mul3A_819 = arith.mulf %broadcast_in_dim3A_629, %get3A_818 : vector<16xf32>
        %add3A_820 = arith.addf %add3A_810, %mul3A_819 : vector<16xf32>
        %mul3A_821 = arith.mulf %broadcast_in_dim3A_632, %get3A_818 : vector<16xf32>
        %add3A_822 = arith.addf %add3A_812, %mul3A_821 : vector<16xf32>
        %get3A_823 = arith.constant 7 : i32
        %get3A_824 = arith.constant 2 : i32
        %get3A_825 = arith.index_cast %get3A_823 : i32 to index
        %get3A_826 = arith.index_cast %get3A_824 : i32 to index
        %get3A_827 = arith.index_cast %mul3A_748 : i32 to index
        %get3A_828 = tpu.vector_load %arg8[%get3A_825, %get3A_826, %get3A_827] {strides = array<i32>} : memref<10x4x768xf32, #tpu.memory_space<vmem>>, vector<16xf32>,
        %mul3A_829 = arith.mulf %broadcast_in_dim3A_635, %get3A_828 : vector<16xf32>
        %add3A_830 = arith.addf %add3A_820, %mul3A_829 : vector<16xf32>
        %mul3A_831 = arith.mulf %broadcast_in_dim3A_638, %get3A_828 : vector<16xf32>
        %add3A_832 = arith.addf %add3A_822, %mul3A_831 : vector<16xf32>
        %get3A_833 = arith.constant 8 : i32
        %get3A_834 = arith.constant 2 : i32
        %get3A_835 = arith.index_cast %get3A_833 : i32 to index
        %get3A_836 = arith.index_cast %get3A_834 : i32 to index
        %get3A_837 = arith.index_cast %mul3A_748 : i32 to index
        %get3A_838 = tpu.vector_load %arg8[%get3A_835, %get3A_836, %get3A_837] {strides = array<i32>} : memref<10x4x768xf32, #tpu.memory_space<vmem>>, vector<16xf32>,
        %mul3A_839 = arith.mulf %broadcast_in_dim3A_641, %get3A_838 : vector<16xf32>
        %add3A_840 = arith.addf %add3A_830, %mul3A_839 : vector<16xf32>
        %mul3A_841 = arith.mulf %broadcast_in_dim3A_644, %get3A_838 : vector<16xf32>
        %add3A_842 = arith.addf %add3A_832, %mul3A_841 : vector<16xf32>
        %get3A_843 = arith.constant 9 : i32
        %get3A_844 = arith.constant 2 : i32
        %get3A_845 = arith.index_cast %get3A_843 : i32 to index
        %get3A_846 = arith.index_cast %get3A_844 : i32 to index
        %get3A_847 = arith.index_cast %mul3A_748 : i32 to index
        %get3A_848 = tpu.vector_load %arg8[%get3A_845, %get3A_846, %get3A_847] {strides = array<i32>} : memref<10x4x768xf32, #tpu.memory_space<vmem>>, vector<16xf32>,
        %mul3A_849 = arith.mulf %broadcast_in_dim3A_647, %get3A_848 : vector<16xf32>
        %add3A_850 = arith.addf %add3A_840, %mul3A_849 : vector<16xf32>
        %mul3A_851 = arith.mulf %broadcast_in_dim3A_650, %get3A_848 : vector<16xf32>
        %add3A_852 = arith.addf %add3A_842, %mul3A_851 : vector<16xf32>
        %swap3A = arith.constant 2 : i32
        %swap3A_853 = arith.constant 0 : i32
        %swap3A_854 = arith.index_cast %swap3A : i32 to index
        %swap3A_855 = arith.index_cast %swap3A_853 : i32 to index
        %swap3A_856 = arith.index_cast %mul3A_748 : i32 to index
        %swap3A_857 = tpu.vector_load %arg10[%swap3A_854, %swap3A_855, %swap3A_856] {strides = array<i32>} : memref<4x2x768xf32, #tpu.memory_space<vmem>>, vector<16xf32>,
        tpu.vector_store %arg10[%swap3A_854, %swap3A_855, %swap3A_856], %add3A_850 {strides = array<i32>} : memref<4x2x768xf32, #tpu.memory_space<vmem>>, vector<16xf32>,
        %swap3A_858 = arith.constant 2 : i32
        %swap3A_859 = arith.constant 1 : i32
        %swap3A_860 = arith.index_cast %swap3A_858 : i32 to index
        %swap3A_861 = arith.index_cast %swap3A_859 : i32 to index
        %swap3A_862 = arith.index_cast %mul3A_748 : i32 to index
        %swap3A_863 = tpu.vector_load %arg10[%swap3A_860, %swap3A_861, %swap3A_862] {strides = array<i32>} : memref<4x2x768xf32, #tpu.memory_space<vmem>>, vector<16xf32>,
        tpu.vector_store %arg10[%swap3A_860, %swap3A_861, %swap3A_862], %add3A_852 {strides = array<i32>} : memref<4x2x768xf32, #tpu.memory_space<vmem>>, vector<16xf32>,
      }
      %scan3A_656 = arith.constant 48 : i32
      %mul3A_657 = arith.constant 4 : i32
      %mul3A_658 = arith.muli %add3A_395, %mul3A_657 : i32
      %add3A_659 = arith.constant 3 : i32
      %add3A_660 = arith.addi %mul3A_658, %add3A_659 : i32
      %mul3A_661 = arith.constant 20 : i32
      %mul3A_662 = arith.muli %add3A_660, %mul3A_661 : i32
      %get3A_663 = arith.index_cast %mul3A_662 : i32 to index
      %get3A_664 = tpu.vector_load %arg11[%get3A_663] {strides = array<i32>} : memref<5120xf32, #tpu.memory_space<vmem>>, vector<16xf32>,
      %add3A_665 = arith.constant 20 : i32
      %add3A_666 = arith.addi %mul3A_662, %add3A_665 : i32
      %sub3A_667 = arith.constant 16 : i32
      %sub3A_668 = arith.subi %add3A_666, %sub3A_667 : i32
      %get3A_669 = arith.index_cast %sub3A_668 : i32 to index
      %get3A_670 = tpu.vector_load %arg11[%get3A_669] {strides = array<i32>} : memref<5120xf32, #tpu.memory_space<vmem>>, vector<16xf32>,
      %slice3A_671 = vector.extract_strided_slice %get3A_664 {offsets = [0], sizes = [1], strides = [1]} : vector<16xf32> to vector<1xf32>
      %squeeze3A_672 = vector.extract %slice3A_671[0] : f32 from vector<1xf32>
      %broadcast_in_dim3A_673 = vector.broadcast %squeeze3A_672 : f32 to vector<16xf32>
      %slice3A_674 = vector.extract_strided_slice %get3A_664 {offsets = [1], sizes = [1], strides = [1]} : vector<16xf32> to vector<1xf32>
      %squeeze3A_675 = vector.extract %slice3A_674[0] : f32 from vector<1xf32>
      %broadcast_in_dim3A_676 = vector.broadcast %squeeze3A_675 : f32 to vector<16xf32>
      %slice3A_677 = vector.extract_strided_slice %get3A_664 {offsets = [2], sizes = [1], strides = [1]} : vector<16xf32> to vector<1xf32>
      %squeeze3A_678 = vector.extract %slice3A_677[0] : f32 from vector<1xf32>
      %broadcast_in_dim3A_679 = vector.broadcast %squeeze3A_678 : f32 to vector<16xf32>
      %slice3A_680 = vector.extract_strided_slice %get3A_664 {offsets = [3], sizes = [1], strides = [1]} : vector<16xf32> to vector<1xf32>
      %squeeze3A_681 = vector.extract %slice3A_680[0] : f32 from vector<1xf32>
      %broadcast_in_dim3A_682 = vector.broadcast %squeeze3A_681 : f32 to vector<16xf32>
      %slice3A_683 = vector.extract_strided_slice %get3A_664 {offsets = [4], sizes = [1], strides = [1]} : vector<16xf32> to vector<1xf32>
      %squeeze3A_684 = vector.extract %slice3A_683[0] : f32 from vector<1xf32>
      %broadcast_in_dim3A_685 = vector.broadcast %squeeze3A_684 : f32 to vector<16xf32>
      %slice3A_686 = vector.extract_strided_slice %get3A_664 {offsets = [5], sizes = [1], strides = [1]} : vector<16xf32> to vector<1xf32>
      %squeeze3A_687 = vector.extract %slice3A_686[0] : f32 from vector<1xf32>
      %broadcast_in_dim3A_688 = vector.broadcast %squeeze3A_687 : f32 to vector<16xf32>
      %slice3A_689 = vector.extract_strided_slice %get3A_664 {offsets = [6], sizes = [1], strides = [1]} : vector<16xf32> to vector<1xf32>
      %squeeze3A_690 = vector.extract %slice3A_689[0] : f32 from vector<1xf32>
      %broadcast_in_dim3A_691 = vector.broadcast %squeeze3A_690 : f32 to vector<16xf32>
      %slice3A_692 = vector.extract_strided_slice %get3A_664 {offsets = [7], sizes = [1], strides = [1]} : vector<16xf32> to vector<1xf32>
      %squeeze3A_693 = vector.extract %slice3A_692[0] : f32 from vector<1xf32>
      %broadcast_in_dim3A_694 = vector.broadcast %squeeze3A_693 : f32 to vector<16xf32>
      %slice3A_695 = vector.extract_strided_slice %get3A_664 {offsets = [8], sizes = [1], strides = [1]} : vector<16xf32> to vector<1xf32>
      %squeeze3A_696 = vector.extract %slice3A_695[0] : f32 from vector<1xf32>
      %broadcast_in_dim3A_697 = vector.broadcast %squeeze3A_696 : f32 to vector<16xf32>
      %slice3A_698 = vector.extract_strided_slice %get3A_664 {offsets = [9], sizes = [1], strides = [1]} : vector<16xf32> to vector<1xf32>
      %squeeze3A_699 = vector.extract %slice3A_698[0] : f32 from vector<1xf32>
      %broadcast_in_dim3A_700 = vector.broadcast %squeeze3A_699 : f32 to vector<16xf32>
      %slice3A_701 = vector.extract_strided_slice %get3A_664 {offsets = [10], sizes = [1], strides = [1]} : vector<16xf32> to vector<1xf32>
      %squeeze3A_702 = vector.extract %slice3A_701[0] : f32 from vector<1xf32>
      %broadcast_in_dim3A_703 = vector.broadcast %squeeze3A_702 : f32 to vector<16xf32>
      %slice3A_704 = vector.extract_strided_slice %get3A_664 {offsets = [11], sizes = [1], strides = [1]} : vector<16xf32> to vector<1xf32>
      %squeeze3A_705 = vector.extract %slice3A_704[0] : f32 from vector<1xf32>
      %broadcast_in_dim3A_706 = vector.broadcast %squeeze3A_705 : f32 to vector<16xf32>
      %slice3A_707 = vector.extract_strided_slice %get3A_664 {offsets = [12], sizes = [1], strides = [1]} : vector<16xf32> to vector<1xf32>
      %squeeze3A_708 = vector.extract %slice3A_707[0] : f32 from vector<1xf32>
      %broadcast_in_dim3A_709 = vector.broadcast %squeeze3A_708 : f32 to vector<16xf32>
      %slice3A_710 = vector.extract_strided_slice %get3A_664 {offsets = [13], sizes = [1], strides = [1]} : vector<16xf32> to vector<1xf32>
      %squeeze3A_711 = vector.extract %slice3A_710[0] : f32 from vector<1xf32>
      %broadcast_in_dim3A_712 = vector.broadcast %squeeze3A_711 : f32 to vector<16xf32>
      %slice3A_713 = vector.extract_strided_slice %get3A_664 {offsets = [14], sizes = [1], strides = [1]} : vector<16xf32> to vector<1xf32>
      %squeeze3A_714 = vector.extract %slice3A_713[0] : f32 from vector<1xf32>
      %broadcast_in_dim3A_715 = vector.broadcast %squeeze3A_714 : f32 to vector<16xf32>
      %slice3A_716 = vector.extract_strided_slice %get3A_664 {offsets = [15], sizes = [1], strides = [1]} : vector<16xf32> to vector<1xf32>
      %squeeze3A_717 = vector.extract %slice3A_716[0] : f32 from vector<1xf32>
      %broadcast_in_dim3A_718 = vector.broadcast %squeeze3A_717 : f32 to vector<16xf32>
      %slice3A_719 = vector.extract_strided_slice %get3A_670 {offsets = [12], sizes = [1], strides = [1]} : vector<16xf32> to vector<1xf32>
      %squeeze3A_720 = vector.extract %slice3A_719[0] : f32 from vector<1xf32>
      %broadcast_in_dim3A_721 = vector.broadcast %squeeze3A_720 : f32 to vector<16xf32>
      %slice3A_722 = vector.extract_strided_slice %get3A_670 {offsets = [13], sizes = [1], strides = [1]} : vector<16xf32> to vector<1xf32>
      %squeeze3A_723 = vector.extract %slice3A_722[0] : f32 from vector<1xf32>
      %broadcast_in_dim3A_724 = vector.broadcast %squeeze3A_723 : f32 to vector<16xf32>
      %slice3A_725 = vector.extract_strided_slice %get3A_670 {offsets = [14], sizes = [1], strides = [1]} : vector<16xf32> to vector<1xf32>
      %squeeze3A_726 = vector.extract %slice3A_725[0] : f32 from vector<1xf32>
      %broadcast_in_dim3A_727 = vector.broadcast %squeeze3A_726 : f32 to vector<16xf32>
      %slice3A_728 = vector.extract_strided_slice %get3A_670 {offsets = [15], sizes = [1], strides = [1]} : vector<16xf32> to vector<1xf32>
      %squeeze3A_729 = vector.extract %slice3A_728[0] : f32 from vector<1xf32>
      %broadcast_in_dim3A_730 = vector.broadcast %squeeze3A_729 : f32 to vector<16xf32>
      %scan3A_731 = arith.constant 0 : i32
      %scan3A_732 = arith.constant 0 : i32
      %scan3A_733 = arith.constant 48 : i32
      %scan3A_734 = arith.addi %scan3A_732, %scan3A_733 : i32
      %scan3A_735 = arith.constant 1 : i32
      scf.for %scan3A_746 = %scan3A_732 to %scan3A_734 step %scan3A_735  : i32 {
        %mul3A_747 = arith.constant 16 : i32
        %mul3A_748 = arith.muli %scan3A_746, %mul3A_747 : i32
        %broadcast_in_dim3A_749 = arith.constant 0.000000e+00 : f32
        %broadcast_in_dim3A_750 = vector.broadcast %broadcast_in_dim3A_749 : f32 to vector<16xf32>
        %broadcast_in_dim3A_751 = arith.constant 0.000000e+00 : f32
        %broadcast_in_dim3A_752 = vector.broadcast %broadcast_in_dim3A_751 : f32 to vector<16xf32>
        %get3A_753 = arith.constant 0 : i32
        %get3A_754 = arith.constant 3 : i32
        %get3A_755 = arith.index_cast %get3A_753 : i32 to index
        %get3A_756 = arith.index_cast %get3A_754 : i32 to index
        %get3A_757 = arith.index_cast %mul3A_748 : i32 to index
        %get3A_758 = tpu.vector_load %arg8[%get3A_755, %get3A_756, %get3A_757] {strides = array<i32>} : memref<10x4x768xf32, #tpu.memory_space<vmem>>, vector<16xf32>,
        %mul3A_759 = arith.mulf %broadcast_in_dim3A_673, %get3A_758 : vector<16xf32>
        %add3A_760 = arith.addf %broadcast_in_dim3A_750, %mul3A_759 : vector<16xf32>
        %mul3A_761 = arith.mulf %broadcast_in_dim3A_676, %get3A_758 : vector<16xf32>
        %add3A_762 = arith.addf %broadcast_in_dim3A_752, %mul3A_761 : vector<16xf32>
        %get3A_763 = arith.constant 1 : i32
        %get3A_764 = arith.constant 3 : i32
        %get3A_765 = arith.index_cast %get3A_763 : i32 to index
        %get3A_766 = arith.index_cast %get3A_764 : i32 to index
        %get3A_767 = arith.index_cast %mul3A_748 : i32 to index
        %get3A_768 = tpu.vector_load %arg8[%get3A_765, %get3A_766, %get3A_767] {strides = array<i32>} : memref<10x4x768xf32, #tpu.memory_space<vmem>>, vector<16xf32>,
        %mul3A_769 = arith.mulf %broadcast_in_dim3A_679, %get3A_768 : vector<16xf32>
        %add3A_770 = arith.addf %add3A_760, %mul3A_769 : vector<16xf32>
        %mul3A_771 = arith.mulf %broadcast_in_dim3A_682, %get3A_768 : vector<16xf32>
        %add3A_772 = arith.addf %add3A_762, %mul3A_771 : vector<16xf32>
        %get3A_773 = arith.constant 2 : i32
        %get3A_774 = arith.constant 3 : i32
        %get3A_775 = arith.index_cast %get3A_773 : i32 to index
        %get3A_776 = arith.index_cast %get3A_774 : i32 to index
        %get3A_777 = arith.index_cast %mul3A_748 : i32 to index
        %get3A_778 = tpu.vector_load %arg8[%get3A_775, %get3A_776, %get3A_777] {strides = array<i32>} : memref<10x4x768xf32, #tpu.memory_space<vmem>>, vector<16xf32>,
        %mul3A_779 = arith.mulf %broadcast_in_dim3A_685, %get3A_778 : vector<16xf32>
        %add3A_780 = arith.addf %add3A_770, %mul3A_779 : vector<16xf32>
        %mul3A_781 = arith.mulf %broadcast_in_dim3A_688, %get3A_778 : vector<16xf32>
        %add3A_782 = arith.addf %add3A_772, %mul3A_781 : vector<16xf32>
        %get3A_783 = arith.constant 3 : i32
        %get3A_784 = arith.constant 3 : i32
        %get3A_785 = arith.index_cast %get3A_783 : i32 to index
        %get3A_786 = arith.index_cast %get3A_784 : i32 to index
        %get3A_787 = arith.index_cast %mul3A_748 : i32 to index
        %get3A_788 = tpu.vector_load %arg8[%get3A_785, %get3A_786, %get3A_787] {strides = array<i32>} : memref<10x4x768xf32, #tpu.memory_space<vmem>>, vector<16xf32>,
        %mul3A_789 = arith.mulf %broadcast_in_dim3A_691, %get3A_788 : vector<16xf32>
        %add3A_790 = arith.addf %add3A_780, %mul3A_789 : vector<16xf32>
        %mul3A_791 = arith.mulf %broadcast_in_dim3A_694, %get3A_788 : vector<16xf32>
        %add3A_792 = arith.addf %add3A_782, %mul3A_791 : vector<16xf32>
        %get3A_793 = arith.constant 4 : i32
        %get3A_794 = arith.constant 3 : i32
        %get3A_795 = arith.index_cast %get3A_793 : i32 to index
        %get3A_796 = arith.index_cast %get3A_794 : i32 to index
        %get3A_797 = arith.index_cast %mul3A_748 : i32 to index
        %get3A_798 = tpu.vector_load %arg8[%get3A_795, %get3A_796, %get3A_797] {strides = array<i32>} : memref<10x4x768xf32, #tpu.memory_space<vmem>>, vector<16xf32>,
        %mul3A_799 = arith.mulf %broadcast_in_dim3A_697, %get3A_798 : vector<16xf32>
        %add3A_800 = arith.addf %add3A_790, %mul3A_799 : vector<16xf32>
        %mul3A_801 = arith.mulf %broadcast_in_dim3A_700, %get3A_798 : vector<16xf32>
        %add3A_802 = arith.addf %add3A_792, %mul3A_801 : vector<16xf32>
        %get3A_803 = arith.constant 5 : i32
        %get3A_804 = arith.constant 3 : i32
        %get3A_805 = arith.index_cast %get3A_803 : i32 to index
        %get3A_806 = arith.index_cast %get3A_804 : i32 to index
        %get3A_807 = arith.index_cast %mul3A_748 : i32 to index
        %get3A_808 = tpu.vector_load %arg8[%get3A_805, %get3A_806, %get3A_807] {strides = array<i32>} : memref<10x4x768xf32, #tpu.memory_space<vmem>>, vector<16xf32>,
        %mul3A_809 = arith.mulf %broadcast_in_dim3A_703, %get3A_808 : vector<16xf32>
        %add3A_810 = arith.addf %add3A_800, %mul3A_809 : vector<16xf32>
        %mul3A_811 = arith.mulf %broadcast_in_dim3A_706, %get3A_808 : vector<16xf32>
        %add3A_812 = arith.addf %add3A_802, %mul3A_811 : vector<16xf32>
        %get3A_813 = arith.constant 6 : i32
        %get3A_814 = arith.constant 3 : i32
        %get3A_815 = arith.index_cast %get3A_813 : i32 to index
        %get3A_816 = arith.index_cast %get3A_814 : i32 to index
        %get3A_817 = arith.index_cast %mul3A_748 : i32 to index
        %get3A_818 = tpu.vector_load %arg8[%get3A_815, %get3A_816, %get3A_817] {strides = array<i32>} : memref<10x4x768xf32, #tpu.memory_space<vmem>>, vector<16xf32>,
        %mul3A_819 = arith.mulf %broadcast_in_dim3A_709, %get3A_818 : vector<16xf32>
        %add3A_820 = arith.addf %add3A_810, %mul3A_819 : vector<16xf32>
        %mul3A_821 = arith.mulf %broadcast_in_dim3A_712, %get3A_818 : vector<16xf32>
        %add3A_822 = arith.addf %add3A_812, %mul3A_821 : vector<16xf32>
        %get3A_823 = arith.constant 7 : i32
        %get3A_824 = arith.constant 3 : i32
        %get3A_825 = arith.index_cast %get3A_823 : i32 to index
        %get3A_826 = arith.index_cast %get3A_824 : i32 to index
        %get3A_827 = arith.index_cast %mul3A_748 : i32 to index
        %get3A_828 = tpu.vector_load %arg8[%get3A_825, %get3A_826, %get3A_827] {strides = array<i32>} : memref<10x4x768xf32, #tpu.memory_space<vmem>>, vector<16xf32>,
        %mul3A_829 = arith.mulf %broadcast_in_dim3A_715, %get3A_828 : vector<16xf32>
        %add3A_830 = arith.addf %add3A_820, %mul3A_829 : vector<16xf32>
        %mul3A_831 = arith.mulf %broadcast_in_dim3A_718, %get3A_828 : vector<16xf32>
        %add3A_832 = arith.addf %add3A_822, %mul3A_831 : vector<16xf32>
        %get3A_833 = arith.constant 8 : i32
        %get3A_834 = arith.constant 3 : i32
        %get3A_835 = arith.index_cast %get3A_833 : i32 to index
        %get3A_836 = arith.index_cast %get3A_834 : i32 to index
        %get3A_837 = arith.index_cast %mul3A_748 : i32 to index
        %get3A_838 = tpu.vector_load %arg8[%get3A_835, %get3A_836, %get3A_837] {strides = array<i32>} : memref<10x4x768xf32, #tpu.memory_space<vmem>>, vector<16xf32>,
        %mul3A_839 = arith.mulf %broadcast_in_dim3A_721, %get3A_838 : vector<16xf32>
        %add3A_840 = arith.addf %add3A_830, %mul3A_839 : vector<16xf32>
        %mul3A_841 = arith.mulf %broadcast_in_dim3A_724, %get3A_838 : vector<16xf32>
        %add3A_842 = arith.addf %add3A_832, %mul3A_841 : vector<16xf32>
        %get3A_843 = arith.constant 9 : i32
        %get3A_844 = arith.constant 3 : i32
        %get3A_845 = arith.index_cast %get3A_843 : i32 to index
        %get3A_846 = arith.index_cast %get3A_844 : i32 to index
        %get3A_847 = arith.index_cast %mul3A_748 : i32 to index
        %get3A_848 = tpu.vector_load %arg8[%get3A_845, %get3A_846, %get3A_847] {strides = array<i32>} : memref<10x4x768xf32, #tpu.memory_space<vmem>>, vector<16xf32>,
        %mul3A_849 = arith.mulf %broadcast_in_dim3A_727, %get3A_848 : vector<16xf32>
        %add3A_850 = arith.addf %add3A_840, %mul3A_849 : vector<16xf32>
        %mul3A_851 = arith.mulf %broadcast_in_dim3A_730, %get3A_848 : vector<16xf32>
        %add3A_852 = arith.addf %add3A_842, %mul3A_851 : vector<16xf32>
        %swap3A = arith.constant 3 : i32
        %swap3A_853 = arith.constant 0 : i32
        %swap3A_854 = arith.index_cast %swap3A : i32 to index
        %swap3A_855 = arith.index_cast %swap3A_853 : i32 to index
        %swap3A_856 = arith.index_cast %mul3A_748 : i32 to index
        %swap3A_857 = tpu.vector_load %arg10[%swap3A_854, %swap3A_855, %swap3A_856] {strides = array<i32>} : memref<4x2x768xf32, #tpu.memory_space<vmem>>, vector<16xf32>,
        tpu.vector_store %arg10[%swap3A_854, %swap3A_855, %swap3A_856], %add3A_850 {strides = array<i32>} : memref<4x2x768xf32, #tpu.memory_space<vmem>>, vector<16xf32>,
        %swap3A_858 = arith.constant 3 : i32
        %swap3A_859 = arith.constant 1 : i32
        %swap3A_860 = arith.index_cast %swap3A_858 : i32 to index
        %swap3A_861 = arith.index_cast %swap3A_859 : i32 to index
        %swap3A_862 = arith.index_cast %mul3A_748 : i32 to index
        %swap3A_863 = tpu.vector_load %arg10[%swap3A_860, %swap3A_861, %swap3A_862] {strides = array<i32>} : memref<4x2x768xf32, #tpu.memory_space<vmem>>, vector<16xf32>,
        tpu.vector_store %arg10[%swap3A_860, %swap3A_861, %swap3A_862], %add3A_852 {strides = array<i32>} : memref<4x2x768xf32, #tpu.memory_space<vmem>>, vector<16xf32>,
      }
      %scan3A_736 = arith.constant 48 : i32
      %mul3A_737 = arith.constant 4 : i32
      %mul3A_738 = arith.muli %add3A_395, %mul3A_737 : i32
      %add3A_739 = arith.addi %mul3A_2, %mul3A_738 : i32
      %dma_start3A_740 = arith.constant 0 : i32
      %dma_start3A_741 = arith.constant 0 : i32
      %dma_start3A_742 = tpu.memref_slice %arg5[%add3A_739, %dma_start3A_740, %dma_start3A_741] : memref<8192x2x768xf32, #tpu.memory_space<hbm>> -> memref<4x2x768xf32, #tpu.memory_space<hbm>>
      %dma_start3A_743 = arith.constant 0 : i32
      %dma_start3A_744 = arith.constant 0 : i32
      %dma_start3A_745 = tpu.memref_slice %arg5[%add3A_739, %dma_start3A_743, %dma_start3A_744] : memref<8192x2x768xf32, #tpu.memory_space<hbm>> -> memref<4x2x768xf32, #tpu.memory_space<hbm>>
      tpu.enqueue_dma source(%arg10 : memref<4x2x768xf32, #tpu.memory_space<vmem>>) target(%dma_start3A_745 : memref<4x2x768xf32, #tpu.memory_space<hbm>>) target_semaphore(%arg17 : memref<!tpu.dma_semaphore, #tpu.memory_space<semaphore_mem>>)
    }
    %scan3A_16 = arith.constant 32 : i32
    %add3A_17 = arith.constant 248 : i32
    %add3A_18 = arith.addi %mul3A_2, %add3A_17 : i32
    %dma_wait3A = arith.constant 0 : i32
    %dma_wait3A_19 = arith.constant 0 : i32
    %dma_wait3A_20 = tpu.memref_slice %arg5[%add3A_18, %dma_wait3A, %dma_wait3A_19] : memref<8192x2x768xf32, #tpu.memory_space<hbm>> -> memref<4x2x768xf32, #tpu.memory_space<hbm>>
    %dma_wait3A_21 = arith.constant 0 : i32
    %dma_wait3A_22 = arith.constant 0 : i32
    %dma_wait3A_23 = tpu.memref_slice %arg5[%add3A_18, %dma_wait3A_21, %dma_wait3A_22] : memref<8192x2x768xf32, #tpu.memory_space<hbm>> -> memref<4x2x768xf32, #tpu.memory_space<hbm>>
    tpu.wait_dma2 semaphore(%arg16 : memref<!tpu.dma_semaphore, #tpu.memory_space<semaphore_mem>>) src(%arg9 : memref<4x2x768xf32, #tpu.memory_space<vmem>>) dst(%dma_wait3A_23 : memref<4x2x768xf32, #tpu.memory_space<hbm>>)
    %add3A_24 = arith.constant 252 : i32
    %add3A_25 = arith.addi %mul3A_2, %add3A_24 : i32
    %dma_wait3A_26 = arith.constant 0 : i32
    %dma_wait3A_27 = arith.constant 0 : i32
    %dma_wait3A_28 = tpu.memref_slice %arg5[%add3A_25, %dma_wait3A_26, %dma_wait3A_27] : memref<8192x2x768xf32, #tpu.memory_space<hbm>> -> memref<4x2x768xf32, #tpu.memory_space<hbm>>
    %dma_wait3A_29 = arith.constant 0 : i32
    %dma_wait3A_30 = arith.constant 0 : i32
    %dma_wait3A_31 = tpu.memref_slice %arg5[%add3A_25, %dma_wait3A_29, %dma_wait3A_30] : memref<8192x2x768xf32, #tpu.memory_space<hbm>> -> memref<4x2x768xf32, #tpu.memory_space<hbm>>
    tpu.wait_dma2 semaphore(%arg17 : memref<!tpu.dma_semaphore, #tpu.memory_space<semaphore_mem>>) src(%arg10 : memref<4x2x768xf32, #tpu.memory_space<vmem>>) dst(%dma_wait3A_31 : memref<4x2x768xf32, #tpu.memory_space<hbm>>)
    %iota3A = tpu.iota {dimensions = array<i32: 0>} : vector<16xi32>
    %get3A = arith.constant 0 : index
    %get3A_32 = tpu.vector_load %arg12[%get3A] {strides = array<i32>} : memref<48xf32, #tpu.memory_space<vmem>>, vector<16xf32>,
    %get3A_33 = arith.constant 16 : index
    %get3A_34 = tpu.vector_load %arg12[%get3A_33] {strides = array<i32>} : memref<48xf32, #tpu.memory_space<vmem>>, vector<16xf32>,
    %get3A_35 = arith.constant 32 : index
    %get3A_36 = tpu.vector_load %arg12[%get3A_35] {strides = array<i32>} : memref<48xf32, #tpu.memory_space<vmem>>, vector<16xf32>,
    %scan3A_37 = arith.constant 0 : i32
    %scan3A_38 = arith.constant 0 : i32
    %scan3A_39 = arith.constant 16 : i32
    %scan3A_40 = arith.addi %scan3A_38, %scan3A_39 : i32
    %scan3A_41 = arith.constant 1 : i32
    scf.for %scan3A_45 = %scan3A_38 to %scan3A_40 step %scan3A_41  : i32 {
      %mul3A_46 = arith.constant 16 : i32
      %mul3A_47 = arith.muli %scan3A_45, %mul3A_46 : i32
      %add3A_48 = vector.broadcast %mul3A_47 : i32 to vector<16xi32>
      %add3A_49 = arith.addi %add3A_48, %iota3A : vector<16xi32>
      %broadcast_in_dim3A = arith.constant 0.000000e+00 : f32
      %broadcast_in_dim3A_50 = vector.broadcast %broadcast_in_dim3A : f32 to vector<16xf32>
      %slice3A = vector.extract_strided_slice %get3A_32 {offsets = [0], sizes = [1], strides = [1]} : vector<16xf32> to vector<1xf32>
      %squeeze3A = vector.extract %slice3A[0] : f32 from vector<1xf32>
      %broadcast_in_dim3A_51 = vector.broadcast %squeeze3A : f32 to vector<16xf32>
      %slice3A_52 = vector.extract_strided_slice %get3A_34 {offsets = [4], sizes = [1], strides = [1]} : vector<16xf32> to vector<1xf32>
      %squeeze3A_53 = vector.extract %slice3A_52[0] : f32 from vector<1xf32>
      %broadcast_in_dim3A_54 = vector.broadcast %squeeze3A_53 : f32 to vector<16xf32>
      %mul3A_55 = arith.constant 20 : i32
      %mul3A_56 = vector.broadcast %mul3A_55 : i32 to vector<16xi32>
      %mul3A_57 = arith.muli %add3A_49, %mul3A_56 : vector<16xi32>
      %add3A_58 = arith.constant 0 : i32
      %add3A_59 = vector.broadcast %add3A_58 : i32 to vector<16xi32>
      %add3A_60 = arith.addi %mul3A_57, %add3A_59 : vector<16xi32>
      %gather3A = tpu.vector_load_idx %arg11[%add3A_60] : memref<5120xf32, #tpu.memory_space<vmem>>[vector<16xi32>], vector<16xf32>,
      %mul3A_61 = arith.mulf %gather3A, %broadcast_in_dim3A_51 : vector<16xf32>
      %add3A_62 = arith.addf %broadcast_in_dim3A_50, %mul3A_61 : vector<16xf32>
      %add3A_63 = arith.addf %add3A_62, %broadcast_in_dim3A_54 : vector<16xf32>
      %slice3A_64 = vector.extract_strided_slice %get3A_32 {offsets = [2], sizes = [1], strides = [1]} : vector<16xf32> to vector<1xf32>
      %squeeze3A_65 = vector.extract %slice3A_64[0] : f32 from vector<1xf32>
      %broadcast_in_dim3A_66 = vector.broadcast %squeeze3A_65 : f32 to vector<16xf32>
      %slice3A_67 = vector.extract_strided_slice %get3A_34 {offsets = [6], sizes = [1], strides = [1]} : vector<16xf32> to vector<1xf32>
      %squeeze3A_68 = vector.extract %slice3A_67[0] : f32 from vector<1xf32>
      %broadcast_in_dim3A_69 = vector.broadcast %squeeze3A_68 : f32 to vector<16xf32>
      %mul3A_70 = arith.constant 20 : i32
      %mul3A_71 = vector.broadcast %mul3A_70 : i32 to vector<16xi32>
      %mul3A_72 = arith.muli %add3A_49, %mul3A_71 : vector<16xi32>
      %add3A_73 = arith.constant 2 : i32
      %add3A_74 = vector.broadcast %add3A_73 : i32 to vector<16xi32>
      %add3A_75 = arith.addi %mul3A_72, %add3A_74 : vector<16xi32>
      %gather3A_76 = tpu.vector_load_idx %arg11[%add3A_75] : memref<5120xf32, #tpu.memory_space<vmem>>[vector<16xi32>], vector<16xf32>,
      %mul3A_77 = arith.mulf %gather3A_76, %broadcast_in_dim3A_66 : vector<16xf32>
      %add3A_78 = arith.addf %add3A_63, %mul3A_77 : vector<16xf32>
      %add3A_79 = arith.addf %add3A_78, %broadcast_in_dim3A_69 : vector<16xf32>
      %slice3A_80 = vector.extract_strided_slice %get3A_32 {offsets = [4], sizes = [1], strides = [1]} : vector<16xf32> to vector<1xf32>
      %squeeze3A_81 = vector.extract %slice3A_80[0] : f32 from vector<1xf32>
      %broadcast_in_dim3A_82 = vector.broadcast %squeeze3A_81 : f32 to vector<16xf32>
      %slice3A_83 = vector.extract_strided_slice %get3A_34 {offsets = [8], sizes = [1], strides = [1]} : vector<16xf32> to vector<1xf32>
      %squeeze3A_84 = vector.extract %slice3A_83[0] : f32 from vector<1xf32>
      %broadcast_in_dim3A_85 = vector.broadcast %squeeze3A_84 : f32 to vector<16xf32>
      %mul3A_86 = arith.constant 20 : i32
      %mul3A_87 = vector.broadcast %mul3A_86 : i32 to vector<16xi32>
      %mul3A_88 = arith.muli %add3A_49, %mul3A_87 : vector<16xi32>
      %add3A_89 = arith.constant 4 : i32
      %add3A_90 = vector.broadcast %add3A_89 : i32 to vector<16xi32>
      %add3A_91 = arith.addi %mul3A_88, %add3A_90 : vector<16xi32>
      %gather3A_92 = tpu.vector_load_idx %arg11[%add3A_91] : memref<5120xf32, #tpu.memory_space<vmem>>[vector<16xi32>], vector<16xf32>,
      %mul3A_93 = arith.mulf %gather3A_92, %broadcast_in_dim3A_82 : vector<16xf32>
      %add3A_94 = arith.addf %add3A_79, %mul3A_93 : vector<16xf32>
      %add3A_95 = arith.addf %add3A_94, %broadcast_in_dim3A_85 : vector<16xf32>
      %slice3A_96 = vector.extract_strided_slice %get3A_32 {offsets = [6], sizes = [1], strides = [1]} : vector<16xf32> to vector<1xf32>
      %squeeze3A_97 = vector.extract %slice3A_96[0] : f32 from vector<1xf32>
      %broadcast_in_dim3A_98 = vector.broadcast %squeeze3A_97 : f32 to vector<16xf32>
      %slice3A_99 = vector.extract_strided_slice %get3A_34 {offsets = [10], sizes = [1], strides = [1]} : vector<16xf32> to vector<1xf32>
      %squeeze3A_100 = vector.extract %slice3A_99[0] : f32 from vector<1xf32>
      %broadcast_in_dim3A_101 = vector.broadcast %squeeze3A_100 : f32 to vector<16xf32>
      %mul3A_102 = arith.constant 20 : i32
      %mul3A_103 = vector.broadcast %mul3A_102 : i32 to vector<16xi32>
      %mul3A_104 = arith.muli %add3A_49, %mul3A_103 : vector<16xi32>
      %add3A_105 = arith.constant 6 : i32
      %add3A_106 = vector.broadcast %add3A_105 : i32 to vector<16xi32>
      %add3A_107 = arith.addi %mul3A_104, %add3A_106 : vector<16xi32>
      %gather3A_108 = tpu.vector_load_idx %arg11[%add3A_107] : memref<5120xf32, #tpu.memory_space<vmem>>[vector<16xi32>], vector<16xf32>,
      %mul3A_109 = arith.mulf %gather3A_108, %broadcast_in_dim3A_98 : vector<16xf32>
      %add3A_110 = arith.addf %add3A_95, %mul3A_109 : vector<16xf32>
      %add3A_111 = arith.addf %add3A_110, %broadcast_in_dim3A_101 : vector<16xf32>
      %slice3A_112 = vector.extract_strided_slice %get3A_32 {offsets = [8], sizes = [1], strides = [1]} : vector<16xf32> to vector<1xf32>
      %squeeze3A_113 = vector.extract %slice3A_112[0] : f32 from vector<1xf32>
      %broadcast_in_dim3A_114 = vector.broadcast %squeeze3A_113 : f32 to vector<16xf32>
      %slice3A_115 = vector.extract_strided_slice %get3A_34 {offsets = [12], sizes = [1], strides = [1]} : vector<16xf32> to vector<1xf32>
      %squeeze3A_116 = vector.extract %slice3A_115[0] : f32 from vector<1xf32>
      %broadcast_in_dim3A_117 = vector.broadcast %squeeze3A_116 : f32 to vector<16xf32>
      %mul3A_118 = arith.constant 20 : i32
      %mul3A_119 = vector.broadcast %mul3A_118 : i32 to vector<16xi32>
      %mul3A_120 = arith.muli %add3A_49, %mul3A_119 : vector<16xi32>
      %add3A_121 = arith.constant 8 : i32
      %add3A_122 = vector.broadcast %add3A_121 : i32 to vector<16xi32>
      %add3A_123 = arith.addi %mul3A_120, %add3A_122 : vector<16xi32>
      %gather3A_124 = tpu.vector_load_idx %arg11[%add3A_123] : memref<5120xf32, #tpu.memory_space<vmem>>[vector<16xi32>], vector<16xf32>,
      %mul3A_125 = arith.mulf %gather3A_124, %broadcast_in_dim3A_114 : vector<16xf32>
      %add3A_126 = arith.addf %add3A_111, %mul3A_125 : vector<16xf32>
      %add3A_127 = arith.addf %add3A_126, %broadcast_in_dim3A_117 : vector<16xf32>
      %slice3A_128 = vector.extract_strided_slice %get3A_32 {offsets = [10], sizes = [1], strides = [1]} : vector<16xf32> to vector<1xf32>
      %squeeze3A_129 = vector.extract %slice3A_128[0] : f32 from vector<1xf32>
      %broadcast_in_dim3A_130 = vector.broadcast %squeeze3A_129 : f32 to vector<16xf32>
      %slice3A_131 = vector.extract_strided_slice %get3A_34 {offsets = [14], sizes = [1], strides = [1]} : vector<16xf32> to vector<1xf32>
      %squeeze3A_132 = vector.extract %slice3A_131[0] : f32 from vector<1xf32>
      %broadcast_in_dim3A_133 = vector.broadcast %squeeze3A_132 : f32 to vector<16xf32>
      %mul3A_134 = arith.constant 20 : i32
      %mul3A_135 = vector.broadcast %mul3A_134 : i32 to vector<16xi32>
      %mul3A_136 = arith.muli %add3A_49, %mul3A_135 : vector<16xi32>
      %add3A_137 = arith.constant 10 : i32
      %add3A_138 = vector.broadcast %add3A_137 : i32 to vector<16xi32>
      %add3A_139 = arith.addi %mul3A_136, %add3A_138 : vector<16xi32>
      %gather3A_140 = tpu.vector_load_idx %arg11[%add3A_139] : memref<5120xf32, #tpu.memory_space<vmem>>[vector<16xi32>], vector<16xf32>,
      %mul3A_141 = arith.mulf %gather3A_140, %broadcast_in_dim3A_130 : vector<16xf32>
      %add3A_142 = arith.addf %add3A_127, %mul3A_141 : vector<16xf32>
      %add3A_143 = arith.addf %add3A_142, %broadcast_in_dim3A_133 : vector<16xf32>
      %slice3A_144 = vector.extract_strided_slice %get3A_32 {offsets = [12], sizes = [1], strides = [1]} : vector<16xf32> to vector<1xf32>
      %squeeze3A_145 = vector.extract %slice3A_144[0] : f32 from vector<1xf32>
      %broadcast_in_dim3A_146 = vector.broadcast %squeeze3A_145 : f32 to vector<16xf32>
      %slice3A_147 = vector.extract_strided_slice %get3A_36 {offsets = [0], sizes = [1], strides = [1]} : vector<16xf32> to vector<1xf32>
      %squeeze3A_148 = vector.extract %slice3A_147[0] : f32 from vector<1xf32>
      %broadcast_in_dim3A_149 = vector.broadcast %squeeze3A_148 : f32 to vector<16xf32>
      %mul3A_150 = arith.constant 20 : i32
      %mul3A_151 = vector.broadcast %mul3A_150 : i32 to vector<16xi32>
      %mul3A_152 = arith.muli %add3A_49, %mul3A_151 : vector<16xi32>
      %add3A_153 = arith.constant 12 : i32
      %add3A_154 = vector.broadcast %add3A_153 : i32 to vector<16xi32>
      %add3A_155 = arith.addi %mul3A_152, %add3A_154 : vector<16xi32>
      %gather3A_156 = tpu.vector_load_idx %arg11[%add3A_155] : memref<5120xf32, #tpu.memory_space<vmem>>[vector<16xi32>], vector<16xf32>,
      %mul3A_157 = arith.mulf %gather3A_156, %broadcast_in_dim3A_146 : vector<16xf32>
      %add3A_158 = arith.addf %add3A_143, %mul3A_157 : vector<16xf32>
      %add3A_159 = arith.addf %add3A_158, %broadcast_in_dim3A_149 : vector<16xf32>
      %slice3A_160 = vector.extract_strided_slice %get3A_32 {offsets = [14], sizes = [1], strides = [1]} : vector<16xf32> to vector<1xf32>
      %squeeze3A_161 = vector.extract %slice3A_160[0] : f32 from vector<1xf32>
      %broadcast_in_dim3A_162 = vector.broadcast %squeeze3A_161 : f32 to vector<16xf32>
      %slice3A_163 = vector.extract_strided_slice %get3A_36 {offsets = [2], sizes = [1], strides = [1]} : vector<16xf32> to vector<1xf32>
      %squeeze3A_164 = vector.extract %slice3A_163[0] : f32 from vector<1xf32>
      %broadcast_in_dim3A_165 = vector.broadcast %squeeze3A_164 : f32 to vector<16xf32>
      %mul3A_166 = arith.constant 20 : i32
      %mul3A_167 = vector.broadcast %mul3A_166 : i32 to vector<16xi32>
      %mul3A_168 = arith.muli %add3A_49, %mul3A_167 : vector<16xi32>
      %add3A_169 = arith.constant 14 : i32
      %add3A_170 = vector.broadcast %add3A_169 : i32 to vector<16xi32>
      %add3A_171 = arith.addi %mul3A_168, %add3A_170 : vector<16xi32>
      %gather3A_172 = tpu.vector_load_idx %arg11[%add3A_171] : memref<5120xf32, #tpu.memory_space<vmem>>[vector<16xi32>], vector<16xf32>,
      %mul3A_173 = arith.mulf %gather3A_172, %broadcast_in_dim3A_162 : vector<16xf32>
      %add3A_174 = arith.addf %add3A_159, %mul3A_173 : vector<16xf32>
      %add3A_175 = arith.addf %add3A_174, %broadcast_in_dim3A_165 : vector<16xf32>
      %slice3A_176 = vector.extract_strided_slice %get3A_34 {offsets = [0], sizes = [1], strides = [1]} : vector<16xf32> to vector<1xf32>
      %squeeze3A_177 = vector.extract %slice3A_176[0] : f32 from vector<1xf32>
      %broadcast_in_dim3A_178 = vector.broadcast %squeeze3A_177 : f32 to vector<16xf32>
      %slice3A_179 = vector.extract_strided_slice %get3A_36 {offsets = [4], sizes = [1], strides = [1]} : vector<16xf32> to vector<1xf32>
      %squeeze3A_180 = vector.extract %slice3A_179[0] : f32 from vector<1xf32>
      %broadcast_in_dim3A_181 = vector.broadcast %squeeze3A_180 : f32 to vector<16xf32>
      %mul3A_182 = arith.constant 20 : i32
      %mul3A_183 = vector.broadcast %mul3A_182 : i32 to vector<16xi32>
      %mul3A_184 = arith.muli %add3A_49, %mul3A_183 : vector<16xi32>
      %add3A_185 = arith.constant 16 : i32
      %add3A_186 = vector.broadcast %add3A_185 : i32 to vector<16xi32>
      %add3A_187 = arith.addi %mul3A_184, %add3A_186 : vector<16xi32>
      %gather3A_188 = tpu.vector_load_idx %arg11[%add3A_187] : memref<5120xf32, #tpu.memory_space<vmem>>[vector<16xi32>], vector<16xf32>,
      %mul3A_189 = arith.mulf %gather3A_188, %broadcast_in_dim3A_178 : vector<16xf32>
      %add3A_190 = arith.addf %add3A_175, %mul3A_189 : vector<16xf32>
      %add3A_191 = arith.addf %add3A_190, %broadcast_in_dim3A_181 : vector<16xf32>
      %slice3A_192 = vector.extract_strided_slice %get3A_34 {offsets = [2], sizes = [1], strides = [1]} : vector<16xf32> to vector<1xf32>
      %squeeze3A_193 = vector.extract %slice3A_192[0] : f32 from vector<1xf32>
      %broadcast_in_dim3A_194 = vector.broadcast %squeeze3A_193 : f32 to vector<16xf32>
      %slice3A_195 = vector.extract_strided_slice %get3A_36 {offsets = [6], sizes = [1], strides = [1]} : vector<16xf32> to vector<1xf32>
      %squeeze3A_196 = vector.extract %slice3A_195[0] : f32 from vector<1xf32>
      %broadcast_in_dim3A_197 = vector.broadcast %squeeze3A_196 : f32 to vector<16xf32>
      %mul3A_198 = arith.constant 20 : i32
      %mul3A_199 = vector.broadcast %mul3A_198 : i32 to vector<16xi32>
      %mul3A_200 = arith.muli %add3A_49, %mul3A_199 : vector<16xi32>
      %add3A_201 = arith.constant 18 : i32
      %add3A_202 = vector.broadcast %add3A_201 : i32 to vector<16xi32>
      %add3A_203 = arith.addi %mul3A_200, %add3A_202 : vector<16xi32>
      %gather3A_204 = tpu.vector_load_idx %arg11[%add3A_203] : memref<5120xf32, #tpu.memory_space<vmem>>[vector<16xi32>], vector<16xf32>,
      %mul3A_205 = arith.mulf %gather3A_204, %broadcast_in_dim3A_194 : vector<16xf32>
      %add3A_206 = arith.addf %add3A_191, %mul3A_205 : vector<16xf32>
      %add3A_207 = arith.addf %add3A_206, %broadcast_in_dim3A_197 : vector<16xf32>
      %mul3A_208 = arith.constant 2 : i32
      %mul3A_209 = vector.broadcast %mul3A_208 : i32 to vector<16xi32>
      %mul3A_210 = arith.muli %add3A_49, %mul3A_209 : vector<16xi32>
      %add3A_211 = arith.constant 0 : i32
      %add3A_212 = vector.broadcast %add3A_211 : i32 to vector<16xi32>
      %add3A_213 = arith.addi %mul3A_210, %add3A_212 : vector<16xi32>
      tpu.vector_store_idx %arg13[%add3A_213], %add3A_207 : memref<512xf32, #tpu.memory_space<vmem>>[vector<16xi32>], vector<16xf32>,
      %broadcast_in_dim3A_214 = arith.constant 0.000000e+00 : f32
      %broadcast_in_dim3A_215 = vector.broadcast %broadcast_in_dim3A_214 : f32 to vector<16xf32>
      %slice3A_216 = vector.extract_strided_slice %get3A_32 {offsets = [1], sizes = [1], strides = [1]} : vector<16xf32> to vector<1xf32>
      %squeeze3A_217 = vector.extract %slice3A_216[0] : f32 from vector<1xf32>
      %broadcast_in_dim3A_218 = vector.broadcast %squeeze3A_217 : f32 to vector<16xf32>
      %slice3A_219 = vector.extract_strided_slice %get3A_34 {offsets = [5], sizes = [1], strides = [1]} : vector<16xf32> to vector<1xf32>
      %squeeze3A_220 = vector.extract %slice3A_219[0] : f32 from vector<1xf32>
      %broadcast_in_dim3A_221 = vector.broadcast %squeeze3A_220 : f32 to vector<16xf32>
      %mul3A_222 = arith.constant 20 : i32
      %mul3A_223 = vector.broadcast %mul3A_222 : i32 to vector<16xi32>
      %mul3A_224 = arith.muli %add3A_49, %mul3A_223 : vector<16xi32>
      %add3A_225 = arith.constant 1 : i32
      %add3A_226 = vector.broadcast %add3A_225 : i32 to vector<16xi32>
      %add3A_227 = arith.addi %mul3A_224, %add3A_226 : vector<16xi32>
      %gather3A_228 = tpu.vector_load_idx %arg11[%add3A_227] : memref<5120xf32, #tpu.memory_space<vmem>>[vector<16xi32>], vector<16xf32>,
      %mul3A_229 = arith.mulf %gather3A_228, %broadcast_in_dim3A_218 : vector<16xf32>
      %add3A_230 = arith.addf %broadcast_in_dim3A_215, %mul3A_229 : vector<16xf32>
      %add3A_231 = arith.addf %add3A_230, %broadcast_in_dim3A_221 : vector<16xf32>
      %slice3A_232 = vector.extract_strided_slice %get3A_32 {offsets = [3], sizes = [1], strides = [1]} : vector<16xf32> to vector<1xf32>
      %squeeze3A_233 = vector.extract %slice3A_232[0] : f32 from vector<1xf32>
      %broadcast_in_dim3A_234 = vector.broadcast %squeeze3A_233 : f32 to vector<16xf32>
      %slice3A_235 = vector.extract_strided_slice %get3A_34 {offsets = [7], sizes = [1], strides = [1]} : vector<16xf32> to vector<1xf32>
      %squeeze3A_236 = vector.extract %slice3A_235[0] : f32 from vector<1xf32>
      %broadcast_in_dim3A_237 = vector.broadcast %squeeze3A_236 : f32 to vector<16xf32>
      %mul3A_238 = arith.constant 20 : i32
      %mul3A_239 = vector.broadcast %mul3A_238 : i32 to vector<16xi32>
      %mul3A_240 = arith.muli %add3A_49, %mul3A_239 : vector<16xi32>
      %add3A_241 = arith.constant 3 : i32
      %add3A_242 = vector.broadcast %add3A_241 : i32 to vector<16xi32>
      %add3A_243 = arith.addi %mul3A_240, %add3A_242 : vector<16xi32>
      %gather3A_244 = tpu.vector_load_idx %arg11[%add3A_243] : memref<5120xf32, #tpu.memory_space<vmem>>[vector<16xi32>], vector<16xf32>,
      %mul3A_245 = arith.mulf %gather3A_244, %broadcast_in_dim3A_234 : vector<16xf32>
      %add3A_246 = arith.addf %add3A_231, %mul3A_245 : vector<16xf32>
      %add3A_247 = arith.addf %add3A_246, %broadcast_in_dim3A_237 : vector<16xf32>
      %slice3A_248 = vector.extract_strided_slice %get3A_32 {offsets = [5], sizes = [1], strides = [1]} : vector<16xf32> to vector<1xf32>
      %squeeze3A_249 = vector.extract %slice3A_248[0] : f32 from vector<1xf32>
      %broadcast_in_dim3A_250 = vector.broadcast %squeeze3A_249 : f32 to vector<16xf32>
      %slice3A_251 = vector.extract_strided_slice %get3A_34 {offsets = [9], sizes = [1], strides = [1]} : vector<16xf32> to vector<1xf32>
      %squeeze3A_252 = vector.extract %slice3A_251[0] : f32 from vector<1xf32>
      %broadcast_in_dim3A_253 = vector.broadcast %squeeze3A_252 : f32 to vector<16xf32>
      %mul3A_254 = arith.constant 20 : i32
      %mul3A_255 = vector.broadcast %mul3A_254 : i32 to vector<16xi32>
      %mul3A_256 = arith.muli %add3A_49, %mul3A_255 : vector<16xi32>
      %add3A_257 = arith.constant 5 : i32
      %add3A_258 = vector.broadcast %add3A_257 : i32 to vector<16xi32>
      %add3A_259 = arith.addi %mul3A_256, %add3A_258 : vector<16xi32>
      %gather3A_260 = tpu.vector_load_idx %arg11[%add3A_259] : memref<5120xf32, #tpu.memory_space<vmem>>[vector<16xi32>], vector<16xf32>,
      %mul3A_261 = arith.mulf %gather3A_260, %broadcast_in_dim3A_250 : vector<16xf32>
      %add3A_262 = arith.addf %add3A_247, %mul3A_261 : vector<16xf32>
      %add3A_263 = arith.addf %add3A_262, %broadcast_in_dim3A_253 : vector<16xf32>
      %slice3A_264 = vector.extract_strided_slice %get3A_32 {offsets = [7], sizes = [1], strides = [1]} : vector<16xf32> to vector<1xf32>
      %squeeze3A_265 = vector.extract %slice3A_264[0] : f32 from vector<1xf32>
      %broadcast_in_dim3A_266 = vector.broadcast %squeeze3A_265 : f32 to vector<16xf32>
      %slice3A_267 = vector.extract_strided_slice %get3A_34 {offsets = [11], sizes = [1], strides = [1]} : vector<16xf32> to vector<1xf32>
      %squeeze3A_268 = vector.extract %slice3A_267[0] : f32 from vector<1xf32>
      %broadcast_in_dim3A_269 = vector.broadcast %squeeze3A_268 : f32 to vector<16xf32>
      %mul3A_270 = arith.constant 20 : i32
      %mul3A_271 = vector.broadcast %mul3A_270 : i32 to vector<16xi32>
      %mul3A_272 = arith.muli %add3A_49, %mul3A_271 : vector<16xi32>
      %add3A_273 = arith.constant 7 : i32
      %add3A_274 = vector.broadcast %add3A_273 : i32 to vector<16xi32>
      %add3A_275 = arith.addi %mul3A_272, %add3A_274 : vector<16xi32>
      %gather3A_276 = tpu.vector_load_idx %arg11[%add3A_275] : memref<5120xf32, #tpu.memory_space<vmem>>[vector<16xi32>], vector<16xf32>,
      %mul3A_277 = arith.mulf %gather3A_276, %broadcast_in_dim3A_266 : vector<16xf32>
      %add3A_278 = arith.addf %add3A_263, %mul3A_277 : vector<16xf32>
      %add3A_279 = arith.addf %add3A_278, %broadcast_in_dim3A_269 : vector<16xf32>
      %slice3A_280 = vector.extract_strided_slice %get3A_32 {offsets = [9], sizes = [1], strides = [1]} : vector<16xf32> to vector<1xf32>
      %squeeze3A_281 = vector.extract %slice3A_280[0] : f32 from vector<1xf32>
      %broadcast_in_dim3A_282 = vector.broadcast %squeeze3A_281 : f32 to vector<16xf32>
      %slice3A_283 = vector.extract_strided_slice %get3A_34 {offsets = [13], sizes = [1], strides = [1]} : vector<16xf32> to vector<1xf32>
      %squeeze3A_284 = vector.extract %slice3A_283[0] : f32 from vector<1xf32>
      %broadcast_in_dim3A_285 = vector.broadcast %squeeze3A_284 : f32 to vector<16xf32>
      %mul3A_286 = arith.constant 20 : i32
      %mul3A_287 = vector.broadcast %mul3A_286 : i32 to vector<16xi32>
      %mul3A_288 = arith.muli %add3A_49, %mul3A_287 : vector<16xi32>
      %add3A_289 = arith.constant 9 : i32
      %add3A_290 = vector.broadcast %add3A_289 : i32 to vector<16xi32>
      %add3A_291 = arith.addi %mul3A_288, %add3A_290 : vector<16xi32>
      %gather3A_292 = tpu.vector_load_idx %arg11[%add3A_291] : memref<5120xf32, #tpu.memory_space<vmem>>[vector<16xi32>], vector<16xf32>,
      %mul3A_293 = arith.mulf %gather3A_292, %broadcast_in_dim3A_282 : vector<16xf32>
      %add3A_294 = arith.addf %add3A_279, %mul3A_293 : vector<16xf32>
      %add3A_295 = arith.addf %add3A_294, %broadcast_in_dim3A_285 : vector<16xf32>
      %slice3A_296 = vector.extract_strided_slice %get3A_32 {offsets = [11], sizes = [1], strides = [1]} : vector<16xf32> to vector<1xf32>
      %squeeze3A_297 = vector.extract %slice3A_296[0] : f32 from vector<1xf32>
      %broadcast_in_dim3A_298 = vector.broadcast %squeeze3A_297 : f32 to vector<16xf32>
      %slice3A_299 = vector.extract_strided_slice %get3A_34 {offsets = [15], sizes = [1], strides = [1]} : vector<16xf32> to vector<1xf32>
      %squeeze3A_300 = vector.extract %slice3A_299[0] : f32 from vector<1xf32>
      %broadcast_in_dim3A_301 = vector.broadcast %squeeze3A_300 : f32 to vector<16xf32>
      %mul3A_302 = arith.constant 20 : i32
      %mul3A_303 = vector.broadcast %mul3A_302 : i32 to vector<16xi32>
      %mul3A_304 = arith.muli %add3A_49, %mul3A_303 : vector<16xi32>
      %add3A_305 = arith.constant 11 : i32
      %add3A_306 = vector.broadcast %add3A_305 : i32 to vector<16xi32>
      %add3A_307 = arith.addi %mul3A_304, %add3A_306 : vector<16xi32>
      %gather3A_308 = tpu.vector_load_idx %arg11[%add3A_307] : memref<5120xf32, #tpu.memory_space<vmem>>[vector<16xi32>], vector<16xf32>,
      %mul3A_309 = arith.mulf %gather3A_308, %broadcast_in_dim3A_298 : vector<16xf32>
      %add3A_310 = arith.addf %add3A_295, %mul3A_309 : vector<16xf32>
      %add3A_311 = arith.addf %add3A_310, %broadcast_in_dim3A_301 : vector<16xf32>
      %slice3A_312 = vector.extract_strided_slice %get3A_32 {offsets = [13], sizes = [1], strides = [1]} : vector<16xf32> to vector<1xf32>
      %squeeze3A_313 = vector.extract %slice3A_312[0] : f32 from vector<1xf32>
      %broadcast_in_dim3A_314 = vector.broadcast %squeeze3A_313 : f32 to vector<16xf32>
      %slice3A_315 = vector.extract_strided_slice %get3A_36 {offsets = [1], sizes = [1], strides = [1]} : vector<16xf32> to vector<1xf32>
      %squeeze3A_316 = vector.extract %slice3A_315[0] : f32 from vector<1xf32>
      %broadcast_in_dim3A_317 = vector.broadcast %squeeze3A_316 : f32 to vector<16xf32>
      %mul3A_318 = arith.constant 20 : i32
      %mul3A_319 = vector.broadcast %mul3A_318 : i32 to vector<16xi32>
      %mul3A_320 = arith.muli %add3A_49, %mul3A_319 : vector<16xi32>
      %add3A_321 = arith.constant 13 : i32
      %add3A_322 = vector.broadcast %add3A_321 : i32 to vector<16xi32>
      %add3A_323 = arith.addi %mul3A_320, %add3A_322 : vector<16xi32>
      %gather3A_324 = tpu.vector_load_idx %arg11[%add3A_323] : memref<5120xf32, #tpu.memory_space<vmem>>[vector<16xi32>], vector<16xf32>,
      %mul3A_325 = arith.mulf %gather3A_324, %broadcast_in_dim3A_314 : vector<16xf32>
      %add3A_326 = arith.addf %add3A_311, %mul3A_325 : vector<16xf32>
      %add3A_327 = arith.addf %add3A_326, %broadcast_in_dim3A_317 : vector<16xf32>
      %slice3A_328 = vector.extract_strided_slice %get3A_32 {offsets = [15], sizes = [1], strides = [1]} : vector<16xf32> to vector<1xf32>
      %squeeze3A_329 = vector.extract %slice3A_328[0] : f32 from vector<1xf32>
      %broadcast_in_dim3A_330 = vector.broadcast %squeeze3A_329 : f32 to vector<16xf32>
      %slice3A_331 = vector.extract_strided_slice %get3A_36 {offsets = [3], sizes = [1], strides = [1]} : vector<16xf32> to vector<1xf32>
      %squeeze3A_332 = vector.extract %slice3A_331[0] : f32 from vector<1xf32>
      %broadcast_in_dim3A_333 = vector.broadcast %squeeze3A_332 : f32 to vector<16xf32>
      %mul3A_334 = arith.constant 20 : i32
      %mul3A_335 = vector.broadcast %mul3A_334 : i32 to vector<16xi32>
      %mul3A_336 = arith.muli %add3A_49, %mul3A_335 : vector<16xi32>
      %add3A_337 = arith.constant 15 : i32
      %add3A_338 = vector.broadcast %add3A_337 : i32 to vector<16xi32>
      %add3A_339 = arith.addi %mul3A_336, %add3A_338 : vector<16xi32>
      %gather3A_340 = tpu.vector_load_idx %arg11[%add3A_339] : memref<5120xf32, #tpu.memory_space<vmem>>[vector<16xi32>], vector<16xf32>,
      %mul3A_341 = arith.mulf %gather3A_340, %broadcast_in_dim3A_330 : vector<16xf32>
      %add3A_342 = arith.addf %add3A_327, %mul3A_341 : vector<16xf32>
      %add3A_343 = arith.addf %add3A_342, %broadcast_in_dim3A_333 : vector<16xf32>
      %slice3A_344 = vector.extract_strided_slice %get3A_34 {offsets = [1], sizes = [1], strides = [1]} : vector<16xf32> to vector<1xf32>
      %squeeze3A_345 = vector.extract %slice3A_344[0] : f32 from vector<1xf32>
      %broadcast_in_dim3A_346 = vector.broadcast %squeeze3A_345 : f32 to vector<16xf32>
      %slice3A_347 = vector.extract_strided_slice %get3A_36 {offsets = [5], sizes = [1], strides = [1]} : vector<16xf32> to vector<1xf32>
      %squeeze3A_348 = vector.extract %slice3A_347[0] : f32 from vector<1xf32>
      %broadcast_in_dim3A_349 = vector.broadcast %squeeze3A_348 : f32 to vector<16xf32>
      %mul3A_350 = arith.constant 20 : i32
      %mul3A_351 = vector.broadcast %mul3A_350 : i32 to vector<16xi32>
      %mul3A_352 = arith.muli %add3A_49, %mul3A_351 : vector<16xi32>
      %add3A_353 = arith.constant 17 : i32
      %add3A_354 = vector.broadcast %add3A_353 : i32 to vector<16xi32>
      %add3A_355 = arith.addi %mul3A_352, %add3A_354 : vector<16xi32>
      %gather3A_356 = tpu.vector_load_idx %arg11[%add3A_355] : memref<5120xf32, #tpu.memory_space<vmem>>[vector<16xi32>], vector<16xf32>,
      %mul3A_357 = arith.mulf %gather3A_356, %broadcast_in_dim3A_346 : vector<16xf32>
      %add3A_358 = arith.addf %add3A_343, %mul3A_357 : vector<16xf32>
      %add3A_359 = arith.addf %add3A_358, %broadcast_in_dim3A_349 : vector<16xf32>
      %slice3A_360 = vector.extract_strided_slice %get3A_34 {offsets = [3], sizes = [1], strides = [1]} : vector<16xf32> to vector<1xf32>
      %squeeze3A_361 = vector.extract %slice3A_360[0] : f32 from vector<1xf32>
      %broadcast_in_dim3A_362 = vector.broadcast %squeeze3A_361 : f32 to vector<16xf32>
      %slice3A_363 = vector.extract_strided_slice %get3A_36 {offsets = [7], sizes = [1], strides = [1]} : vector<16xf32> to vector<1xf32>
      %squeeze3A_364 = vector.extract %slice3A_363[0] : f32 from vector<1xf32>
      %broadcast_in_dim3A_365 = vector.broadcast %squeeze3A_364 : f32 to vector<16xf32>
      %mul3A_366 = arith.constant 20 : i32
      %mul3A_367 = vector.broadcast %mul3A_366 : i32 to vector<16xi32>
      %mul3A_368 = arith.muli %add3A_49, %mul3A_367 : vector<16xi32>
      %add3A_369 = arith.constant 19 : i32
      %add3A_370 = vector.broadcast %add3A_369 : i32 to vector<16xi32>
      %add3A_371 = arith.addi %mul3A_368, %add3A_370 : vector<16xi32>
      %gather3A_372 = tpu.vector_load_idx %arg11[%add3A_371] : memref<5120xf32, #tpu.memory_space<vmem>>[vector<16xi32>], vector<16xf32>,
      %mul3A_373 = arith.mulf %gather3A_372, %broadcast_in_dim3A_362 : vector<16xf32>
      %add3A_374 = arith.addf %add3A_359, %mul3A_373 : vector<16xf32>
      %add3A_375 = arith.addf %add3A_374, %broadcast_in_dim3A_365 : vector<16xf32>
      %mul3A_376 = arith.constant 2 : i32
      %mul3A_377 = vector.broadcast %mul3A_376 : i32 to vector<16xi32>
      %mul3A_378 = arith.muli %add3A_49, %mul3A_377 : vector<16xi32>
      %add3A_379 = arith.constant 1 : i32
      %add3A_380 = vector.broadcast %add3A_379 : i32 to vector<16xi32>
      %add3A_381 = arith.addi %mul3A_378, %add3A_380 : vector<16xi32>
      tpu.vector_store_idx %arg13[%add3A_381], %add3A_375 : memref<512xf32, #tpu.memory_space<vmem>>[vector<16xi32>], vector<16xf32>,
    }
    %scan3A_42 = arith.constant 16 : i32
    %mul3A_43 = arith.constant 2 : i32
    %mul3A_44 = arith.muli %mul3A_2, %mul3A_43 : i32
    "tpu.region"() ({
      %run_scoped3A = tpu.sem_alloc : memref<!tpu.dma_semaphore, #tpu.memory_space<semaphore_mem>>
      %dma_start3A_45 = tpu.memref_slice %arg6[%mul3A_44] : memref<16384xf32, #tpu.memory_space<hbm>> -> memref<512xf32, #tpu.memory_space<hbm>>
      %dma_start3A_46 = tpu.memref_slice %arg6[%mul3A_44] : memref<16384xf32, #tpu.memory_space<hbm>> -> memref<512xf32, #tpu.memory_space<hbm>>
      tpu.enqueue_dma source(%arg13 : memref<512xf32, #tpu.memory_space<vmem>>) target(%dma_start3A_46 : memref<512xf32, #tpu.memory_space<hbm>>) target_semaphore(%run_scoped3A : memref<!tpu.dma_semaphore, #tpu.memory_space<semaphore_mem>>)
      %dma_wait3A_47 = tpu.memref_slice %arg6[%mul3A_44] : memref<16384xf32, #tpu.memory_space<hbm>> -> memref<512xf32, #tpu.memory_space<hbm>>
      %dma_wait3A_48 = tpu.memref_slice %arg6[%mul3A_44] : memref<16384xf32, #tpu.memory_space<hbm>> -> memref<512xf32, #tpu.memory_space<hbm>>
      tpu.wait_dma2 semaphore(%run_scoped3A : memref<!tpu.dma_semaphore, #tpu.memory_space<semaphore_mem>>) src(%arg13 : memref<512xf32, #tpu.memory_space<vmem>>) dst(%dma_wait3A_48 : memref<512xf32, #tpu.memory_space<hbm>>)
      tpu.yield
    }) : () -> ()
    return
  }
}

</mosaic_0001>

<sc_bundles>
// kernel: kernel.3.cloned.1.call-start
scs
__scs_entry_jumppad:
0x0: {  	(pc) =	sbr.rel $0x88, $3  }
0x1: {  	(tag) =	ssettag $0x0;
	lr =	simm.s32 $0x1  }
0x2: {  	[smem:$0x3F9E] =	sst lr;
	_ =	strace $0xD0000000  }
0x3: {  	_ = 	snop  }
0x4: {  	_ = 	snop  }
0x5: {  	_ = 	snop  }
0x6: {  	_ = 	snop  }
0x7: {  	_ = 	snop  }
__scs_overlays_trampoline_lowered:
0x8: {  	[smem:$0x3FAD] =	sst s0  }
0x9: {  	[smem:$0x3FAE] =	sst s1  }
0xa: {  	[smem:$0x3FAF] =	sst s2  }
0xb: {  	[smem:$0x3FB0] =	sst s3  }
0xc: {  	[smem:$0x3FB1] =	sst s4  }
0xd: {  	[smem:$0x3FB2] =	sst s5  }
0xe: {  	[smem:$0x3FB3] =	sst s6  }
0xf: {  	[smem:$0x3FB4] =	sst s7  }
0x10: {  	[smem:$0x3FB5] =	sst s8  }
0x11: {  	[smem:$0x3FB6] =	sst s9;
	s0 =	simm.s32 @!p0 $0x0  }
0x12: {  	s1 =	sld [smem:$0x3F9C];
	s0 =	simm.s32 @p0 $0x1  }
0x13: {  	[smem:$0x3FB7] =	sst s0;
	s0 =	simm.s32 @!p1 $0x0  }
0x14: {  	s2 =	sld [smem:$0x3F9B];
	s0 =	simm.s32 @p1 $0x1  }
0x15: {  	[smem:$0x3FB8] =	sst s0;
	s0 =	simm.s32 @!p2 $0x0  }
0x16: {  	s3 =	sld [smem:$0x3FDB];
	s0 =	simm.s32 @p2 $0x1  }
0x17: {  	s4 =	simm.s32 $0x1BF5;
	[smem:$0x3FBA] =	sst s0  }
0x18: {  	s0 =	sld [smem:$0x3F9D];
	_ =	swait.ge [sflag:s4], $0x0  }
0x19: {  	s7 =	sld [smem:$0x3F9E]  }
0x1a: {  	s8 =	sadd.s32 $0xFFFFE003, lr  }
0x1b: {  	s9 =	sadd.s32 $0xFFFFFEF7, lr;
	s5 =	simm.s32 $0xFFFFFFFF;
	p2 =	slt.u32 s8, $0xFFFFF086  }
0x1c: {  	p1 =	slt.u32 s9, $0xF7A;
	s5 =	simm.s32 @!p2 $0x0  }
0x1d: {  	s5 =	simm.s32 @p1 $0x1;
	p0 =	seq.s32 s7, s2  }
0x1e: {  	s7 =	smul.u32 @!p0 $0xF7A, s2;
	p2 =	seq.s32 @!p0 s5, $0x0  }
0x1f: {  	s9 =	smul.u32 $0xF7A, s1;
	s8 =	simm.s32 @!p0 $0x1BF5;
	p2 =	por !p2, p0  }
0x20: {  	[sflag:s8] =	ssyncset.s32 @!p0 $0xFFFFF086;
	s6 =	sadd.s32 @!p0 s3, s7;
	s7 =	simm.s32 @!p0 $0x108  }
0x21: {  	s3 =	sadd.s32 s3, s9;
	s6 =	sadd.s32 @!p0 $0x88, s6;
	s7 =	simm.s32 @p2 $0x1082  }
0x22: {  	[simem:s7], [sflag:s8] =	dma.local @!p0 [hbm:s6], $0xF7A  }
0x23: {  	s9 =	sor.u32 $0xD0000000, s2;
	s6 =	simm.s32 $0x108;
	_ =	swait.ge @!p0 [sflag:s8], $0x0  }
0x24: {  	s3 =	sadd.s32 $0x88, s3;
	s6 =	simm.s32 @!p1 $0x1082;
	[sflag:s4] =	ssyncset.s32 $0xFFFFF086  }
0x25: {  	[simem:s6], [sflag:s4] =	dma.local [hbm:s3], $0xF7A  }
0x26: {  	[smem:$0x3F9E] =	sst s1;
	(tag) =	ssettag s2;
	_ =	strace s9  }
0x27: {  	s1 =	sld [smem:$0x3FAE]  }
0x28: {  	s2 =	sld [smem:$0x3FAF]  }
0x29: {  	s4 =	sld [smem:$0x3FB1]  }
0x2a: {  	p0 =	seq.s32 s5, $0x0;
	s5 =	sld [smem:$0x3FB2]  }
0x2b: {  	s6 =	sld [smem:$0x3FB3]  }
0x2c: {  	s7 =	sld [smem:$0x3FB4]  }
0x2d: {  	s3 =	simm.s32 $0x108;
	s8 =	sld [smem:$0x3FB5]  }
0x2e: {  	s3 =	simm.s32 @!p0 $0x1082;
	s9 =	sld [smem:$0x3FB6]  }
0x2f: {  	lr =	sadd.s32 s0, s3;
	s0 =	sld [smem:$0x3FAD]  }
0x30: {  	s3 =	sld [smem:$0x3FB0]  }
0x31: {  	[smem:$0x3FB9] =	sst s10  }
0x32: {  	s10 =	sld [smem:$0x3FB7];
	_ =	sdelay $0x3  }
0x33: {  	p0 =	seq.s32 s10, $0x1;
	s10 =	sld [smem:$0x3FB9];
	_ =	sdelay $0x3  }
0x34: {  	[smem:$0x3FB9] =	sst s10  }
0x35: {  	s10 =	sld [smem:$0x3FB8];
	_ =	sdelay $0x3  }
0x36: {  	p1 =	seq.s32 s10, $0x1;
	s10 =	sld [smem:$0x3FB9];
	_ =	sdelay $0x3  }
0x37: {  	[smem:$0x3FB9] =	sst s10  }
0x38: {  	s10 =	sld [smem:$0x3FBA]  }
0x39: {  	_ = 	snop;
	(pc) =	sbr.ind lr, $3  }
0x3a: {  	_ = 	snop  }
0x3b: {  	_ = 	snop  }
0x3c: {  	p2 =	seq.s32 s10, $0x1;
	s10 =	sld [smem:$0x3FB9]  }
0x3d: {  	_ =	shalt  }
0x3e: {  	_ =	shalt  }
0x3f: {  	_ =	shalt  }
0x40: {  	_ =	shalt  }
0x41: {  	_ =	shalt  }
0x42: {  	_ =	shalt  }
0x43: {  	_ =	shalt  }
0x44: {  	_ =	shalt  }
0x45: {  	_ =	shalt  }
0x46: {  	_ =	shalt  }
0x47: {  	_ =	shalt  }
0x48: {  	_ =	shalt  }
0x49: {  	_ =	shalt  }
0x4a: {  	_ =	shalt  }
0x4b: {  	_ =	shalt  }
0x4c: {  	_ =	shalt  }
0x4d: {  	_ =	shalt  }
0x4e: {  	_ =	shalt  }
0x4f: {  	_ =	shalt  }
0x50: {  	_ =	shalt  }
0x51: {  	_ =	shalt  }
0x52: {  	_ =	shalt  }
0x53: {  	_ =	shalt  }
0x54: {  	_ =	shalt  }
0x55: {  	_ =	shalt  }
0x56: {  	_ =	shalt  }
0x57: {  	_ =	shalt  }
0x58: {  	_ =	shalt  }
0x59: {  	_ =	shalt  }
0x5a: {  	_ =	shalt  }
0x5b: {  	_ =	shalt  }
0x5c: {  	_ =	shalt  }
0x5d: {  	_ =	shalt  }
0x5e: {  	_ =	shalt  }
0x5f: {  	_ =	shalt  }
0x60: {  	_ =	shalt  }
0x61: {  	_ =	shalt  }
0x62: {  	_ =	shalt  }
0x63: {  	_ =	shalt  }
0x64: {  	_ =	shalt  }
0x65: {  	_ =	shalt  }
0x66: {  	_ =	shalt  }
0x67: {  	_ =	shalt  }
0x68: {  	_ =	shalt  }
0x69: {  	_ =	shalt  }
0x6a: {  	_ =	shalt  }
0x6b: {  	_ =	shalt  }
0x6c: {  	_ =	shalt  }
0x6d: {  	_ =	shalt  }
0x6e: {  	_ =	shalt  }
0x6f: {  	_ =	shalt  }
0x70: {  	_ =	shalt  }
0x71: {  	_ =	shalt  }
0x72: {  	_ =	shalt  }
0x73: {  	_ =	shalt  }
0x74: {  	_ =	shalt  }
0x75: {  	_ =	shalt  }
0x76: {  	_ =	shalt  }
0x77: {  	_ =	shalt  }
0x78: {  	_ =	shalt  }
0x79: {  	_ =	shalt  }
0x7a: {  	_ =	shalt  }
0x7b: {  	_ =	shalt  }
0x7c: {  	_ =	shalt  }
0x7d: {  	_ =	shalt  }
0x7e: {  	_ =	shalt  }
0x7f: {  	_ =	shalt  }
0x80: {  	_ =	shalt  }
0x81: {  	_ =	shalt  }
0x82: {  	_ =	shalt  }
0x83: {  	_ =	shalt  }
0x84: {  	_ =	shalt  }
0x85: {  	_ =	shalt  }
0x86: {  	_ =	shalt  }
0x87: {  	_ =	shalt  }
.Lfunc_end0:
.L_simem_size_0:
called_computation_lowered:
.L_overlay_start_0:
0x88: {  	s2 =	sld [smem:$0x3FD9]  }
0x89: {  	s3 =	sld [smem:$0x3FFE];
	_ =	sdelay $0x1  }
0x8a: {  	s1 =	srdreg.scid  }
0x8b: {  	s0 =	sand.u32 $0x1, s1  }
0x8c: {  	s14 =	sshll.u32 s0, $0xA;
	s2 =	sadd.s32 s3, s2  }
0x8d: {  	s2 =	sadd.s32 s2, s14  }
0x8e: {  	[smem:$0x3FC5] =	sst s2  }
0x8f: {  	_ = 	snop  }
0x90: {  	s2 =	sld [smem:$0x3FD0];
	_ =	sdelay $0x2  }
0x91: {  	s4 =	simm.s32 $0xA;
	s5 =	simm.s32 $0x10;
	s15 =	sld [smem:$0x3FC9]  }
0x92: {  	[smem:s5], [sflag:s4] =	dma.local [hbm:s2], $0x1  }
0x93: {  	_ =	swait.eq [sflag:s4], $0x1  }
0x94: {  	[sflag:s4] =	ssyncset.done $0x0  }
0x95: {  	s16 =	sld [smem:$0x10];
	[sflag:s4] =	ssyncadd.s32 $0xFFFFFFFF  }
0x96: {  	s17 =	sld [smem:$0x11];
	(tm) =	ssettm $0x1  }
0x97: {  	s18 =	sld [smem:$0x3FFB];
	_ =	sdelay $0x3  }
0x98: {  	_ =	strace s18  }
0x99: {  	s5 =	sld [smem:$0x3FFC];
	_ =	sdelay $0x3  }
0x9a: {  	_ =	strace s5  }
0x9b: {  	s5 =	sld [smem:$0x3FFD];
	_ =	sdelay $0x3  }
0x9c: {  	_ =	strace s5  }
0x9d: {  	_ =	strace $0x8FFFFFFF  }
0x9e: {  	s19 =	sld [smem:$0x3FDB];
	_ =	sdelay $0x1  }
0x9f: {  	s6 =	simm.s32 $_scs_section_size  }
0xa0: {  	s7 =	simm.s32 $_size__tile_overlayer_lowered;
	s8 =	simm.s32 $_tile_overlayer_lowered  }
0xa1: {  	s22 =	simm.s32 $0x1BFF;
	s21 =	sshll.u32 s8, $0x1;
	s5 =	sadd.s32 s6, s19  }
0xa2: {  	s9 =	simm.s32 $0x0;
	s20 =	sshll.u32 s7, $0x1;
	s7 =	sadd.s32 s21, s5  }
0xa3: {  	[timem:s9], [sflag:s22] =	dma.local [hbm:s7], s20  }
0xa4: {  	_ =	swait.ge [sflag:s22], s20  }
0xa5: {  	s6 =	ssub.s32 $0x0, s20;
	[sflag:s22] =	ssyncset.done $0x0  }
0xa6: {  	[sflag:s22] =	ssyncadd.s32 s6;
	_ =	sdelay $0x1  }
0xa7: {  	s23 =	simm.s32 $0x1B8B  }
0xa8: {  	_ =	swait.ge [sflag:s23], $0x1  }
0xa9: {  	[sflag:s23] =	ssyncset.done $0x0  }
0xaa: {  	s25 =	simm.s32 $0x1B8E;
	s24 =	sld [smem:$0x3FFE];
	[sflag:s23] =	ssyncadd.s32 $0xFFFFFFFF  }
0xab: {  	s26 =	simm.s32 $execute0_lowered;
	[smem:$0x3FD2] =	sst s25  }
0xac: {  	s7 =	sshll.u32 s26, $0x1;
	_ =	strace $0x80000046;
	[dreg:$0x1] =	wrdreg $0xFFFFFFFF  }
0xad: {  	s28 =	simm.s32 $_size_execute0_lowered;
	s5 =	sadd.s32 s5, s7;
	[dreg:$0x0] =	wrdreg $0x0  }
0xae: {  	s7 =	sshll.u32 s28, $0x1;
	[dreg:$0x2] =	wrdreg s5  }
0xaf: {  	[dreg:$0x3] =	wrdreg s7  }
0xb0: {  	[dreg:$0x4] =	wrdreg $0xC0  }
0xb1: {  	_ =	task [dreg:s9], $0x5FFFF  }
0xb2: {  	[dreg:$0x1] =	wrdreg $0xFFFFFFFF  }
0xb3: {  	[dreg:$0x0] =	wrdreg $0x60  }
0xb4: {  	[dreg:$0x2] =	wrdreg s15  }
0xb5: {  	[dreg:$0x3] =	wrdreg s24  }
0xb6: {  	[dreg:$0x4] =	wrdreg s16  }
0xb7: {  	[dreg:$0x5] =	wrdreg s17  }
0xb8: {  	[dreg:$0x6] =	wrdreg $0x9  }
0xb9: {  	_ =	task.clear_ibuf [dreg:s9], $0x7FFFF;
	_ =	strace $0x90000046  }
0xba: {  	s29 =	simm.s32 $0x9;
	_ =	strace $0x80000048  }
0xbb: {  	_ =	swait.ge [sflag:s29], $0x1  }
0xbc: {  	[sflag:s29] =	ssyncadd.s32 $0xFFFFFFFF  }
0xbd: {  	_ =	strace $0x90000048  }
0xbe: {  	_ =	sfence  }
0xbf: {  	s30 =	sld [smem:$0x0];
	_ =	sdelay $0x2  }
0xc0: {  	s31 =	sshll.u32 s1, $0xD;
	s1 =	sshrl.u32 s1, $0x2  }
0xc1: {  	s3 =	sand.u32 $0x4000, s31;
	s1 =	sadd.s32 s1, s30  }
0xc2: {  	s0 =	sor.u32 s3, s0;
	s1 =	sshll.u32 s1, $0x11  }
0xc3: {  	s0 =	sor.u32 s1, s0  }
0xc4: {  	s0 =	sadd.s32 $0x8F2B, s0  }
0xc5: {  	[sflag:s0] =	ssyncadd.remote.s32 $0x1  }
0xc6: {  	_ =	sfence.sel $0xFFFF  }
0xc7: {  	[dreg:$0x0] =	wrdreg $0xFFFFFFFF;
	(pc) =	sbr.abs _section_cstart, $3  }
0xc8: {  	[dreg:$0x1] =	wrdreg $0xFFFFFFFF  }
0xc9: {  	_ =	task.clear_ibuf [dreg:s9], $0x2FFFF;
	_ =	strace $0x9FFFFFFF  }
0xca: {  	(tm) =	ssettm $0x7FFFFFFF  }
0xcb: {  	_ =	shalt  }
tec
execute0_lowered:
.L_overlay_start_1:
0x0: {  	(tag) =	ssettag $0x1  }
0x1: {  	s10 =	rddreg [dreg:$0x0]  }
0x2: {  	s0 =	rddreg [dreg:$0x1]  }
0x3: {  	s3 =	rddreg [dreg:$0x2]  }
0x4: {  	s1 =	srdreg.scid;
	s4 =	stileid.u32  }
0x5: {  	s2 =	rddreg [dreg:$0x3];
	s29 =	simm.s32 $0xB400;
	s11 =	simm.s32 $0xD800  }
0x6: {  	s12 =	simm.s32 $0xE400;
	s1 =	sand.u32 $0x1, s1;
	s5 =	sshll.u32 s4, $0x1  }
0x7: {  	s13 =	simm.s32 $0x1;
	s14 =	simm.s32 $0xF000;
	s5 =	sor.u32 s1, s5  }
0x8: {  	s15 =	simm.s32 $0x2;
	s4 =	simm.s32 $0x0;
	s6 =	smul.u32 $0x280, s5  }
0x9: {  	[smem:$0x7FF] =	sst s4;
	s1 =	ssub.s32 $0x2, s1;
	s7 =	smul.u32 $0x6000, s5  }
0xa: {  	_ =	strace $0x80000047;
	s8 =	sadd.s32 s6, s0;
	s0 =	sadd.s32 $0x5C00, s0  }
0xb: {  	s18 =	sshrl.u32 s1, $0x1;
	s7 =	sadd.s32 s10, s7;
	[dreg:$0x5] =	wrdreg s0  }
0xc: {  	s20 =	sshll.u32 s5, $0x6;
	s19 =	sadd.s32 $0xC00, s8;
	[dreg:$0x6] =	wrdreg s7  }
0xd: {  	s0 =	ssub.s32 s1, s18;
	s1 =	sadd.s32 s2, s20;
	[dreg:$0x7] =	wrdreg s19  }
0xe: {  	s16 =	simm.s32 $0x10800;
	s21 =	sadd.s32 $0xC0000, s7;
	[dreg:$0x8] =	wrdreg s1  }
0xf: {  	s9 =	sshll.u32 s5, $0x5;
	s22 =	sadd.s32 $0x180000, s7;
	[dreg:$0xa] =	wrdreg s21  }
0x10: {  	s6 =	sshll.u32 s5, $0x8;
	s23 =	sadd.s32 $0x240000, s7;
	[dreg:$0xb] =	wrdreg s22  }
0x11: {  	s10 =	sadd.s32 $0x40, s10;
	s24 =	sadd.s32 $0x300000, s7;
	[dreg:$0xc] =	wrdreg s23  }
0x12: {  	s5 =	simm.s32 $0xC000;
	s25 =	sadd.s32 $0x3C0000, s7;
	[dreg:$0xd] =	wrdreg s24  }
0x13: {  	s26 =	sadd.s32 $0x480000, s7;
	s28 =	sadd.s32 $0x540000, s7;
	[dreg:$0xe] =	wrdreg s25  }
0x14: {  	s30 =	sadd.s32 $0x600000, s7;
	s31 =	sadd.s32 $0x6C0000, s7;
	[dreg:$0xf] =	wrdreg s26  }
0x15: {  	s7 =	simm.s32 $0x5;
	s8 =	simm.s32 $0xCC00;
	[dreg:$0x10] =	wrdreg s28  }
0x16: {  	s2 =	simm.s32 $0x0;
	s0 =	smax.u32 s0, $0x1;
	[dreg:$0x11] =	wrdreg s30  }
0x17: {  	[dreg:$0x12] =	wrdreg s31;
	s22 =	sor.u32 $0x1, s9;
	s23 =	simm.s32 $0x200  }
0x18: {  	s24 =	simm.s32 $0x400;
	s26 =	simm.s32 $0x12000;
	s25 =	simm.s32 $0xA800  }
0x19: {  	v0 =	vlaneseq.u32;
	s19 =	simm.s32 $0x13480;
	[dreg:$0x9] =	wrdreg s0;
	s0 =	simm.s32 $0x9C00  }
.LBB2_1:
0x1a: {  	[dreg:$0x13] =	wrdreg s2  }
0x1b: {  	s1 =	rddreg [dreg:$0x6]  }
0x1c: {  	[tilespmem:s4], [sflag:$0x1] =	stream.strided.gather [hbm4b:s1+s23], $0xC00, s24, s23, $0x38;
	[tilespmem:$0x13680] =	vst v63  }
0x1d: {  	s18 =	rddreg [dreg:$0xa];
	s20 =	simm.s32 $0xC00  }
0x1e: {  	[tilespmem:s20], [sflag:$0x1] =	stream.strided.gather [hbm4b:s18+s23], $0xC00, s24, s23, $0x38;
	[tilespmem:$0x13680] =	vst v63  }
0x1f: {  	s21 =	rddreg [dreg:$0xb];
	s28 =	simm.s32 $0x1800  }
0x20: {  	[tilespmem:s28], [sflag:$0x1] =	stream.strided.gather [hbm4b:s21+s23], $0xC00, s24, s23, $0x38;
	[tilespmem:$0x13680] =	vst v63  }
0x21: {  	s30 =	rddreg [dreg:$0xc];
	s31 =	simm.s32 $0x2400  }
0x22: {  	[tilespmem:s31], [sflag:$0x1] =	stream.strided.gather [hbm4b:s30+s23], $0xC00, s24, s23, $0x38;
	[tilespmem:$0x13680] =	vst v63  }
0x23: {  	s2 =	rddreg [dreg:$0xd];
	s17 =	simm.s32 $0x3000  }
0x24: {  	[tilespmem:s17], [sflag:$0x1] =	stream.strided.gather [hbm4b:s2+s23], $0xC00, s24, s23, $0x38;
	[tilespmem:$0x13680] =	vst v63  }
0x25: {  	s18 =	rddreg [dreg:$0xe];
	s20 =	simm.s32 $0x3C00  }
0x26: {  	[tilespmem:s20], [sflag:$0x1] =	stream.strided.gather [hbm4b:s18+s23], $0xC00, s24, s23, $0x38;
	[tilespmem:$0x13680] =	vst v63  }
0x27: {  	s21 =	rddreg [dreg:$0xf];
	s28 =	simm.s32 $0x4800  }
0x28: {  	[tilespmem:s28], [sflag:$0x1] =	stream.strided.gather [hbm4b:s21+s23], $0xC00, s24, s23, $0x38;
	[tilespmem:$0x13680] =	vst v63  }
0x29: {  	s30 =	rddreg [dreg:$0x10];
	s31 =	simm.s32 $0x5400  }
0x2a: {  	[tilespmem:s31], [sflag:$0x1] =	stream.strided.gather [hbm4b:s30+s23], $0xC00, s24, s23, $0x38;
	[tilespmem:$0x13680] =	vst v63  }
0x2b: {  	s17 =	rddreg [dreg:$0x11];
	s18 =	simm.s32 $0x6000  }
0x2c: {  	[tilespmem:s18], [sflag:$0x1] =	stream.strided.gather [hbm4b:s17+s23], $0xC00, s24, s23, $0x38;
	[tilespmem:$0x13680] =	vst v63  }
0x2d: {  	s20 =	rddreg [dreg:$0x12];
	s21 =	simm.s32 $0x6C00  }
0x2e: {  	[tilespmem:s21], [sflag:$0x1] =	stream.strided.gather [hbm4b:s20+s23], $0xC00, s24, s23, $0x38;
	[tilespmem:$0x13680] =	vst v63  }
0x2f: {  	s28 =	rddreg [dreg:$0x7]  }
0x30: {  	[tilespmem:s26], [sflag:$0x5] =	stream.linear.gather [hbm4b:s28+s4], $0x1400, $0x38;
	[tilespmem:$0x13680] =	vst v63  }
0x31: {  	_ =	swait.ge [sflag:s7], $0x1400  }
0x32: {  	[sflag:s7] =	ssyncset.done $0x0  }
0x33: {  	s31 =	simm.s32 $0x13400;
	s30 =	rddreg [dreg:$0x5];
	[sflag:s7] =	ssyncadd.s32 $0xFFFFEC00  }
0x34: {  	[tilespmem:s31], [sflag:$0x5] =	stream.linear.gather [hbm4b:s30+s4], $0x80, $0x38;
	[tilespmem:$0x13680] =	vst v63  }
0x35: {  	_ =	swait.ge [sflag:s7], $0x80  }
0x36: {  	[sflag:s7] =	ssyncset.done $0x0  }
0x37: {  	s21 =	simm.s32 $0x0;
	[sflag:s7] =	ssyncadd.s32 $0xFFFFFF80  }
.LBB2_2:
0x38: {  	s1 =	sadd.s32 s9, s21  }
0x39: {  	s1 =	smul.u32 $0x300, s1;
	_ =	sdelay $0x1  }
0x3a: {  	s2 =	simm.s32 $0x7800;
	s1 =	sadd.s32 s1, s10  }
0x3b: {  	[tilespmem:s2], [sflag:$0x2] =	stream.strided.gather [hbm4b:s1+s23], $0xC00, s24, s23, $0x38;
	[tilespmem:$0x13680] =	vst v63  }
0x3c: {  	s7 =	simm.s32 $0x8400;
	s17 =	sadd.s32 $0xC0000, s1  }
0x3d: {  	[tilespmem:s7], [sflag:$0x2] =	stream.strided.gather [hbm4b:s17+s23], $0xC00, s24, s23, $0x38;
	[tilespmem:$0x13680] =	vst v63  }
0x3e: {  	s20 =	simm.s32 $0x9000;
	s18 =	sadd.s32 $0x180000, s1  }
0x3f: {  	[tilespmem:s20], [sflag:$0x2] =	stream.strided.gather [hbm4b:s18+s23], $0xC00, s24, s23, $0x38;
	[tilespmem:$0x13680] =	vst v63  }
0x40: {  	s30 =	sadd.s32 $0x240000, s1  }
0x41: {  	[tilespmem:s0], [sflag:$0x2] =	stream.strided.gather [hbm4b:s30+s23], $0xC00, s24, s23, $0x38;
	[tilespmem:$0x13680] =	vst v63  }
0x42: {  	s7 =	sadd.s32 $0x300000, s1  }
0x43: {  	[tilespmem:s25], [sflag:$0x2] =	stream.strided.gather [hbm4b:s7+s23], $0xC00, s24, s23, $0x38;
	[tilespmem:$0x13680] =	vst v63  }
0x44: {  	s17 =	sadd.s32 $0x3C0000, s1  }
0x45: {  	[tilespmem:s29], [sflag:$0x2] =	stream.strided.gather [hbm4b:s17+s23], $0xC00, s24, s23, $0x38;
	[tilespmem:$0x13680] =	vst v63  }
0x46: {  	s18 =	sadd.s32 $0x480000, s1  }
0x47: {  	[tilespmem:s5], [sflag:$0x2] =	stream.strided.gather [hbm4b:s18+s23], $0xC00, s24, s23, $0x38;
	[tilespmem:$0x13680] =	vst v63  }
0x48: {  	s20 =	sadd.s32 $0x540000, s1  }
0x49: {  	[tilespmem:s8], [sflag:$0x2] =	stream.strided.gather [hbm4b:s20+s23], $0xC00, s24, s23, $0x38;
	[tilespmem:$0x13680] =	vst v63  }
0x4a: {  	s30 =	sadd.s32 $0x600000, s1  }
0x4b: {  	[tilespmem:s11], [sflag:$0x2] =	stream.strided.gather [hbm4b:s30+s23], $0xC00, s24, s23, $0x38;
	[tilespmem:$0x13680] =	vst v63  }
0x4c: {  	s1 =	sadd.s32 $0x6C0000, s1  }
0x4d: {  	[tilespmem:s12], [sflag:$0x2] =	stream.strided.gather [hbm4b:s1+s23], $0xC00, s24, s23, $0x38;
	[tilespmem:$0x13680] =	vst v63  }
0x4e: {  	_ =	swait.ge [sflag:s13], $0x7800  }
0x4f: {  	p0 =	seq.s32 s21, $0x0;
	[sflag:s13] =	ssyncset.done $0x0  }
0x50: {  	s1 =	simm.s32 @!p0 $0x3;
	[sflag:s13] =	ssyncadd.s32 $0xFFFF8800  }
0x51: {  	s7 =	smul.u32 $0x280, s21;
	_ =	swait.ge @!p0 [sflag:s1], $0x1800  }
0x52: {  	s17 =	simm.s32 $0x0;
	[sflag:s1] =	ssyncset.done @!p0 $0x0  }
0x53: {  	s18 =	sshra.s32 s7, $0x2;
	s20 =	simm.s32 $0x0;
	[sflag:s1] =	ssyncadd.s32 @!p0 $0xFFFFE800  }
0x54: {  	s7 =	sand.u32 $0x3FFFFE00, s20;
	s30 =	sand.u32 $0x70, s17;
	v16 =	vld [tilespmem:s18+$0x12000]  }
0x55: {  	s1 =	sor.u32 s30, s7  }
0x56: {  	v4 =	vld [tilespmem:s1+$0x0];
	_ =	sdelay $0x1  }
0x57: {  	v7 =	vld [tilespmem:s1+$0xC00]  }
0x58: {  	v6 =	vbroadcast v16, $0x1  }
0x59: {  	v9 =	vld [tilespmem:s1+$0x1800];
	v2 =	vbroadcast v16, $0x0  }
0x5a: {  	v3 =	vbroadcast v16, $0x3;
	v8 =	vmul.f32 v4, v6  }
0x5b: {  	v11 =	vld [tilespmem:s1+$0x2400];
	v1 =	vbroadcast v16, $0x2;
	v10 =	vmul.f32 v4, v2  }
0x5c: {  	v5 =	vbroadcast v16, $0x5;
	v13 =	vmul.f32 v7, v3;
	v12 =	vadd.f32 $0.0e+00, v8  }
0x5d: {  	v14 =	vld [tilespmem:s1+$0x3000];
	v4 =	vbroadcast v16, $0x4;
	v15 =	vmul.f32 v7, v1;
	v10 =	vadd.f32 $0.0e+00, v10  }
0x5e: {  	v8 =	vbroadcast v16, $0x7;
	v12 =	vadd.f32 v13, v12;
	v13 =	vmul.f32 v9, v5  }
0x5f: {  	v17 =	vld [tilespmem:s1+$0x3C00];
	v7 =	vbroadcast v16, $0x6;
	v18 =	vmul.f32 v9, v4;
	v15 =	vadd.f32 v15, v10  }
0x60: {  	v10 =	vbroadcast v16, $0x9;
	v19 =	vmul.f32 v11, v8;
	v13 =	vadd.f32 v13, v12  }
0x61: {  	v20 =	vld [tilespmem:s1+$0x4800];
	v9 =	vbroadcast v16, $0x8;
	v15 =	vadd.f32 v18, v15;
	v18 =	vmul.f32 v11, v7  }
0x62: {  	v21 =	vld [tilespmem:s18+$0x12004];
	v12 =	vbroadcast v16, $0xB;
	v13 =	vadd.f32 v19, v13;
	v19 =	vmul.f32 v14, v10  }
0x63: {  	v22 =	vld [tilespmem:s1+$0x5400];
	v11 =	vbroadcast v16, $0xA;
	v15 =	vadd.f32 v18, v15;
	v18 =	vmul.f32 v14, v9  }
0x64: {  	v14 =	vbroadcast v16, $0xD;
	v23 =	vmul.f32 v17, v12;
	v19 =	vadd.f32 v19, v13  }
0x65: {  	v24 =	vld [tilespmem:s1+$0x6000];
	v17 =	vmul.f32 v17, v11;
	v13 =	vbroadcast v16, $0xC;
	v18 =	vadd.f32 v18, v15  }
0x66: {  	v15 =	vbroadcast v16, $0xF;
	v19 =	vadd.f32 v23, v19;
	v23 =	vmul.f32 v20, v14  }
0x67: {  	v25 =	vld [tilespmem:s1+$0x6C00];
	v16 =	vbroadcast v16, $0xE;
	v18 =	vadd.f32 v17, v18;
	v20 =	vmul.f32 v20, v13  }
0x68: {  	v17 =	vbroadcast v21, $0xD;
	v26 =	vmul.f32 v22, v15;
	v23 =	vadd.f32 v23, v19  }
0x69: {  	v22 =	vmul.f32 v22, v16;
	v19 =	vbroadcast v21, $0xC;
	v27 =	vadd.f32 v20, v18  }
0x6a: {  	v62 =	vmul.f32 v24, v17;
	v20 =	vbroadcast v21, $0xF;
	v23 =	vadd.f32 v26, v23  }
0x6b: {  	v18 =	vbroadcast v21, $0xE;
	v21 =	vadd.f32 v22, v27;
	v22 =	vmul.f32 v24, v19  }
0x6c: {  	s28 =	simm.s32 $0x1;
	v63 =	vmul.f32 v25, v20;
	v23 =	vadd.f32 v62, v23  }
0x6d: {  	s2 =	simm.s32 $0x40;
	s20 =	simm.s32 $0x0;
	s17 =	sshll.u32 s21, $0x3;
	v25 =	vmul.f32 v25, v18;
	v22 =	vadd.f32 v22, v21  }
0x6e: {  	s31 =	sand.u32 $0x3FFFFF00, s20;
	s20 =	simm.s32 $0x10;
	s17 =	sadd.s32 s6, s17;
	v21 =	vadd.f32 v63, v23  }
0x6f: {  	s31 =	sor.u32 s30, s31;
	s7 =	sshllo.u32 s21, $0x1;
	s1 =	simm.s32 $0x2;
	v22 =	vadd.f32 v25, v22  }
.LBB2_3:
0x70: {  	p1 =	sne.s32 s1, $0x2F;
	s30 =	sand.u32 $0x70, s20;
	s2 =	sand.u32 $0x3FFFFE00, s2;
	[tilespmem:s31+$0xF080] =	vst v21  }
0x71: {  	s2 =	sor.u32 s30, s2;
	[tilespmem:s31+$0xF000] =	vst v22  }
0x72: {  	v21 =	vld [tilespmem:s2+$0x0]  }
0x73: {  	v22 =	vld [tilespmem:s2+$0x1800]  }
0x74: {  	v23 =	vld [tilespmem:s2+$0xC00]  }
0x75: {  	v24 =	vld [tilespmem:s2+$0x2400]  }
0x76: {  	v25 =	vld [tilespmem:s2+$0x3000]  }
0x77: {  	v26 =	vmul.f32 v21, v2;
	v21 =	vmul.f32 v21, v6;
	v27 =	vld [tilespmem:s2+$0x3C00]  }
0x78: {  	v28 =	vld [tilespmem:s2+$0x4800]  }
0x79: {  	v26 =	vadd.f32 $0.0e+00, v26;
	v21 =	vadd.f32 $0.0e+00, v21;
	v29 =	vmul.f32 v23, v3;
	v30 =	vld [tilespmem:s2+$0x5400]  }
0x7a: {  	v23 =	vmul.f32 v23, v1;
	v31 =	vld [tilespmem:s2+$0x6000]  }
0x7b: {  	v21 =	vadd.f32 v29, v21;
	v29 =	vmul.f32 v22, v5;
	v32 =	vld [tilespmem:s2+$0x6C00]  }
0x7c: {  	v23 =	vadd.f32 v23, v26;
	v22 =	vmul.f32 v22, v4  }
0x7d: {  	v26 =	vmul.f32 v24, v8;
	v21 =	vadd.f32 v29, v21  }
0x7e: {  	v22 =	vadd.f32 v22, v23;
	v23 =	vmul.f32 v24, v7  }
0x7f: {  	v24 =	vmul.f32 v25, v10;
	v21 =	vadd.f32 v26, v21  }
0x80: {  	v22 =	vadd.f32 v23, v22;
	v23 =	vmul.f32 v25, v9  }
0x81: {  	v21 =	vadd.f32 v24, v21;
	v24 =	vmul.f32 v27, v12  }
0x82: {  	v22 =	vadd.f32 v23, v22;
	v23 =	vmul.f32 v27, v11  }
0x83: {  	v21 =	vadd.f32 v24, v21;
	v24 =	vmul.f32 v28, v14  }
0x84: {  	v22 =	vadd.f32 v23, v22;
	v23 =	vmul.f32 v28, v13  }
0x85: {  	v21 =	vadd.f32 v24, v21;
	v24 =	vmul.f32 v30, v15  }
0x86: {  	v22 =	vadd.f32 v23, v22;
	v23 =	vmul.f32 v30, v16  }
0x87: {  	v21 =	vadd.f32 v24, v21;
	v24 =	vmul.f32 v31, v17  }
.Ltmp0:
0x88: {  	v22 =	vadd.f32 v23, v22;
	v23 =	vmul.f32 v31, v19;
	(pc) =	sbr.rel @p1 .LBB2_3-.Ltmp0, $4  }
0x89: {  	v21 =	vadd.f32 v24, v21;
	v24 =	vmul.f32 v32, v20  }
0x8a: {  	s2 =	sshll.u32 s28, $0x5;
	s28 =	smov.u32 s1;
	v22 =	vadd.f32 v23, v22;
	v23 =	vmul.f32 v32, v18  }
0x8b: {  	s20 =	sadd.s32 $0x10, s20;
	s31 =	sand.u32 $0x3FFFFF00, s2;
	v21 =	vadd.f32 v24, v21  }
0x8c: {  	s1 =	sadd.s32 $0x1, s1;
	s2 =	sshll.u32 s28, $0x6;
	s31 =	sor.u32 s30, s31;
	v22 =	vadd.f32 v23, v22  }
0x8d: {  	s1 =	sand.u32 $0x70, s20;
	s2 =	sand.u32 $0x3FFFFE00, s2;
	[tilespmem:s31+$0xF080] =	vst v21  }
0x8e: {  	s2 =	sor.u32 s1, s2;
	[tilespmem:s31+$0xF000] =	vst v22  }
0x8f: {  	v21 =	vld [tilespmem:s2+$0x0];
	_ =	sdelay $0x1  }
0x90: {  	v22 =	vld [tilespmem:s2+$0xC00];
	_ =	sdelay $0x1  }
0x91: {  	v23 =	vld [tilespmem:s2+$0x1800]  }
0x92: {  	v6 =	vmul.f32 v21, v6  }
0x93: {  	v24 =	vld [tilespmem:s2+$0x2400];
	v2 =	vmul.f32 v21, v2  }
0x94: {  	v3 =	vmul.f32 v22, v3;
	v6 =	vadd.f32 $0.0e+00, v6  }
0x95: {  	v21 =	vld [tilespmem:s2+$0x3000];
	v1 =	vmul.f32 v22, v1;
	v2 =	vadd.f32 $0.0e+00, v2  }
0x96: {  	v5 =	vmul.f32 v23, v5;
	v3 =	vadd.f32 v3, v6  }
0x97: {  	v6 =	vld [tilespmem:s2+$0x3C00];
	v1 =	vadd.f32 v1, v2;
	v2 =	vmul.f32 v23, v4  }
0x98: {  	v4 =	vmul.f32 v24, v8;
	v3 =	vadd.f32 v5, v3  }
0x99: {  	v5 =	vld [tilespmem:s2+$0x4800];
	v1 =	vadd.f32 v2, v1;
	v2 =	vmul.f32 v24, v7  }
0x9a: {  	v3 =	vadd.f32 v4, v3;
	v4 =	vmul.f32 v21, v10  }
0x9b: {  	v7 =	vld [tilespmem:s2+$0x5400];
	v1 =	vadd.f32 v2, v1;
	v2 =	vmul.f32 v21, v9  }
0x9c: {  	v3 =	vadd.f32 v4, v3;
	v4 =	vmul.f32 v6, v12  }
0x9d: {  	v8 =	vld [tilespmem:s2+$0x6000];
	v1 =	vadd.f32 v2, v1;
	v2 =	vmul.f32 v6, v11  }
0x9e: {  	v3 =	vadd.f32 v4, v3;
	v4 =	vmul.f32 v5, v14  }
0x9f: {  	v6 =	vld [tilespmem:s2+$0x6C00];
	v1 =	vadd.f32 v2, v1;
	v2 =	vmul.f32 v5, v13  }
0xa0: {  	v3 =	vadd.f32 v4, v3;
	v4 =	vmul.f32 v7, v15  }
0xa1: {  	v1 =	vadd.f32 v2, v1;
	v2 =	vmul.f32 v7, v16  }
0xa2: {  	v3 =	vadd.f32 v4, v3;
	v4 =	vmul.f32 v8, v17  }
0xa3: {  	v1 =	vadd.f32 v2, v1;
	v2 =	vmul.f32 v8, v19  }
0xa4: {  	v3 =	vadd.f32 v4, v3;
	v4 =	vmul.f32 v6, v20  }
0xa5: {  	s30 =	sshll.u32 s28, $0x5;
	v1 =	vadd.f32 v2, v1;
	v2 =	vmul.f32 v6, v18  }
0xa6: {  	s2 =	sand.u32 $0x3FFFFF00, s30;
	v3 =	vadd.f32 v4, v3  }
0xa7: {  	s1 =	sor.u32 s1, s2;
	v1 =	vadd.f32 v2, v1  }
0xa8: {  	[tilespmem:s1+$0xF080] =	vst v3  }
0xa9: {  	s20 =	simm.s32 $0x0;
	s2 =	simm.s32 $0x0;
	[tilespmem:s1+$0xF000] =	vst v1  }
0xaa: {  	s30 =	sand.u32 $0x70, s2;
	s2 =	sand.u32 $0x3FFFFE00, s20;
	v16 =	vld [tilespmem:s18+$0x12014]  }
0xab: {  	s1 =	sor.u32 s30, s2  }
0xac: {  	v4 =	vld [tilespmem:s1+$0x80];
	_ =	sdelay $0x1  }
0xad: {  	v7 =	vld [tilespmem:s1+$0xC80]  }
0xae: {  	v6 =	vbroadcast v16, $0x1  }
0xaf: {  	v9 =	vld [tilespmem:s1+$0x1880];
	v2 =	vbroadcast v16, $0x0  }
0xb0: {  	v3 =	vbroadcast v16, $0x3;
	v8 =	vmul.f32 v4, v6  }
0xb1: {  	v11 =	vld [tilespmem:s1+$0x2480];
	v1 =	vbroadcast v16, $0x2;
	v10 =	vmul.f32 v4, v2  }
0xb2: {  	v5 =	vbroadcast v16, $0x5;
	v13 =	vmul.f32 v7, v3;
	v12 =	vadd.f32 $0.0e+00, v8  }
0xb3: {  	v14 =	vld [tilespmem:s1+$0x3080];
	v4 =	vbroadcast v16, $0x4;
	v15 =	vmul.f32 v7, v1;
	v10 =	vadd.f32 $0.0e+00, v10  }
0xb4: {  	v8 =	vbroadcast v16, $0x7;
	v12 =	vadd.f32 v13, v12;
	v13 =	vmul.f32 v9, v5  }
0xb5: {  	v17 =	vld [tilespmem:s1+$0x3C80];
	v7 =	vbroadcast v16, $0x6;
	v18 =	vmul.f32 v9, v4;
	v15 =	vadd.f32 v15, v10  }
0xb6: {  	v10 =	vbroadcast v16, $0x9;
	v19 =	vmul.f32 v11, v8;
	v13 =	vadd.f32 v13, v12  }
0xb7: {  	v20 =	vld [tilespmem:s1+$0x4880];
	v9 =	vbroadcast v16, $0x8;
	v15 =	vadd.f32 v18, v15;
	v18 =	vmul.f32 v11, v7  }
0xb8: {  	v21 =	vld [tilespmem:s18+$0x12018];
	v12 =	vbroadcast v16, $0xB;
	v13 =	vadd.f32 v19, v13;
	v19 =	vmul.f32 v14, v10  }
0xb9: {  	v22 =	vld [tilespmem:s1+$0x5480];
	v11 =	vbroadcast v16, $0xA;
	v15 =	vadd.f32 v18, v15;
	v18 =	vmul.f32 v14, v9  }
0xba: {  	v14 =	vbroadcast v16, $0xD;
	v23 =	vmul.f32 v17, v12;
	v19 =	vadd.f32 v19, v13  }
0xbb: {  	v61 =	vld [tilespmem:s1+$0x6080];
	v17 =	vmul.f32 v17, v11;
	v13 =	vbroadcast v16, $0xC;
	v18 =	vadd.f32 v18, v15  }
0xbc: {  	v15 =	vbroadcast v16, $0xF;
	v19 =	vadd.f32 v23, v19;
	v23 =	vmul.f32 v20, v14  }
0xbd: {  	v25 =	vld [tilespmem:s1+$0x6C80];
	v16 =	vbroadcast v16, $0xE;
	v18 =	vadd.f32 v17, v18;
	v20 =	vmul.f32 v20, v13  }
0xbe: {  	v17 =	vbroadcast v21, $0xD;
	v26 =	vmul.f32 v22, v15;
	v23 =	vadd.f32 v23, v19  }
0xbf: {  	v22 =	vmul.f32 v22, v16;
	v19 =	vbroadcast v21, $0xC;
	v27 =	vadd.f32 v20, v18  }
0xc0: {  	v62 =	vmul.f32 v61, v17;
	v20 =	vbroadcast v21, $0xF;
	v23 =	vadd.f32 v26, v23  }
0xc1: {  	v18 =	vbroadcast v21, $0xE;
	v21 =	vadd.f32 v22, v27;
	v22 =	vmul.f32 v61, v19  }
0xc2: {  	v63 =	vmul.f32 v25, v20;
	v23 =	vadd.f32 v62, v23  }
0xc3: {  	s20 =	simm.s32 $0x0;
	v25 =	vmul.f32 v25, v18;
	v22 =	vadd.f32 v22, v21  }
0xc4: {  	s28 =	simm.s32 $0x1;
	s31 =	sand.u32 $0x3FFFFF00, s20;
	s20 =	simm.s32 $0x10;
	v21 =	vadd.f32 v63, v23  }
0xc5: {  	s31 =	sor.u32 s30, s31;
	s2 =	simm.s32 $0x40;
	s1 =	simm.s32 $0x2;
	v22 =	vadd.f32 v25, v22  }
.LBB2_5:
0xc6: {  	p1 =	sne.s32 s1, $0x2F;
	s30 =	sand.u32 $0x70, s20;
	s2 =	sand.u32 $0x3FFFFE00, s2;
	[tilespmem:s31+$0xF680] =	vst v21  }
0xc7: {  	s2 =	sor.u32 s30, s2;
	[tilespmem:s31+$0xF600] =	vst v22  }
0xc8: {  	v21 =	vld [tilespmem:s2+$0x80]  }
0xc9: {  	v22 =	vld [tilespmem:s2+$0x1880]  }
0xca: {  	v23 =	vld [tilespmem:s2+$0xC80]  }
0xcb: {  	v24 =	vld [tilespmem:s2+$0x2480]  }
0xcc: {  	v25 =	vld [tilespmem:s2+$0x3080]  }
0xcd: {  	v26 =	vmul.f32 v21, v2;
	v21 =	vmul.f32 v21, v6;
	v27 =	vld [tilespmem:s2+$0x3C80]  }
0xce: {  	v28 =	vld [tilespmem:s2+$0x4880]  }
0xcf: {  	v26 =	vadd.f32 $0.0e+00, v26;
	v21 =	vadd.f32 $0.0e+00, v21;
	v29 =	vmul.f32 v23, v3;
	v30 =	vld [tilespmem:s2+$0x5480]  }
0xd0: {  	v23 =	vmul.f32 v23, v1;
	v31 =	vld [tilespmem:s2+$0x6080]  }
0xd1: {  	v21 =	vadd.f32 v29, v21;
	v29 =	vmul.f32 v22, v5;
	v32 =	vld [tilespmem:s2+$0x6C80]  }
0xd2: {  	v23 =	vadd.f32 v23, v26;
	v22 =	vmul.f32 v22, v4  }
0xd3: {  	v26 =	vmul.f32 v24, v8;
	v21 =	vadd.f32 v29, v21  }
0xd4: {  	v22 =	vadd.f32 v22, v23;
	v23 =	vmul.f32 v24, v7  }
0xd5: {  	v24 =	vmul.f32 v25, v10;
	v21 =	vadd.f32 v26, v21  }
0xd6: {  	v22 =	vadd.f32 v23, v22;
	v23 =	vmul.f32 v25, v9  }
0xd7: {  	v21 =	vadd.f32 v24, v21;
	v24 =	vmul.f32 v27, v12  }
0xd8: {  	v22 =	vadd.f32 v23, v22;
	v23 =	vmul.f32 v27, v11  }
0xd9: {  	v21 =	vadd.f32 v24, v21;
	v24 =	vmul.f32 v28, v14  }
0xda: {  	v22 =	vadd.f32 v23, v22;
	v23 =	vmul.f32 v28, v13  }
0xdb: {  	v21 =	vadd.f32 v24, v21;
	v24 =	vmul.f32 v30, v15  }
0xdc: {  	v22 =	vadd.f32 v23, v22;
	v23 =	vmul.f32 v30, v16  }
0xdd: {  	v21 =	vadd.f32 v24, v21;
	v24 =	vmul.f32 v31, v17  }
.Ltmp1:
0xde: {  	v22 =	vadd.f32 v23, v22;
	v23 =	vmul.f32 v31, v19;
	(pc) =	sbr.rel @p1 .LBB2_5-.Ltmp1, $4  }
0xdf: {  	v21 =	vadd.f32 v24, v21;
	v24 =	vmul.f32 v32, v20  }
0xe0: {  	s2 =	sshll.u32 s28, $0x5;
	s28 =	smov.u32 s1;
	v22 =	vadd.f32 v23, v22;
	v23 =	vmul.f32 v32, v18  }
0xe1: {  	s20 =	sadd.s32 $0x10, s20;
	s31 =	sand.u32 $0x3FFFFF00, s2;
	v21 =	vadd.f32 v24, v21  }
0xe2: {  	s1 =	sadd.s32 $0x1, s1;
	s2 =	sshll.u32 s28, $0x6;
	s31 =	sor.u32 s30, s31;
	v22 =	vadd.f32 v23, v22  }
0xe3: {  	s1 =	sand.u32 $0x70, s20;
	s2 =	sand.u32 $0x3FFFFE00, s2;
	[tilespmem:s31+$0xF680] =	vst v21  }
0xe4: {  	s2 =	sor.u32 s1, s2;
	[tilespmem:s31+$0xF600] =	vst v22  }
0xe5: {  	v21 =	vld [tilespmem:s2+$0x80];
	_ =	sdelay $0x1  }
0xe6: {  	v22 =	vld [tilespmem:s2+$0xC80];
	_ =	sdelay $0x1  }
0xe7: {  	v23 =	vld [tilespmem:s2+$0x1880]  }
0xe8: {  	v6 =	vmul.f32 v21, v6  }
0xe9: {  	v24 =	vld [tilespmem:s2+$0x2480];
	v2 =	vmul.f32 v21, v2  }
0xea: {  	v3 =	vmul.f32 v22, v3;
	v6 =	vadd.f32 $0.0e+00, v6  }
0xeb: {  	v21 =	vld [tilespmem:s2+$0x3080];
	v1 =	vmul.f32 v22, v1;
	v2 =	vadd.f32 $0.0e+00, v2  }
0xec: {  	v5 =	vmul.f32 v23, v5;
	v3 =	vadd.f32 v3, v6  }
0xed: {  	v6 =	vld [tilespmem:s2+$0x3C80];
	v1 =	vadd.f32 v1, v2;
	v2 =	vmul.f32 v23, v4  }
0xee: {  	v4 =	vmul.f32 v24, v8;
	v3 =	vadd.f32 v5, v3  }
0xef: {  	v5 =	vld [tilespmem:s2+$0x4880];
	v1 =	vadd.f32 v2, v1;
	v2 =	vmul.f32 v24, v7  }
0xf0: {  	v3 =	vadd.f32 v4, v3;
	v4 =	vmul.f32 v21, v10  }
0xf1: {  	v7 =	vld [tilespmem:s2+$0x5480];
	v1 =	vadd.f32 v2, v1;
	v2 =	vmul.f32 v21, v9  }
0xf2: {  	v3 =	vadd.f32 v4, v3;
	v4 =	vmul.f32 v6, v12  }
0xf3: {  	v8 =	vld [tilespmem:s2+$0x6080];
	v1 =	vadd.f32 v2, v1;
	v2 =	vmul.f32 v6, v11  }
0xf4: {  	v3 =	vadd.f32 v4, v3;
	v4 =	vmul.f32 v5, v14  }
0xf5: {  	v6 =	vld [tilespmem:s2+$0x6C80];
	v1 =	vadd.f32 v2, v1;
	v2 =	vmul.f32 v5, v13  }
0xf6: {  	v3 =	vadd.f32 v4, v3;
	v4 =	vmul.f32 v7, v15  }
0xf7: {  	v1 =	vadd.f32 v2, v1;
	v2 =	vmul.f32 v7, v16  }
0xf8: {  	v3 =	vadd.f32 v4, v3;
	v4 =	vmul.f32 v8, v17  }
0xf9: {  	v1 =	vadd.f32 v2, v1;
	v2 =	vmul.f32 v8, v19  }
0xfa: {  	v3 =	vadd.f32 v4, v3;
	v4 =	vmul.f32 v6, v20  }
0xfb: {  	s30 =	sshll.u32 s28, $0x5;
	v1 =	vadd.f32 v2, v1;
	v2 =	vmul.f32 v6, v18  }
0xfc: {  	s2 =	sand.u32 $0x3FFFFF00, s30;
	v3 =	vadd.f32 v4, v3  }
0xfd: {  	s1 =	sor.u32 s1, s2;
	v1 =	vadd.f32 v2, v1  }
0xfe: {  	[tilespmem:s1+$0xF680] =	vst v3  }
0xff: {  	s20 =	simm.s32 $0x0;
	s2 =	simm.s32 $0x0;
	[tilespmem:s1+$0xF600] =	vst v1  }
0x100: {  	s30 =	sand.u32 $0x70, s2;
	s2 =	sand.u32 $0x3FFFFE00, s20;
	v16 =	vld [tilespmem:s18+$0x12028]  }
0x101: {  	s1 =	sor.u32 s30, s2  }
0x102: {  	v4 =	vld [tilespmem:s1+$0x100];
	_ =	sdelay $0x1  }
0x103: {  	v7 =	vld [tilespmem:s1+$0xD00]  }
0x104: {  	v6 =	vbroadcast v16, $0x1  }
0x105: {  	v9 =	vld [tilespmem:s1+$0x1900];
	v2 =	vbroadcast v16, $0x0  }
0x106: {  	v3 =	vbroadcast v16, $0x3;
	v8 =	vmul.f32 v4, v6  }
0x107: {  	v11 =	vld [tilespmem:s1+$0x2500];
	v1 =	vbroadcast v16, $0x2;
	v10 =	vmul.f32 v4, v2  }
0x108: {  	v5 =	vbroadcast v16, $0x5;
	v13 =	vmul.f32 v7, v3;
	v12 =	vadd.f32 $0.0e+00, v8  }
0x109: {  	v14 =	vld [tilespmem:s1+$0x3100];
	v4 =	vbroadcast v16, $0x4;
	v15 =	vmul.f32 v7, v1;
	v10 =	vadd.f32 $0.0e+00, v10  }
0x10a: {  	v8 =	vbroadcast v16, $0x7;
	v12 =	vadd.f32 v13, v12;
	v13 =	vmul.f32 v9, v5  }
0x10b: {  	v17 =	vld [tilespmem:s1+$0x3D00];
	v7 =	vbroadcast v16, $0x6;
	v18 =	vmul.f32 v9, v4;
	v15 =	vadd.f32 v15, v10  }
0x10c: {  	v10 =	vbroadcast v16, $0x9;
	v19 =	vmul.f32 v11, v8;
	v13 =	vadd.f32 v13, v12  }
0x10d: {  	v20 =	vld [tilespmem:s1+$0x4900];
	v9 =	vbroadcast v16, $0x8;
	v15 =	vadd.f32 v18, v15;
	v18 =	vmul.f32 v11, v7  }
0x10e: {  	v21 =	vld [tilespmem:s18+$0x1202C];
	v12 =	vbroadcast v16, $0xB;
	v13 =	vadd.f32 v19, v13;
	v19 =	vmul.f32 v14, v10  }
0x10f: {  	v22 =	vld [tilespmem:s1+$0x5500];
	v11 =	vbroadcast v16, $0xA;
	v15 =	vadd.f32 v18, v15;
	v18 =	vmul.f32 v14, v9  }
0x110: {  	v14 =	vbroadcast v16, $0xD;
	v23 =	vmul.f32 v17, v12;
	v19 =	vadd.f32 v19, v13  }
0x111: {  	v61 =	vld [tilespmem:s1+$0x6100];
	v17 =	vmul.f32 v17, v11;
	v13 =	vbroadcast v16, $0xC;
	v18 =	vadd.f32 v18, v15  }
0x112: {  	v15 =	vbroadcast v16, $0xF;
	v19 =	vadd.f32 v23, v19;
	v23 =	vmul.f32 v20, v14  }
0x113: {  	v25 =	vld [tilespmem:s1+$0x6D00];
	v16 =	vbroadcast v16, $0xE;
	v18 =	vadd.f32 v17, v18;
	v20 =	vmul.f32 v20, v13  }
0x114: {  	v17 =	vbroadcast v21, $0xD;
	v26 =	vmul.f32 v22, v15;
	v23 =	vadd.f32 v23, v19  }
0x115: {  	v22 =	vmul.f32 v22, v16;
	v19 =	vbroadcast v21, $0xC;
	v27 =	vadd.f32 v20, v18  }
0x116: {  	v62 =	vmul.f32 v61, v17;
	v20 =	vbroadcast v21, $0xF;
	v23 =	vadd.f32 v26, v23  }
0x117: {  	v18 =	vbroadcast v21, $0xE;
	v21 =	vadd.f32 v22, v27;
	v22 =	vmul.f32 v61, v19  }
0x118: {  	v63 =	vmul.f32 v25, v20;
	v23 =	vadd.f32 v62, v23  }
0x119: {  	s20 =	simm.s32 $0x0;
	v25 =	vmul.f32 v25, v18;
	v22 =	vadd.f32 v22, v21  }
0x11a: {  	s28 =	simm.s32 $0x1;
	s31 =	sand.u32 $0x3FFFFF00, s20;
	s20 =	simm.s32 $0x10;
	v21 =	vadd.f32 v63, v23  }
0x11b: {  	s31 =	sor.u32 s30, s31;
	s2 =	simm.s32 $0x40;
	s1 =	simm.s32 $0x2;
	v22 =	vadd.f32 v25, v22  }
.LBB2_7:
0x11c: {  	p1 =	sne.s32 s1, $0x2F;
	s30 =	sand.u32 $0x70, s20;
	s2 =	sand.u32 $0x3FFFFE00, s2;
	[tilespmem:s31+$0xFC80] =	vst v21  }
0x11d: {  	s2 =	sor.u32 s30, s2;
	[tilespmem:s31+$0xFC00] =	vst v22  }
0x11e: {  	v21 =	vld [tilespmem:s2+$0x100]  }
0x11f: {  	v22 =	vld [tilespmem:s2+$0x1900]  }
0x120: {  	v23 =	vld [tilespmem:s2+$0xD00]  }
0x121: {  	v24 =	vld [tilespmem:s2+$0x2500]  }
0x122: {  	v25 =	vld [tilespmem:s2+$0x3100]  }
0x123: {  	v26 =	vmul.f32 v21, v2;
	v21 =	vmul.f32 v21, v6;
	v27 =	vld [tilespmem:s2+$0x3D00]  }
0x124: {  	v28 =	vld [tilespmem:s2+$0x4900]  }
0x125: {  	v26 =	vadd.f32 $0.0e+00, v26;
	v21 =	vadd.f32 $0.0e+00, v21;
	v29 =	vmul.f32 v23, v3;
	v30 =	vld [tilespmem:s2+$0x5500]  }
0x126: {  	v23 =	vmul.f32 v23, v1;
	v31 =	vld [tilespmem:s2+$0x6100]  }
0x127: {  	v21 =	vadd.f32 v29, v21;
	v29 =	vmul.f32 v22, v5;
	v32 =	vld [tilespmem:s2+$0x6D00]  }
0x128: {  	v23 =	vadd.f32 v23, v26;
	v22 =	vmul.f32 v22, v4  }
0x129: {  	v26 =	vmul.f32 v24, v8;
	v21 =	vadd.f32 v29, v21  }
0x12a: {  	v22 =	vadd.f32 v22, v23;
	v23 =	vmul.f32 v24, v7  }
0x12b: {  	v24 =	vmul.f32 v25, v10;
	v21 =	vadd.f32 v26, v21  }
0x12c: {  	v22 =	vadd.f32 v23, v22;
	v23 =	vmul.f32 v25, v9  }
0x12d: {  	v21 =	vadd.f32 v24, v21;
	v24 =	vmul.f32 v27, v12  }
0x12e: {  	v22 =	vadd.f32 v23, v22;
	v23 =	vmul.f32 v27, v11  }
0x12f: {  	v21 =	vadd.f32 v24, v21;
	v24 =	vmul.f32 v28, v14  }
0x130: {  	v22 =	vadd.f32 v23, v22;
	v23 =	vmul.f32 v28, v13  }
0x131: {  	v21 =	vadd.f32 v24, v21;
	v24 =	vmul.f32 v30, v15  }
0x132: {  	v22 =	vadd.f32 v23, v22;
	v23 =	vmul.f32 v30, v16  }
0x133: {  	v21 =	vadd.f32 v24, v21;
	v24 =	vmul.f32 v31, v17  }
.Ltmp2:
0x134: {  	v22 =	vadd.f32 v23, v22;
	v23 =	vmul.f32 v31, v19;
	(pc) =	sbr.rel @p1 .LBB2_7-.Ltmp2, $4  }
0x135: {  	v21 =	vadd.f32 v24, v21;
	v24 =	vmul.f32 v32, v20  }
0x136: {  	s2 =	sshll.u32 s28, $0x5;
	s28 =	smov.u32 s1;
	v22 =	vadd.f32 v23, v22;
	v23 =	vmul.f32 v32, v18  }
0x137: {  	s20 =	sadd.s32 $0x10, s20;
	s31 =	sand.u32 $0x3FFFFF00, s2;
	v21 =	vadd.f32 v24, v21  }
0x138: {  	s1 =	sadd.s32 $0x1, s1;
	s2 =	sshll.u32 s28, $0x6;
	s31 =	sor.u32 s30, s31;
	v22 =	vadd.f32 v23, v22  }
0x139: {  	s1 =	sand.u32 $0x70, s20;
	s2 =	sand.u32 $0x3FFFFE00, s2;
	[tilespmem:s31+$0xFC80] =	vst v21  }
0x13a: {  	s2 =	sor.u32 s1, s2;
	[tilespmem:s31+$0xFC00] =	vst v22  }
0x13b: {  	v21 =	vld [tilespmem:s2+$0x100];
	_ =	sdelay $0x1  }
0x13c: {  	v22 =	vld [tilespmem:s2+$0xD00];
	_ =	sdelay $0x1  }
0x13d: {  	v23 =	vld [tilespmem:s2+$0x1900]  }
0x13e: {  	v6 =	vmul.f32 v21, v6  }
0x13f: {  	v24 =	vld [tilespmem:s2+$0x2500];
	v2 =	vmul.f32 v21, v2  }
0x140: {  	v3 =	vmul.f32 v22, v3;
	v6 =	vadd.f32 $0.0e+00, v6  }
0x141: {  	v21 =	vld [tilespmem:s2+$0x3100];
	v1 =	vmul.f32 v22, v1;
	v2 =	vadd.f32 $0.0e+00, v2  }
0x142: {  	v5 =	vmul.f32 v23, v5;
	v3 =	vadd.f32 v3, v6  }
0x143: {  	v6 =	vld [tilespmem:s2+$0x3D00];
	v1 =	vadd.f32 v1, v2;
	v2 =	vmul.f32 v23, v4  }
0x144: {  	v4 =	vmul.f32 v24, v8;
	v3 =	vadd.f32 v5, v3  }
0x145: {  	v5 =	vld [tilespmem:s2+$0x4900];
	v1 =	vadd.f32 v2, v1;
	v2 =	vmul.f32 v24, v7  }
0x146: {  	v3 =	vadd.f32 v4, v3;
	v4 =	vmul.f32 v21, v10  }
0x147: {  	v7 =	vld [tilespmem:s2+$0x5500];
	v1 =	vadd.f32 v2, v1;
	v2 =	vmul.f32 v21, v9  }
0x148: {  	v3 =	vadd.f32 v4, v3;
	v4 =	vmul.f32 v6, v12  }
0x149: {  	v8 =	vld [tilespmem:s2+$0x6100];
	v1 =	vadd.f32 v2, v1;
	v2 =	vmul.f32 v6, v11  }
0x14a: {  	v3 =	vadd.f32 v4, v3;
	v4 =	vmul.f32 v5, v14  }
0x14b: {  	v6 =	vld [tilespmem:s2+$0x6D00];
	v1 =	vadd.f32 v2, v1;
	v2 =	vmul.f32 v5, v13  }
0x14c: {  	v3 =	vadd.f32 v4, v3;
	v4 =	vmul.f32 v7, v15  }
0x14d: {  	v1 =	vadd.f32 v2, v1;
	v2 =	vmul.f32 v7, v16  }
0x14e: {  	v3 =	vadd.f32 v4, v3;
	v4 =	vmul.f32 v8, v17  }
0x14f: {  	v1 =	vadd.f32 v2, v1;
	v2 =	vmul.f32 v8, v19  }
0x150: {  	v3 =	vadd.f32 v4, v3;
	v4 =	vmul.f32 v6, v20  }
0x151: {  	s20 =	sshll.u32 s28, $0x5;
	v1 =	vadd.f32 v2, v1;
	v2 =	vmul.f32 v6, v18  }
0x152: {  	s2 =	sand.u32 $0x3FFFFF00, s20;
	v3 =	vadd.f32 v4, v3  }
0x153: {  	s1 =	sor.u32 s1, s2;
	v1 =	vadd.f32 v2, v1  }
0x154: {  	[tilespmem:s1+$0xFC80] =	vst v3  }
0x155: {  	s28 =	simm.s32 $0x0;
	s31 =	simm.s32 $0x0;
	[tilespmem:s1+$0xFC00] =	vst v1  }
0x156: {  	s28 =	sand.u32 $0x70, s28;
	s20 =	sand.u32 $0x3FFFFE00, s31;
	v16 =	vld [tilespmem:s18+$0x1203C]  }
0x157: {  	s1 =	sor.u32 s28, s20  }
0x158: {  	v4 =	vld [tilespmem:s1+$0x180];
	_ =	sdelay $0x1  }
0x159: {  	v7 =	vld [tilespmem:s1+$0xD80]  }
0x15a: {  	v6 =	vbroadcast v16, $0x1  }
0x15b: {  	v9 =	vld [tilespmem:s1+$0x1980];
	v2 =	vbroadcast v16, $0x0  }
0x15c: {  	v3 =	vbroadcast v16, $0x3;
	v8 =	vmul.f32 v4, v6  }
0x15d: {  	v11 =	vld [tilespmem:s1+$0x2580];
	v1 =	vbroadcast v16, $0x2;
	v10 =	vmul.f32 v4, v2  }
0x15e: {  	v5 =	vbroadcast v16, $0x5;
	v13 =	vmul.f32 v7, v3;
	v12 =	vadd.f32 $0.0e+00, v8  }
0x15f: {  	v14 =	vld [tilespmem:s1+$0x3180];
	v4 =	vbroadcast v16, $0x4;
	v15 =	vmul.f32 v7, v1;
	v10 =	vadd.f32 $0.0e+00, v10  }
0x160: {  	v8 =	vbroadcast v16, $0x7;
	v12 =	vadd.f32 v13, v12;
	v13 =	vmul.f32 v9, v5  }
0x161: {  	v17 =	vld [tilespmem:s1+$0x3D80];
	v7 =	vbroadcast v16, $0x6;
	v18 =	vmul.f32 v9, v4;
	v15 =	vadd.f32 v15, v10  }
0x162: {  	v10 =	vbroadcast v16, $0x9;
	v19 =	vmul.f32 v11, v8;
	v13 =	vadd.f32 v13, v12  }
0x163: {  	v20 =	vld [tilespmem:s1+$0x4980];
	v9 =	vbroadcast v16, $0x8;
	v15 =	vadd.f32 v18, v15;
	v18 =	vmul.f32 v11, v7  }
0x164: {  	v21 =	vld [tilespmem:s18+$0x12040];
	v12 =	vbroadcast v16, $0xB;
	v13 =	vadd.f32 v19, v13;
	v19 =	vmul.f32 v14, v10  }
0x165: {  	v22 =	vld [tilespmem:s1+$0x5580];
	v11 =	vbroadcast v16, $0xA;
	v15 =	vadd.f32 v18, v15;
	v18 =	vmul.f32 v14, v9  }
0x166: {  	v14 =	vbroadcast v16, $0xD;
	v23 =	vmul.f32 v17, v12;
	v19 =	vadd.f32 v19, v13  }
0x167: {  	v61 =	vld [tilespmem:s1+$0x6180];
	v17 =	vmul.f32 v17, v11;
	v13 =	vbroadcast v16, $0xC;
	v18 =	vadd.f32 v18, v15  }
0x168: {  	v15 =	vbroadcast v16, $0xF;
	v19 =	vadd.f32 v23, v19;
	v23 =	vmul.f32 v20, v14  }
0x169: {  	v25 =	vld [tilespmem:s1+$0x6D80];
	v16 =	vbroadcast v16, $0xE;
	v18 =	vadd.f32 v17, v18;
	v20 =	vmul.f32 v20, v13  }
0x16a: {  	v17 =	vbroadcast v21, $0xD;
	v26 =	vmul.f32 v22, v15;
	v23 =	vadd.f32 v23, v19  }
0x16b: {  	v22 =	vmul.f32 v22, v16;
	v19 =	vbroadcast v21, $0xC;
	v27 =	vadd.f32 v20, v18  }
0x16c: {  	v62 =	vmul.f32 v61, v17;
	v20 =	vbroadcast v21, $0xF;
	v23 =	vadd.f32 v26, v23  }
0x16d: {  	v18 =	vbroadcast v21, $0xE;
	v21 =	vadd.f32 v22, v27;
	v22 =	vmul.f32 v61, v19  }
0x16e: {  	s31 =	simm.s32 $0x0;
	v63 =	vmul.f32 v25, v20;
	v23 =	vadd.f32 v62, v23  }
0x16f: {  	s30 =	sand.u32 $0x3FFFFF00, s31;
	v25 =	vmul.f32 v25, v18;
	v22 =	vadd.f32 v22, v21  }
0x170: {  	s2 =	simm.s32 $0x40;
	s30 =	sor.u32 s28, s30;
	v21 =	vadd.f32 v63, v23  }
0x171: {  	s20 =	simm.s32 $0x10;
	s18 =	simm.s32 $0x1;
	s1 =	simm.s32 $0x2;
	v22 =	vadd.f32 v25, v22  }
.LBB2_9:
0x172: {  	p1 =	sne.s32 s1, $0x2F;
	s28 =	sand.u32 $0x70, s20;
	s2 =	sand.u32 $0x3FFFFE00, s2;
	[tilespmem:s30+$0x10280] =	vst v21  }
0x173: {  	s2 =	sor.u32 s28, s2;
	[tilespmem:s30+$0x10200] =	vst v22  }
0x174: {  	v21 =	vld [tilespmem:s2+$0x180]  }
0x175: {  	v22 =	vld [tilespmem:s2+$0x1980]  }
0x176: {  	v23 =	vld [tilespmem:s2+$0xD80]  }
0x177: {  	v24 =	vld [tilespmem:s2+$0x2580]  }
0x178: {  	v25 =	vld [tilespmem:s2+$0x3180]  }
0x179: {  	v26 =	vmul.f32 v21, v2;
	v21 =	vmul.f32 v21, v6;
	v27 =	vld [tilespmem:s2+$0x3D80]  }
0x17a: {  	v28 =	vld [tilespmem:s2+$0x4980]  }
0x17b: {  	v26 =	vadd.f32 $0.0e+00, v26;
	v21 =	vadd.f32 $0.0e+00, v21;
	v29 =	vmul.f32 v23, v3;
	v30 =	vld [tilespmem:s2+$0x5580]  }
0x17c: {  	v23 =	vmul.f32 v23, v1;
	v31 =	vld [tilespmem:s2+$0x6180]  }
0x17d: {  	v21 =	vadd.f32 v29, v21;
	v29 =	vmul.f32 v22, v5;
	v32 =	vld [tilespmem:s2+$0x6D80]  }
0x17e: {  	v23 =	vadd.f32 v23, v26;
	v22 =	vmul.f32 v22, v4  }
0x17f: {  	v26 =	vmul.f32 v24, v8;
	v21 =	vadd.f32 v29, v21  }
0x180: {  	v22 =	vadd.f32 v22, v23;
	v23 =	vmul.f32 v24, v7  }
0x181: {  	v24 =	vmul.f32 v25, v10;
	v21 =	vadd.f32 v26, v21  }
0x182: {  	v22 =	vadd.f32 v23, v22;
	v23 =	vmul.f32 v25, v9  }
0x183: {  	v21 =	vadd.f32 v24, v21;
	v24 =	vmul.f32 v27, v12  }
0x184: {  	v22 =	vadd.f32 v23, v22;
	v23 =	vmul.f32 v27, v11  }
0x185: {  	v21 =	vadd.f32 v24, v21;
	v24 =	vmul.f32 v28, v14  }
0x186: {  	v22 =	vadd.f32 v23, v22;
	v23 =	vmul.f32 v28, v13  }
0x187: {  	v21 =	vadd.f32 v24, v21;
	v24 =	vmul.f32 v30, v15  }
0x188: {  	v22 =	vadd.f32 v23, v22;
	v23 =	vmul.f32 v30, v16  }
0x189: {  	v21 =	vadd.f32 v24, v21;
	v24 =	vmul.f32 v31, v17  }
.Ltmp3:
0x18a: {  	v22 =	vadd.f32 v23, v22;
	v23 =	vmul.f32 v31, v19;
	(pc) =	sbr.rel @p1 .LBB2_9-.Ltmp3, $4  }
0x18b: {  	v21 =	vadd.f32 v24, v21;
	v24 =	vmul.f32 v32, v20  }
0x18c: {  	s2 =	sshll.u32 s18, $0x5;
	s18 =	smov.u32 s1;
	v22 =	vadd.f32 v23, v22;
	v23 =	vmul.f32 v32, v18  }
0x18d: {  	s20 =	sadd.s32 $0x10, s20;
	s30 =	sand.u32 $0x3FFFFF00, s2;
	v21 =	vadd.f32 v24, v21  }
0x18e: {  	s1 =	sadd.s32 $0x1, s1;
	s2 =	sshll.u32 s18, $0x6;
	s30 =	sor.u32 s28, s30;
	v22 =	vadd.f32 v23, v22  }
0x18f: {  	s1 =	sand.u32 $0x70, s20;
	s2 =	sand.u32 $0x3FFFFE00, s2;
	[tilespmem:s30+$0x10280] =	vst v21  }
0x190: {  	s2 =	sor.u32 s1, s2;
	[tilespmem:s30+$0x10200] =	vst v22  }
0x191: {  	v21 =	vld [tilespmem:s2+$0x180];
	_ =	sdelay $0x1  }
0x192: {  	v22 =	vld [tilespmem:s2+$0xD80];
	_ =	sdelay $0x1  }
0x193: {  	v23 =	vld [tilespmem:s2+$0x1980]  }
0x194: {  	v6 =	vmul.f32 v21, v6  }
0x195: {  	v24 =	vld [tilespmem:s2+$0x2580];
	v2 =	vmul.f32 v21, v2  }
0x196: {  	v3 =	vmul.f32 v22, v3;
	v6 =	vadd.f32 $0.0e+00, v6  }
0x197: {  	v21 =	vld [tilespmem:s2+$0x3180];
	v1 =	vmul.f32 v22, v1;
	v2 =	vadd.f32 $0.0e+00, v2  }
0x198: {  	v5 =	vmul.f32 v23, v5;
	v3 =	vadd.f32 v3, v6  }
0x199: {  	v6 =	vld [tilespmem:s2+$0x3D80];
	v1 =	vadd.f32 v1, v2;
	v2 =	vmul.f32 v23, v4  }
0x19a: {  	v4 =	vmul.f32 v24, v8;
	v3 =	vadd.f32 v5, v3  }
0x19b: {  	v5 =	vld [tilespmem:s2+$0x4980];
	v1 =	vadd.f32 v2, v1;
	v2 =	vmul.f32 v24, v7  }
0x19c: {  	v3 =	vadd.f32 v4, v3;
	v4 =	vmul.f32 v21, v10  }
0x19d: {  	v7 =	vld [tilespmem:s2+$0x5580];
	v1 =	vadd.f32 v2, v1;
	v2 =	vmul.f32 v21, v9  }
0x19e: {  	v3 =	vadd.f32 v4, v3;
	v4 =	vmul.f32 v6, v12  }
0x19f: {  	v8 =	vld [tilespmem:s2+$0x6180];
	v1 =	vadd.f32 v2, v1;
	v2 =	vmul.f32 v6, v11  }
0x1a0: {  	v3 =	vadd.f32 v4, v3;
	v4 =	vmul.f32 v5, v14  }
0x1a1: {  	v6 =	vld [tilespmem:s2+$0x6D80];
	v1 =	vadd.f32 v2, v1;
	v2 =	vmul.f32 v5, v13  }
0x1a2: {  	v3 =	vadd.f32 v4, v3;
	v4 =	vmul.f32 v7, v15  }
0x1a3: {  	v1 =	vadd.f32 v2, v1;
	v2 =	vmul.f32 v7, v16  }
0x1a4: {  	v3 =	vadd.f32 v4, v3;
	v4 =	vmul.f32 v8, v17  }
0x1a5: {  	v1 =	vadd.f32 v2, v1;
	v2 =	vmul.f32 v8, v19  }
0x1a6: {  	v3 =	vadd.f32 v4, v3;
	v4 =	vmul.f32 v6, v20  }
0x1a7: {  	s20 =	sshll.u32 s18, $0x5;
	v1 =	vadd.f32 v2, v1;
	v2 =	vmul.f32 v6, v18  }
0x1a8: {  	s18 =	smul.u32 $0xC0, s17;
	s2 =	sand.u32 $0x3FFFFF00, s20;
	v3 =	vadd.f32 v4, v3  }
0x1a9: {  	p1 =	seq.s32 s21, $0x1F;
	s1 =	sor.u32 s1, s2;
	v1 =	vadd.f32 v2, v1  }
0x1aa: {  	s17 =	sadd.s32 @!p1 s21, s22;
	s20 =	sadd.s32 s3, s18;
	[tilespmem:s1+$0x10280] =	vst v3  }
0x1ab: {  	s18 =	simm.s32 @!p1 $0x0;
	s2 =	smul.u32 @!p1 $0x300, s17;
	[tilespmem:s1+$0x10200] =	vst v1;
	s1 =	rddreg [dreg:$0x0]  }
0x1ac: {  	[hbm4b:s20+s4] =	stream.linear.scatter [tilespmem:s14], [sflag:$0x3], $0x1800, $0x38;
	[tilespmem:$0x13680] =	vst v63  }
0x1ad: {  	s17 =	simm.s32 @!p1 $0x400;
	s1 =	sadd.s32 @!p1 s1, s2;
	s2 =	simm.s32 @!p1 $0x200  }
0x1ae: {  	[tilespmem:s18], [sflag:$0x1] =	stream.strided.gather @!p1 [hbm4b:s1+s2], $0xC00, s17, s2, $0x38;
	[tilespmem:$0x13680] =	vst v63  }
0x1af: {  	s20 =	simm.s32 @!p1 $0xC00;
	s18 =	sadd.s32 @!p1 $0xC0000, s1  }
0x1b0: {  	[tilespmem:s20], [sflag:$0x1] =	stream.strided.gather @!p1 [hbm4b:s18+s2], $0xC00, s17, s2, $0x38;
	[tilespmem:$0x13680] =	vst v63  }
0x1b1: {  	s18 =	sadd.s32 @!p1 $0x180000, s1;
	s20 =	simm.s32 @!p1 $0x1800  }
0x1b2: {  	[tilespmem:s20], [sflag:$0x1] =	stream.strided.gather @!p1 [hbm4b:s18+s2], $0xC00, s17, s2, $0x38;
	[tilespmem:$0x13680] =	vst v63  }
0x1b3: {  	s18 =	sadd.s32 @!p1 $0x240000, s1;
	s20 =	simm.s32 @!p1 $0x2400  }
0x1b4: {  	[tilespmem:s20], [sflag:$0x1] =	stream.strided.gather @!p1 [hbm4b:s18+s2], $0xC00, s17, s2, $0x38;
	[tilespmem:$0x13680] =	vst v63  }
0x1b5: {  	s18 =	sadd.s32 @!p1 $0x300000, s1;
	s20 =	simm.s32 @!p1 $0x3000  }
0x1b6: {  	[tilespmem:s20], [sflag:$0x1] =	stream.strided.gather @!p1 [hbm4b:s18+s2], $0xC00, s17, s2, $0x38;
	[tilespmem:$0x13680] =	vst v63  }
0x1b7: {  	s18 =	sadd.s32 @!p1 $0x3C0000, s1;
	s20 =	simm.s32 @!p1 $0x3C00  }
0x1b8: {  	[tilespmem:s20], [sflag:$0x1] =	stream.strided.gather @!p1 [hbm4b:s18+s2], $0xC00, s17, s2, $0x38;
	[tilespmem:$0x13680] =	vst v63  }
0x1b9: {  	s18 =	sadd.s32 @!p1 $0x480000, s1;
	s20 =	simm.s32 @!p1 $0x4800  }
0x1ba: {  	[tilespmem:s20], [sflag:$0x1] =	stream.strided.gather @!p1 [hbm4b:s18+s2], $0xC00, s17, s2, $0x38;
	[tilespmem:$0x13680] =	vst v63  }
0x1bb: {  	s18 =	sadd.s32 @!p1 $0x540000, s1;
	s20 =	simm.s32 @!p1 $0x5400  }
0x1bc: {  	[tilespmem:s20], [sflag:$0x1] =	stream.strided.gather @!p1 [hbm4b:s18+s2], $0xC00, s17, s2, $0x38;
	[tilespmem:$0x13680] =	vst v63  }
0x1bd: {  	s18 =	sadd.s32 @!p1 $0x600000, s1;
	s20 =	simm.s32 @!p1 $0x6000  }
0x1be: {  	[tilespmem:s20], [sflag:$0x1] =	stream.strided.gather @!p1 [hbm4b:s18+s2], $0xC00, s17, s2, $0x38;
	[tilespmem:$0x13680] =	vst v63  }
0x1bf: {  	s1 =	sadd.s32 @!p1 $0x6C0000, s1;
	s18 =	simm.s32 @!p1 $0x6C00  }
0x1c0: {  	[tilespmem:s18], [sflag:$0x1] =	stream.strided.gather @!p1 [hbm4b:s1+s2], $0xC00, s17, s2, $0x38;
	[tilespmem:$0x13680] =	vst v63  }
0x1c1: {  	_ =	swait.ge [sflag:s15], $0x7800  }
0x1c2: {  	[sflag:s15] =	ssyncset.done $0x0  }
0x1c3: {  	s1 =	simm.s32 @!p0 $0x4;
	[sflag:s15] =	ssyncadd.s32 $0xFFFF8800  }
0x1c4: {  	s17 =	smul.u32 $0x140, s7;
	_ =	swait.ge @!p0 [sflag:s1], $0x1800  }
0x1c5: {  	s20 =	simm.s32 $0x0;
	[sflag:s1] =	ssyncset.done @!p0 $0x0  }
0x1c6: {  	s18 =	simm.s32 $0x0;
	s17 =	sshra.s32 s17, $0x2;
	[sflag:s1] =	ssyncadd.s32 @!p0 $0xFFFFE800  }
0x1c7: {  	s2 =	sand.u32 $0x3FFFFE00, s20;
	s1 =	sand.u32 $0x70, s18;
	v16 =	vld [tilespmem:s17+$0x12000]  }
0x1c8: {  	s2 =	sor.u32 s1, s2  }
0x1c9: {  	v4 =	vld [tilespmem:s2+$0x7800];
	_ =	sdelay $0x1  }
0x1ca: {  	v7 =	vld [tilespmem:s2+$0x8400]  }
0x1cb: {  	v6 =	vbroadcast v16, $0x1  }
0x1cc: {  	v9 =	vld [tilespmem:s2+$0x9000];
	v2 =	vbroadcast v16, $0x0  }
0x1cd: {  	v3 =	vbroadcast v16, $0x3;
	v8 =	vmul.f32 v4, v6  }
0x1ce: {  	v11 =	vld [tilespmem:s2+$0x9C00];
	v1 =	vbroadcast v16, $0x2;
	v10 =	vmul.f32 v4, v2  }
0x1cf: {  	v5 =	vbroadcast v16, $0x5;
	v13 =	vmul.f32 v7, v3;
	v12 =	vadd.f32 $0.0e+00, v8  }
0x1d0: {  	v14 =	vld [tilespmem:s2+$0xA800];
	v4 =	vbroadcast v16, $0x4;
	v15 =	vmul.f32 v7, v1;
	v10 =	vadd.f32 $0.0e+00, v10  }
0x1d1: {  	v8 =	vbroadcast v16, $0x7;
	v12 =	vadd.f32 v13, v12;
	v13 =	vmul.f32 v9, v5  }
0x1d2: {  	v17 =	vld [tilespmem:s2+$0xB400];
	v7 =	vbroadcast v16, $0x6;
	v18 =	vmul.f32 v9, v4;
	v15 =	vadd.f32 v15, v10  }
0x1d3: {  	v10 =	vbroadcast v16, $0x9;
	v19 =	vmul.f32 v11, v8;
	v13 =	vadd.f32 v13, v12  }
0x1d4: {  	v20 =	vld [tilespmem:s2+$0xC000];
	v9 =	vbroadcast v16, $0x8;
	v15 =	vadd.f32 v18, v15;
	v18 =	vmul.f32 v11, v7  }
0x1d5: {  	v21 =	vld [tilespmem:s17+$0x12004];
	v12 =	vbroadcast v16, $0xB;
	v13 =	vadd.f32 v19, v13;
	v19 =	vmul.f32 v14, v10  }
0x1d6: {  	v22 =	vld [tilespmem:s2+$0xCC00];
	v11 =	vbroadcast v16, $0xA;
	v15 =	vadd.f32 v18, v15;
	v18 =	vmul.f32 v14, v9  }
0x1d7: {  	v14 =	vbroadcast v16, $0xD;
	v23 =	vmul.f32 v17, v12;
	v19 =	vadd.f32 v19, v13  }
0x1d8: {  	v61 =	vld [tilespmem:s2+$0xD800];
	v17 =	vmul.f32 v17, v11;
	v13 =	vbroadcast v16, $0xC;
	v18 =	vadd.f32 v18, v15  }
0x1d9: {  	v15 =	vbroadcast v16, $0xF;
	v19 =	vadd.f32 v23, v19;
	v23 =	vmul.f32 v20, v14  }
0x1da: {  	v25 =	vld [tilespmem:s2+$0xE400];
	v16 =	vbroadcast v16, $0xE;
	v18 =	vadd.f32 v17, v18;
	v20 =	vmul.f32 v20, v13  }
0x1db: {  	v17 =	vbroadcast v21, $0xD;
	v26 =	vmul.f32 v22, v15;
	v23 =	vadd.f32 v23, v19  }
0x1dc: {  	v22 =	vmul.f32 v22, v16;
	v19 =	vbroadcast v21, $0xC;
	v27 =	vadd.f32 v20, v18  }
0x1dd: {  	v62 =	vmul.f32 v61, v17;
	v20 =	vbroadcast v21, $0xF;
	v23 =	vadd.f32 v26, v23  }
0x1de: {  	v18 =	vbroadcast v21, $0xE;
	v21 =	vadd.f32 v22, v27;
	v22 =	vmul.f32 v61, v19  }
0x1df: {  	s20 =	simm.s32 $0x0;
	v63 =	vmul.f32 v25, v20;
	v23 =	vadd.f32 v62, v23  }
0x1e0: {  	s28 =	simm.s32 $0x10;
	s20 =	sand.u32 $0x3FFFFF00, s20;
	s18 =	sshll.u32 s7, $0x2;
	v25 =	vmul.f32 v25, v18;
	v22 =	vadd.f32 v22, v21  }
0x1e1: {  	s7 =	sadd.s32 s6, s18;
	s18 =	simm.s32 $0x1;
	s30 =	sor.u32 s1, s20;
	v21 =	vadd.f32 v63, v23  }
0x1e2: {  	s20 =	simm.s32 $0x2;
	s2 =	simm.s32 $0x40;
	s31 =	sadd.s32 $0x10800, s30;
	v22 =	vadd.f32 v25, v22  }
.LBB2_11:
0x1e3: {  	p0 =	sne.s32 s20, $0x2F;
	s1 =	sand.u32 $0x70, s28;
	s2 =	sand.u32 $0x3FFFFE00, s2;
	[tilespmem:s31+$0x80] =	vst v21  }
0x1e4: {  	s2 =	sor.u32 s1, s2;
	[tilespmem:s30+$0x10800] =	vst v22  }
0x1e5: {  	v21 =	vld [tilespmem:s2+$0x7800]  }
0x1e6: {  	v22 =	vld [tilespmem:s2+$0x9000]  }
0x1e7: {  	v23 =	vld [tilespmem:s2+$0x8400]  }
0x1e8: {  	v24 =	vld [tilespmem:s2+$0x9C00]  }
0x1e9: {  	v25 =	vld [tilespmem:s2+$0xA800]  }
0x1ea: {  	v26 =	vmul.f32 v21, v2;
	v21 =	vmul.f32 v21, v6;
	v27 =	vld [tilespmem:s2+$0xB400]  }
0x1eb: {  	v28 =	vld [tilespmem:s2+$0xC000]  }
0x1ec: {  	v26 =	vadd.f32 $0.0e+00, v26;
	v21 =	vadd.f32 $0.0e+00, v21;
	v29 =	vmul.f32 v23, v3;
	v30 =	vld [tilespmem:s2+$0xCC00]  }
0x1ed: {  	v23 =	vmul.f32 v23, v1;
	v31 =	vld [tilespmem:s2+$0xD800]  }
0x1ee: {  	v21 =	vadd.f32 v29, v21;
	v29 =	vmul.f32 v22, v5;
	v32 =	vld [tilespmem:s2+$0xE400]  }
0x1ef: {  	v23 =	vadd.f32 v23, v26;
	v22 =	vmul.f32 v22, v4  }
0x1f0: {  	v26 =	vmul.f32 v24, v8;
	v21 =	vadd.f32 v29, v21  }
0x1f1: {  	v22 =	vadd.f32 v22, v23;
	v23 =	vmul.f32 v24, v7  }
0x1f2: {  	v24 =	vmul.f32 v25, v10;
	v21 =	vadd.f32 v26, v21  }
0x1f3: {  	v22 =	vadd.f32 v23, v22;
	v23 =	vmul.f32 v25, v9  }
0x1f4: {  	v21 =	vadd.f32 v24, v21;
	v24 =	vmul.f32 v27, v12  }
0x1f5: {  	v22 =	vadd.f32 v23, v22;
	v23 =	vmul.f32 v27, v11  }
0x1f6: {  	v21 =	vadd.f32 v24, v21;
	v24 =	vmul.f32 v28, v14  }
0x1f7: {  	v22 =	vadd.f32 v23, v22;
	v23 =	vmul.f32 v28, v13  }
0x1f8: {  	v21 =	vadd.f32 v24, v21;
	v24 =	vmul.f32 v30, v15  }
0x1f9: {  	v22 =	vadd.f32 v23, v22;
	v23 =	vmul.f32 v30, v16  }
0x1fa: {  	v21 =	vadd.f32 v24, v21;
	v24 =	vmul.f32 v31, v17  }
.Ltmp4:
0x1fb: {  	v22 =	vadd.f32 v23, v22;
	v23 =	vmul.f32 v31, v19;
	(pc) =	sbr.rel @p0 .LBB2_11-.Ltmp4, $4  }
0x1fc: {  	s2 =	sshll.u32 s18, $0x5;
	s18 =	smov.u32 s20;
	v21 =	vadd.f32 v24, v21;
	v24 =	vmul.f32 v32, v20  }
0x1fd: {  	s2 =	sand.u32 $0x3FFFFF00, s2;
	v22 =	vadd.f32 v23, v22;
	v23 =	vmul.f32 v32, v18  }
0x1fe: {  	s28 =	sadd.s32 $0x10, s28;
	s30 =	sor.u32 s1, s2;
	v21 =	vadd.f32 v24, v21  }
0x1ff: {  	s20 =	sadd.s32 $0x1, s20;
	s2 =	sshll.u32 s18, $0x6;
	s31 =	sadd.s32 $0x10800, s30;
	v22 =	vadd.f32 v23, v22  }
0x200: {  	s1 =	sand.u32 $0x70, s28;
	s2 =	sand.u32 $0x3FFFFE00, s2;
	[tilespmem:s31+$0x80] =	vst v21  }
0x201: {  	s2 =	sor.u32 s1, s2;
	[tilespmem:s30+$0x10800] =	vst v22  }
0x202: {  	v21 =	vld [tilespmem:s2+$0x7800];
	_ =	sdelay $0x1  }
0x203: {  	v22 =	vld [tilespmem:s2+$0x8400];
	_ =	sdelay $0x1  }
0x204: {  	v23 =	vld [tilespmem:s2+$0x9000]  }
0x205: {  	v6 =	vmul.f32 v21, v6  }
0x206: {  	v24 =	vld [tilespmem:s2+$0x9C00];
	v2 =	vmul.f32 v21, v2  }
0x207: {  	v3 =	vmul.f32 v22, v3;
	v6 =	vadd.f32 $0.0e+00, v6  }
0x208: {  	v21 =	vld [tilespmem:s2+$0xA800];
	v1 =	vmul.f32 v22, v1;
	v2 =	vadd.f32 $0.0e+00, v2  }
0x209: {  	v5 =	vmul.f32 v23, v5;
	v3 =	vadd.f32 v3, v6  }
0x20a: {  	v6 =	vld [tilespmem:s2+$0xB400];
	v1 =	vadd.f32 v1, v2;
	v2 =	vmul.f32 v23, v4  }
0x20b: {  	v4 =	vmul.f32 v24, v8;
	v3 =	vadd.f32 v5, v3  }
0x20c: {  	v5 =	vld [tilespmem:s2+$0xC000];
	v1 =	vadd.f32 v2, v1;
	v2 =	vmul.f32 v24, v7  }
0x20d: {  	v3 =	vadd.f32 v4, v3;
	v4 =	vmul.f32 v21, v10  }
0x20e: {  	v7 =	vld [tilespmem:s2+$0xCC00];
	v1 =	vadd.f32 v2, v1;
	v2 =	vmul.f32 v21, v9  }
0x20f: {  	v3 =	vadd.f32 v4, v3;
	v4 =	vmul.f32 v6, v12  }
0x210: {  	v8 =	vld [tilespmem:s2+$0xD800];
	v1 =	vadd.f32 v2, v1;
	v2 =	vmul.f32 v6, v11  }
0x211: {  	v3 =	vadd.f32 v4, v3;
	v4 =	vmul.f32 v5, v14  }
0x212: {  	v6 =	vld [tilespmem:s2+$0xE400];
	v1 =	vadd.f32 v2, v1;
	v2 =	vmul.f32 v5, v13  }
0x213: {  	v3 =	vadd.f32 v4, v3;
	v4 =	vmul.f32 v7, v15  }
0x214: {  	v1 =	vadd.f32 v2, v1;
	v2 =	vmul.f32 v7, v16  }
0x215: {  	v3 =	vadd.f32 v4, v3;
	v4 =	vmul.f32 v8, v17  }
0x216: {  	v1 =	vadd.f32 v2, v1;
	v2 =	vmul.f32 v8, v19  }
0x217: {  	s31 =	sshll.u32 s18, $0x5;
	v3 =	vadd.f32 v4, v3;
	v4 =	vmul.f32 v6, v20  }
0x218: {  	s2 =	sand.u32 $0x3FFFFF00, s31;
	v1 =	vadd.f32 v2, v1;
	v2 =	vmul.f32 v6, v18  }
0x219: {  	s1 =	sor.u32 s1, s2;
	v3 =	vadd.f32 v4, v3  }
0x21a: {  	s2 =	sadd.s32 $0x10800, s1;
	v1 =	vadd.f32 v2, v1  }
0x21b: {  	[tilespmem:s2+$0x80] =	vst v3  }
0x21c: {  	s18 =	simm.s32 $0x0;
	[tilespmem:s1+$0x10800] =	vst v1;
	s2 =	simm.s32 $0x0  }
0x21d: {  	s20 =	sand.u32 $0x3FFFFE00, s18;
	v16 =	vld [tilespmem:s17+$0x12014];
	s28 =	sand.u32 $0x70, s2  }
0x21e: {  	s1 =	sor.u32 s28, s20  }
0x21f: {  	v4 =	vld [tilespmem:s1+$0x7880];
	_ =	sdelay $0x1  }
0x220: {  	v7 =	vld [tilespmem:s1+$0x8480]  }
0x221: {  	v6 =	vbroadcast v16, $0x1  }
0x222: {  	v9 =	vld [tilespmem:s1+$0x9080];
	v2 =	vbroadcast v16, $0x0  }
0x223: {  	v3 =	vbroadcast v16, $0x3;
	v8 =	vmul.f32 v4, v6  }
0x224: {  	v11 =	vld [tilespmem:s1+$0x9C80];
	v1 =	vbroadcast v16, $0x2;
	v10 =	vmul.f32 v4, v2  }
0x225: {  	v5 =	vbroadcast v16, $0x5;
	v13 =	vmul.f32 v7, v3;
	v12 =	vadd.f32 $0.0e+00, v8  }
0x226: {  	v14 =	vld [tilespmem:s1+$0xA880];
	v4 =	vbroadcast v16, $0x4;
	v15 =	vmul.f32 v7, v1;
	v10 =	vadd.f32 $0.0e+00, v10  }
0x227: {  	v8 =	vbroadcast v16, $0x7;
	v12 =	vadd.f32 v13, v12;
	v13 =	vmul.f32 v9, v5  }
0x228: {  	v17 =	vld [tilespmem:s1+$0xB480];
	v7 =	vbroadcast v16, $0x6;
	v18 =	vmul.f32 v9, v4;
	v15 =	vadd.f32 v15, v10  }
0x229: {  	v10 =	vbroadcast v16, $0x9;
	v19 =	vmul.f32 v11, v8;
	v13 =	vadd.f32 v13, v12  }
0x22a: {  	v20 =	vld [tilespmem:s1+$0xC080];
	v9 =	vbroadcast v16, $0x8;
	v15 =	vadd.f32 v18, v15;
	v18 =	vmul.f32 v11, v7  }
0x22b: {  	v21 =	vld [tilespmem:s17+$0x12018];
	v12 =	vbroadcast v16, $0xB;
	v13 =	vadd.f32 v19, v13;
	v19 =	vmul.f32 v14, v10  }
0x22c: {  	v22 =	vld [tilespmem:s1+$0xCC80];
	v11 =	vbroadcast v16, $0xA;
	v15 =	vadd.f32 v18, v15;
	v18 =	vmul.f32 v14, v9  }
0x22d: {  	v14 =	vbroadcast v16, $0xD;
	v23 =	vmul.f32 v17, v12;
	v19 =	vadd.f32 v19, v13  }
0x22e: {  	v61 =	vld [tilespmem:s1+$0xD880];
	v17 =	vmul.f32 v17, v11;
	v13 =	vbroadcast v16, $0xC;
	v18 =	vadd.f32 v18, v15  }
0x22f: {  	v15 =	vbroadcast v16, $0xF;
	v19 =	vadd.f32 v23, v19;
	v23 =	vmul.f32 v20, v14  }
0x230: {  	v25 =	vld [tilespmem:s1+$0xE480];
	v16 =	vbroadcast v16, $0xE;
	v18 =	vadd.f32 v17, v18;
	v20 =	vmul.f32 v20, v13  }
0x231: {  	v17 =	vbroadcast v21, $0xD;
	v26 =	vmul.f32 v22, v15;
	v23 =	vadd.f32 v23, v19  }
0x232: {  	v22 =	vmul.f32 v22, v16;
	v19 =	vbroadcast v21, $0xC;
	v27 =	vadd.f32 v20, v18  }
0x233: {  	v62 =	vmul.f32 v61, v17;
	v20 =	vbroadcast v21, $0xF;
	v23 =	vadd.f32 v26, v23  }
0x234: {  	v18 =	vbroadcast v21, $0xE;
	v21 =	vadd.f32 v22, v27;
	v22 =	vmul.f32 v61, v19  }
0x235: {  	v63 =	vmul.f32 v25, v20;
	v23 =	vadd.f32 v62, v23  }
0x236: {  	s31 =	simm.s32 $0x0;
	v25 =	vmul.f32 v25, v18;
	v22 =	vadd.f32 v22, v21  }
0x237: {  	s18 =	simm.s32 $0x1;
	s30 =	sand.u32 $0x3FFFFF00, s31;
	s2 =	simm.s32 $0x40;
	v21 =	vadd.f32 v63, v23  }
0x238: {  	s20 =	simm.s32 $0x10;
	s30 =	sor.u32 s28, s30;
	s1 =	simm.s32 $0x2;
	v22 =	vadd.f32 v25, v22  }
.LBB2_13:
0x239: {  	p0 =	sne.s32 s1, $0x2F;
	s28 =	sand.u32 $0x70, s20;
	s2 =	sand.u32 $0x3FFFFE00, s2;
	[tilespmem:s30+$0x10E80] =	vst v21  }
0x23a: {  	s2 =	sor.u32 s28, s2;
	[tilespmem:s30+$0x10E00] =	vst v22  }
0x23b: {  	v21 =	vld [tilespmem:s2+$0x7880]  }
0x23c: {  	v22 =	vld [tilespmem:s2+$0x9080]  }
0x23d: {  	v23 =	vld [tilespmem:s2+$0x8480]  }
0x23e: {  	v24 =	vld [tilespmem:s2+$0x9C80]  }
0x23f: {  	v25 =	vld [tilespmem:s2+$0xA880]  }
0x240: {  	v26 =	vmul.f32 v21, v2;
	v21 =	vmul.f32 v21, v6;
	v27 =	vld [tilespmem:s2+$0xB480]  }
0x241: {  	v28 =	vld [tilespmem:s2+$0xC080]  }
0x242: {  	v26 =	vadd.f32 $0.0e+00, v26;
	v21 =	vadd.f32 $0.0e+00, v21;
	v29 =	vmul.f32 v23, v3;
	v30 =	vld [tilespmem:s2+$0xCC80]  }
0x243: {  	v23 =	vmul.f32 v23, v1;
	v31 =	vld [tilespmem:s2+$0xD880]  }
0x244: {  	v21 =	vadd.f32 v29, v21;
	v29 =	vmul.f32 v22, v5;
	v32 =	vld [tilespmem:s2+$0xE480]  }
0x245: {  	v23 =	vadd.f32 v23, v26;
	v22 =	vmul.f32 v22, v4  }
0x246: {  	v26 =	vmul.f32 v24, v8;
	v21 =	vadd.f32 v29, v21  }
0x247: {  	v22 =	vadd.f32 v22, v23;
	v23 =	vmul.f32 v24, v7  }
0x248: {  	v24 =	vmul.f32 v25, v10;
	v21 =	vadd.f32 v26, v21  }
0x249: {  	v22 =	vadd.f32 v23, v22;
	v23 =	vmul.f32 v25, v9  }
0x24a: {  	v21 =	vadd.f32 v24, v21;
	v24 =	vmul.f32 v27, v12  }
0x24b: {  	v22 =	vadd.f32 v23, v22;
	v23 =	vmul.f32 v27, v11  }
0x24c: {  	v21 =	vadd.f32 v24, v21;
	v24 =	vmul.f32 v28, v14  }
0x24d: {  	v22 =	vadd.f32 v23, v22;
	v23 =	vmul.f32 v28, v13  }
0x24e: {  	v21 =	vadd.f32 v24, v21;
	v24 =	vmul.f32 v30, v15  }
0x24f: {  	v22 =	vadd.f32 v23, v22;
	v23 =	vmul.f32 v30, v16  }
0x250: {  	v21 =	vadd.f32 v24, v21;
	v24 =	vmul.f32 v31, v17  }
.Ltmp5:
0x251: {  	v22 =	vadd.f32 v23, v22;
	v23 =	vmul.f32 v31, v19;
	(pc) =	sbr.rel @p0 .LBB2_13-.Ltmp5, $4  }
0x252: {  	v21 =	vadd.f32 v24, v21;
	v24 =	vmul.f32 v32, v20  }
0x253: {  	s2 =	sshll.u32 s18, $0x5;
	s18 =	smov.u32 s1;
	v22 =	vadd.f32 v23, v22;
	v23 =	vmul.f32 v32, v18  }
0x254: {  	s20 =	sadd.s32 $0x10, s20;
	s30 =	sand.u32 $0x3FFFFF00, s2;
	v21 =	vadd.f32 v24, v21  }
0x255: {  	s1 =	sadd.s32 $0x1, s1;
	s2 =	sshll.u32 s18, $0x6;
	s30 =	sor.u32 s28, s30;
	v22 =	vadd.f32 v23, v22  }
0x256: {  	s1 =	sand.u32 $0x70, s20;
	s2 =	sand.u32 $0x3FFFFE00, s2;
	[tilespmem:s30+$0x10E80] =	vst v21  }
0x257: {  	s2 =	sor.u32 s1, s2;
	[tilespmem:s30+$0x10E00] =	vst v22  }
0x258: {  	v21 =	vld [tilespmem:s2+$0x7880];
	_ =	sdelay $0x1  }
0x259: {  	v22 =	vld [tilespmem:s2+$0x8480];
	_ =	sdelay $0x1  }
0x25a: {  	v23 =	vld [tilespmem:s2+$0x9080]  }
0x25b: {  	v6 =	vmul.f32 v21, v6  }
0x25c: {  	v24 =	vld [tilespmem:s2+$0x9C80];
	v2 =	vmul.f32 v21, v2  }
0x25d: {  	v3 =	vmul.f32 v22, v3;
	v6 =	vadd.f32 $0.0e+00, v6  }
0x25e: {  	v21 =	vld [tilespmem:s2+$0xA880];
	v1 =	vmul.f32 v22, v1;
	v2 =	vadd.f32 $0.0e+00, v2  }
0x25f: {  	v5 =	vmul.f32 v23, v5;
	v3 =	vadd.f32 v3, v6  }
0x260: {  	v6 =	vld [tilespmem:s2+$0xB480];
	v1 =	vadd.f32 v1, v2;
	v2 =	vmul.f32 v23, v4  }
0x261: {  	v4 =	vmul.f32 v24, v8;
	v3 =	vadd.f32 v5, v3  }
0x262: {  	v5 =	vld [tilespmem:s2+$0xC080];
	v1 =	vadd.f32 v2, v1;
	v2 =	vmul.f32 v24, v7  }
0x263: {  	v3 =	vadd.f32 v4, v3;
	v4 =	vmul.f32 v21, v10  }
0x264: {  	v7 =	vld [tilespmem:s2+$0xCC80];
	v1 =	vadd.f32 v2, v1;
	v2 =	vmul.f32 v21, v9  }
0x265: {  	v3 =	vadd.f32 v4, v3;
	v4 =	vmul.f32 v6, v12  }
0x266: {  	v8 =	vld [tilespmem:s2+$0xD880];
	v1 =	vadd.f32 v2, v1;
	v2 =	vmul.f32 v6, v11  }
0x267: {  	v3 =	vadd.f32 v4, v3;
	v4 =	vmul.f32 v5, v14  }
0x268: {  	v6 =	vld [tilespmem:s2+$0xE480];
	v1 =	vadd.f32 v2, v1;
	v2 =	vmul.f32 v5, v13  }
0x269: {  	v3 =	vadd.f32 v4, v3;
	v4 =	vmul.f32 v7, v15  }
0x26a: {  	v1 =	vadd.f32 v2, v1;
	v2 =	vmul.f32 v7, v16  }
0x26b: {  	v3 =	vadd.f32 v4, v3;
	v4 =	vmul.f32 v8, v17  }
0x26c: {  	v1 =	vadd.f32 v2, v1;
	v2 =	vmul.f32 v8, v19  }
0x26d: {  	v3 =	vadd.f32 v4, v3;
	v4 =	vmul.f32 v6, v20  }
0x26e: {  	s31 =	sshll.u32 s18, $0x5;
	v1 =	vadd.f32 v2, v1;
	v2 =	vmul.f32 v6, v18  }
0x26f: {  	s2 =	sand.u32 $0x3FFFFF00, s31;
	v3 =	vadd.f32 v4, v3  }
0x270: {  	s1 =	sor.u32 s1, s2;
	v1 =	vadd.f32 v2, v1  }
0x271: {  	[tilespmem:s1+$0x10E80] =	vst v3  }
0x272: {  	s18 =	simm.s32 $0x0;
	s2 =	simm.s32 $0x0;
	[tilespmem:s1+$0x10E00] =	vst v1  }
0x273: {  	s20 =	sand.u32 $0x3FFFFE00, s18;
	s28 =	sand.u32 $0x70, s2;
	v16 =	vld [tilespmem:s17+$0x12028]  }
0x274: {  	s1 =	sor.u32 s28, s20  }
0x275: {  	v4 =	vld [tilespmem:s1+$0x7900];
	_ =	sdelay $0x1  }
0x276: {  	v7 =	vld [tilespmem:s1+$0x8500]  }
0x277: {  	v6 =	vbroadcast v16, $0x1  }
0x278: {  	v9 =	vld [tilespmem:s1+$0x9100];
	v2 =	vbroadcast v16, $0x0  }
0x279: {  	v3 =	vbroadcast v16, $0x3;
	v8 =	vmul.f32 v4, v6  }
0x27a: {  	v11 =	vld [tilespmem:s1+$0x9D00];
	v1 =	vbroadcast v16, $0x2;
	v10 =	vmul.f32 v4, v2  }
0x27b: {  	v5 =	vbroadcast v16, $0x5;
	v13 =	vmul.f32 v7, v3;
	v12 =	vadd.f32 $0.0e+00, v8  }
0x27c: {  	v14 =	vld [tilespmem:s1+$0xA900];
	v4 =	vbroadcast v16, $0x4;
	v15 =	vmul.f32 v7, v1;
	v10 =	vadd.f32 $0.0e+00, v10  }
0x27d: {  	v8 =	vbroadcast v16, $0x7;
	v12 =	vadd.f32 v13, v12;
	v13 =	vmul.f32 v9, v5  }
0x27e: {  	v17 =	vld [tilespmem:s1+$0xB500];
	v7 =	vbroadcast v16, $0x6;
	v18 =	vmul.f32 v9, v4;
	v15 =	vadd.f32 v15, v10  }
0x27f: {  	v10 =	vbroadcast v16, $0x9;
	v19 =	vmul.f32 v11, v8;
	v13 =	vadd.f32 v13, v12  }
0x280: {  	v20 =	vld [tilespmem:s1+$0xC100];
	v9 =	vbroadcast v16, $0x8;
	v15 =	vadd.f32 v18, v15;
	v18 =	vmul.f32 v11, v7  }
0x281: {  	v21 =	vld [tilespmem:s17+$0x1202C];
	v12 =	vbroadcast v16, $0xB;
	v13 =	vadd.f32 v19, v13;
	v19 =	vmul.f32 v14, v10  }
0x282: {  	v22 =	vld [tilespmem:s1+$0xCD00];
	v11 =	vbroadcast v16, $0xA;
	v15 =	vadd.f32 v18, v15;
	v18 =	vmul.f32 v14, v9  }
0x283: {  	v14 =	vbroadcast v16, $0xD;
	v23 =	vmul.f32 v17, v12;
	v19 =	vadd.f32 v19, v13  }
0x284: {  	v61 =	vld [tilespmem:s1+$0xD900];
	v17 =	vmul.f32 v17, v11;
	v13 =	vbroadcast v16, $0xC;
	v18 =	vadd.f32 v18, v15  }
0x285: {  	v15 =	vbroadcast v16, $0xF;
	v19 =	vadd.f32 v23, v19;
	v23 =	vmul.f32 v20, v14  }
0x286: {  	v25 =	vld [tilespmem:s1+$0xE500];
	v16 =	vbroadcast v16, $0xE;
	v18 =	vadd.f32 v17, v18;
	v20 =	vmul.f32 v20, v13  }
0x287: {  	v17 =	vbroadcast v21, $0xD;
	v26 =	vmul.f32 v22, v15;
	v23 =	vadd.f32 v23, v19  }
0x288: {  	v22 =	vmul.f32 v22, v16;
	v19 =	vbroadcast v21, $0xC;
	v27 =	vadd.f32 v20, v18  }
0x289: {  	v62 =	vmul.f32 v61, v17;
	v20 =	vbroadcast v21, $0xF;
	v23 =	vadd.f32 v26, v23  }
0x28a: {  	v18 =	vbroadcast v21, $0xE;
	v21 =	vadd.f32 v22, v27;
	v22 =	vmul.f32 v61, v19  }
0x28b: {  	v63 =	vmul.f32 v25, v20;
	v23 =	vadd.f32 v62, v23  }
0x28c: {  	s31 =	simm.s32 $0x0;
	v25 =	vmul.f32 v25, v18;
	v22 =	vadd.f32 v22, v21  }
0x28d: {  	s18 =	simm.s32 $0x1;
	s30 =	sand.u32 $0x3FFFFF00, s31;
	s2 =	simm.s32 $0x40;
	v21 =	vadd.f32 v63, v23  }
0x28e: {  	s30 =	sor.u32 s28, s30;
	s20 =	simm.s32 $0x10;
	s1 =	simm.s32 $0x2;
	v22 =	vadd.f32 v25, v22  }
.LBB2_15:
0x28f: {  	p0 =	sne.s32 s1, $0x2F;
	s28 =	sand.u32 $0x70, s20;
	s2 =	sand.u32 $0x3FFFFE00, s2;
	[tilespmem:s30+$0x11480] =	vst v21  }
0x290: {  	s2 =	sor.u32 s28, s2;
	[tilespmem:s30+$0x11400] =	vst v22  }
0x291: {  	v21 =	vld [tilespmem:s2+$0x7900]  }
0x292: {  	v22 =	vld [tilespmem:s2+$0x9100]  }
0x293: {  	v23 =	vld [tilespmem:s2+$0x8500]  }
0x294: {  	v24 =	vld [tilespmem:s2+$0x9D00]  }
0x295: {  	v25 =	vld [tilespmem:s2+$0xA900]  }
0x296: {  	v26 =	vmul.f32 v21, v2;
	v21 =	vmul.f32 v21, v6;
	v27 =	vld [tilespmem:s2+$0xB500]  }
0x297: {  	v28 =	vld [tilespmem:s2+$0xC100]  }
0x298: {  	v26 =	vadd.f32 $0.0e+00, v26;
	v21 =	vadd.f32 $0.0e+00, v21;
	v29 =	vmul.f32 v23, v3;
	v30 =	vld [tilespmem:s2+$0xCD00]  }
0x299: {  	v23 =	vmul.f32 v23, v1;
	v31 =	vld [tilespmem:s2+$0xD900]  }
0x29a: {  	v21 =	vadd.f32 v29, v21;
	v29 =	vmul.f32 v22, v5;
	v32 =	vld [tilespmem:s2+$0xE500]  }
0x29b: {  	v23 =	vadd.f32 v23, v26;
	v22 =	vmul.f32 v22, v4  }
0x29c: {  	v26 =	vmul.f32 v24, v8;
	v21 =	vadd.f32 v29, v21  }
0x29d: {  	v22 =	vadd.f32 v22, v23;
	v23 =	vmul.f32 v24, v7  }
0x29e: {  	v24 =	vmul.f32 v25, v10;
	v21 =	vadd.f32 v26, v21  }
0x29f: {  	v22 =	vadd.f32 v23, v22;
	v23 =	vmul.f32 v25, v9  }
0x2a0: {  	v21 =	vadd.f32 v24, v21;
	v24 =	vmul.f32 v27, v12  }
0x2a1: {  	v22 =	vadd.f32 v23, v22;
	v23 =	vmul.f32 v27, v11  }
0x2a2: {  	v21 =	vadd.f32 v24, v21;
	v24 =	vmul.f32 v28, v14  }
0x2a3: {  	v22 =	vadd.f32 v23, v22;
	v23 =	vmul.f32 v28, v13  }
0x2a4: {  	v21 =	vadd.f32 v24, v21;
	v24 =	vmul.f32 v30, v15  }
0x2a5: {  	v22 =	vadd.f32 v23, v22;
	v23 =	vmul.f32 v30, v16  }
0x2a6: {  	v21 =	vadd.f32 v24, v21;
	v24 =	vmul.f32 v31, v17  }
.Ltmp6:
0x2a7: {  	v22 =	vadd.f32 v23, v22;
	v23 =	vmul.f32 v31, v19;
	(pc) =	sbr.rel @p0 .LBB2_15-.Ltmp6, $4  }
0x2a8: {  	v21 =	vadd.f32 v24, v21;
	v24 =	vmul.f32 v32, v20  }
0x2a9: {  	s2 =	sshll.u32 s18, $0x5;
	s18 =	smov.u32 s1;
	v22 =	vadd.f32 v23, v22;
	v23 =	vmul.f32 v32, v18  }
0x2aa: {  	s20 =	sadd.s32 $0x10, s20;
	s30 =	sand.u32 $0x3FFFFF00, s2;
	v21 =	vadd.f32 v24, v21  }
0x2ab: {  	s1 =	sadd.s32 $0x1, s1;
	s2 =	sshll.u32 s18, $0x6;
	s30 =	sor.u32 s28, s30;
	v22 =	vadd.f32 v23, v22  }
0x2ac: {  	s1 =	sand.u32 $0x70, s20;
	s2 =	sand.u32 $0x3FFFFE00, s2;
	[tilespmem:s30+$0x11480] =	vst v21  }
0x2ad: {  	s2 =	sor.u32 s1, s2;
	[tilespmem:s30+$0x11400] =	vst v22  }
0x2ae: {  	v21 =	vld [tilespmem:s2+$0x7900];
	_ =	sdelay $0x1  }
0x2af: {  	v22 =	vld [tilespmem:s2+$0x8500];
	_ =	sdelay $0x1  }
0x2b0: {  	v23 =	vld [tilespmem:s2+$0x9100]  }
0x2b1: {  	v6 =	vmul.f32 v21, v6  }
0x2b2: {  	v24 =	vld [tilespmem:s2+$0x9D00];
	v2 =	vmul.f32 v21, v2  }
0x2b3: {  	v3 =	vmul.f32 v22, v3;
	v6 =	vadd.f32 $0.0e+00, v6  }
0x2b4: {  	v21 =	vld [tilespmem:s2+$0xA900];
	v1 =	vmul.f32 v22, v1;
	v2 =	vadd.f32 $0.0e+00, v2  }
0x2b5: {  	v5 =	vmul.f32 v23, v5;
	v3 =	vadd.f32 v3, v6  }
0x2b6: {  	v6 =	vld [tilespmem:s2+$0xB500];
	v1 =	vadd.f32 v1, v2;
	v2 =	vmul.f32 v23, v4  }
0x2b7: {  	v4 =	vmul.f32 v24, v8;
	v3 =	vadd.f32 v5, v3  }
0x2b8: {  	v5 =	vld [tilespmem:s2+$0xC100];
	v1 =	vadd.f32 v2, v1;
	v2 =	vmul.f32 v24, v7  }
0x2b9: {  	v3 =	vadd.f32 v4, v3;
	v4 =	vmul.f32 v21, v10  }
0x2ba: {  	v7 =	vld [tilespmem:s2+$0xCD00];
	v1 =	vadd.f32 v2, v1;
	v2 =	vmul.f32 v21, v9  }
0x2bb: {  	v3 =	vadd.f32 v4, v3;
	v4 =	vmul.f32 v6, v12  }
0x2bc: {  	v8 =	vld [tilespmem:s2+$0xD900];
	v1 =	vadd.f32 v2, v1;
	v2 =	vmul.f32 v6, v11  }
0x2bd: {  	v3 =	vadd.f32 v4, v3;
	v4 =	vmul.f32 v5, v14  }
0x2be: {  	v6 =	vld [tilespmem:s2+$0xE500];
	v1 =	vadd.f32 v2, v1;
	v2 =	vmul.f32 v5, v13  }
0x2bf: {  	v3 =	vadd.f32 v4, v3;
	v4 =	vmul.f32 v7, v15  }
0x2c0: {  	v1 =	vadd.f32 v2, v1;
	v2 =	vmul.f32 v7, v16  }
0x2c1: {  	v3 =	vadd.f32 v4, v3;
	v4 =	vmul.f32 v8, v17  }
0x2c2: {  	v1 =	vadd.f32 v2, v1;
	v2 =	vmul.f32 v8, v19  }
0x2c3: {  	v3 =	vadd.f32 v4, v3;
	v4 =	vmul.f32 v6, v20  }
0x2c4: {  	s31 =	sshll.u32 s18, $0x5;
	v1 =	vadd.f32 v2, v1;
	v2 =	vmul.f32 v6, v18  }
0x2c5: {  	s2 =	sand.u32 $0x3FFFFF00, s31;
	v3 =	vadd.f32 v4, v3  }
0x2c6: {  	s1 =	sor.u32 s1, s2;
	v1 =	vadd.f32 v2, v1  }
0x2c7: {  	[tilespmem:s1+$0x11480] =	vst v3  }
0x2c8: {  	s18 =	simm.s32 $0x0;
	s2 =	simm.s32 $0x0;
	[tilespmem:s1+$0x11400] =	vst v1  }
0x2c9: {  	s30 =	sand.u32 $0x3FFFFE00, s18;
	s20 =	sand.u32 $0x70, s2;
	v16 =	vld [tilespmem:s17+$0x1203C]  }
0x2ca: {  	s1 =	sor.u32 s20, s30  }
0x2cb: {  	v4 =	vld [tilespmem:s1+$0x7980];
	_ =	sdelay $0x1  }
0x2cc: {  	v7 =	vld [tilespmem:s1+$0x8580]  }
0x2cd: {  	v6 =	vbroadcast v16, $0x1  }
0x2ce: {  	v9 =	vld [tilespmem:s1+$0x9180];
	v2 =	vbroadcast v16, $0x0  }
0x2cf: {  	v3 =	vbroadcast v16, $0x3;
	v8 =	vmul.f32 v4, v6  }
0x2d0: {  	v11 =	vld [tilespmem:s1+$0x9D80];
	v1 =	vbroadcast v16, $0x2;
	v10 =	vmul.f32 v4, v2  }
0x2d1: {  	v5 =	vbroadcast v16, $0x5;
	v13 =	vmul.f32 v7, v3;
	v12 =	vadd.f32 $0.0e+00, v8  }
0x2d2: {  	v14 =	vld [tilespmem:s1+$0xA980];
	v4 =	vbroadcast v16, $0x4;
	v15 =	vmul.f32 v7, v1;
	v10 =	vadd.f32 $0.0e+00, v10  }
0x2d3: {  	v8 =	vbroadcast v16, $0x7;
	v12 =	vadd.f32 v13, v12;
	v13 =	vmul.f32 v9, v5  }
0x2d4: {  	v17 =	vld [tilespmem:s1+$0xB580];
	v7 =	vbroadcast v16, $0x6;
	v18 =	vmul.f32 v9, v4;
	v15 =	vadd.f32 v15, v10  }
0x2d5: {  	v10 =	vbroadcast v16, $0x9;
	v19 =	vmul.f32 v11, v8;
	v13 =	vadd.f32 v13, v12  }
0x2d6: {  	v20 =	vld [tilespmem:s1+$0xC180];
	v9 =	vbroadcast v16, $0x8;
	v15 =	vadd.f32 v18, v15;
	v18 =	vmul.f32 v11, v7  }
0x2d7: {  	v21 =	vld [tilespmem:s17+$0x12040];
	v12 =	vbroadcast v16, $0xB;
	v13 =	vadd.f32 v19, v13;
	v19 =	vmul.f32 v14, v10  }
0x2d8: {  	v22 =	vld [tilespmem:s1+$0xCD80];
	v11 =	vbroadcast v16, $0xA;
	v15 =	vadd.f32 v18, v15;
	v18 =	vmul.f32 v14, v9  }
0x2d9: {  	v14 =	vbroadcast v16, $0xD;
	v23 =	vmul.f32 v17, v12;
	v19 =	vadd.f32 v19, v13  }
0x2da: {  	v61 =	vld [tilespmem:s1+$0xD980];
	v17 =	vmul.f32 v17, v11;
	v13 =	vbroadcast v16, $0xC;
	v18 =	vadd.f32 v18, v15  }
0x2db: {  	v15 =	vbroadcast v16, $0xF;
	v19 =	vadd.f32 v23, v19;
	v23 =	vmul.f32 v20, v14  }
0x2dc: {  	v25 =	vld [tilespmem:s1+$0xE580];
	v16 =	vbroadcast v16, $0xE;
	v18 =	vadd.f32 v17, v18;
	v20 =	vmul.f32 v20, v13  }
0x2dd: {  	v17 =	vbroadcast v21, $0xD;
	v26 =	vmul.f32 v22, v15;
	v23 =	vadd.f32 v23, v19  }
0x2de: {  	v22 =	vmul.f32 v22, v16;
	v19 =	vbroadcast v21, $0xC;
	v27 =	vadd.f32 v20, v18  }
0x2df: {  	v62 =	vmul.f32 v61, v17;
	v20 =	vbroadcast v21, $0xF;
	v23 =	vadd.f32 v26, v23  }
0x2e0: {  	v18 =	vbroadcast v21, $0xE;
	v21 =	vadd.f32 v22, v27;
	v22 =	vmul.f32 v61, v19  }
0x2e1: {  	v63 =	vmul.f32 v25, v20;
	v23 =	vadd.f32 v62, v23  }
0x2e2: {  	s31 =	simm.s32 $0x0;
	v25 =	vmul.f32 v25, v18;
	v22 =	vadd.f32 v22, v21  }
0x2e3: {  	s18 =	simm.s32 $0x10;
	s28 =	sand.u32 $0x3FFFFF00, s31;
	s2 =	simm.s32 $0x40;
	v21 =	vadd.f32 v63, v23  }
0x2e4: {  	s28 =	sor.u32 s20, s28;
	s17 =	simm.s32 $0x1;
	s1 =	simm.s32 $0x2;
	v22 =	vadd.f32 v25, v22  }
.LBB2_17:
0x2e5: {  	p0 =	sne.s32 s1, $0x2F;
	s20 =	sand.u32 $0x70, s18;
	s2 =	sand.u32 $0x3FFFFE00, s2;
	[tilespmem:s28+$0x11A80] =	vst v21  }
0x2e6: {  	s2 =	sor.u32 s20, s2;
	[tilespmem:s28+$0x11A00] =	vst v22  }
0x2e7: {  	v21 =	vld [tilespmem:s2+$0x7980]  }
0x2e8: {  	v22 =	vld [tilespmem:s2+$0x9180]  }
0x2e9: {  	v23 =	vld [tilespmem:s2+$0x8580]  }
0x2ea: {  	v24 =	vld [tilespmem:s2+$0x9D80]  }
0x2eb: {  	v25 =	vld [tilespmem:s2+$0xA980]  }
0x2ec: {  	v26 =	vmul.f32 v21, v2;
	v21 =	vmul.f32 v21, v6;
	v27 =	vld [tilespmem:s2+$0xB580]  }
0x2ed: {  	v28 =	vld [tilespmem:s2+$0xC180]  }
0x2ee: {  	v26 =	vadd.f32 $0.0e+00, v26;
	v21 =	vadd.f32 $0.0e+00, v21;
	v29 =	vmul.f32 v23, v3;
	v30 =	vld [tilespmem:s2+$0xCD80]  }
0x2ef: {  	v23 =	vmul.f32 v23, v1;
	v31 =	vld [tilespmem:s2+$0xD980]  }
0x2f0: {  	v21 =	vadd.f32 v29, v21;
	v29 =	vmul.f32 v22, v5;
	v32 =	vld [tilespmem:s2+$0xE580]  }
0x2f1: {  	v23 =	vadd.f32 v23, v26;
	v22 =	vmul.f32 v22, v4  }
0x2f2: {  	v26 =	vmul.f32 v24, v8;
	v21 =	vadd.f32 v29, v21  }
0x2f3: {  	v22 =	vadd.f32 v22, v23;
	v23 =	vmul.f32 v24, v7  }
0x2f4: {  	v24 =	vmul.f32 v25, v10;
	v21 =	vadd.f32 v26, v21  }
0x2f5: {  	v22 =	vadd.f32 v23, v22;
	v23 =	vmul.f32 v25, v9  }
0x2f6: {  	v21 =	vadd.f32 v24, v21;
	v24 =	vmul.f32 v27, v12  }
0x2f7: {  	v22 =	vadd.f32 v23, v22;
	v23 =	vmul.f32 v27, v11  }
0x2f8: {  	v21 =	vadd.f32 v24, v21;
	v24 =	vmul.f32 v28, v14  }
0x2f9: {  	v22 =	vadd.f32 v23, v22;
	v23 =	vmul.f32 v28, v13  }
0x2fa: {  	v21 =	vadd.f32 v24, v21;
	v24 =	vmul.f32 v30, v15  }
0x2fb: {  	v22 =	vadd.f32 v23, v22;
	v23 =	vmul.f32 v30, v16  }
0x2fc: {  	v21 =	vadd.f32 v24, v21;
	v24 =	vmul.f32 v31, v17  }
.Ltmp7:
0x2fd: {  	v22 =	vadd.f32 v23, v22;
	v23 =	vmul.f32 v31, v19;
	(pc) =	sbr.rel @p0 .LBB2_17-.Ltmp7, $4  }
0x2fe: {  	v21 =	vadd.f32 v24, v21;
	v24 =	vmul.f32 v32, v20  }
0x2ff: {  	s2 =	sshll.u32 s17, $0x5;
	s17 =	smov.u32 s1;
	v22 =	vadd.f32 v23, v22;
	v23 =	vmul.f32 v32, v18  }
0x300: {  	s18 =	sadd.s32 $0x10, s18;
	s28 =	sand.u32 $0x3FFFFF00, s2;
	v21 =	vadd.f32 v24, v21  }
0x301: {  	s1 =	sadd.s32 $0x1, s1;
	s2 =	sshll.u32 s17, $0x6;
	s28 =	sor.u32 s20, s28;
	v22 =	vadd.f32 v23, v22  }
0x302: {  	s1 =	sand.u32 $0x70, s18;
	s2 =	sand.u32 $0x3FFFFE00, s2;
	[tilespmem:s28+$0x11A80] =	vst v21  }
0x303: {  	s2 =	sor.u32 s1, s2;
	[tilespmem:s28+$0x11A00] =	vst v22  }
0x304: {  	v21 =	vld [tilespmem:s2+$0x7980];
	_ =	sdelay $0x1  }
0x305: {  	v22 =	vld [tilespmem:s2+$0x8580];
	_ =	sdelay $0x1  }
0x306: {  	v23 =	vld [tilespmem:s2+$0x9180]  }
0x307: {  	v6 =	vmul.f32 v21, v6  }
0x308: {  	v24 =	vld [tilespmem:s2+$0x9D80];
	v2 =	vmul.f32 v21, v2  }
0x309: {  	v3 =	vmul.f32 v22, v3;
	v6 =	vadd.f32 $0.0e+00, v6  }
0x30a: {  	v51 =	vld [tilespmem:s2+$0xA980];
	v1 =	vmul.f32 v22, v1;
	v2 =	vadd.f32 $0.0e+00, v2  }
0x30b: {  	v5 =	vmul.f32 v23, v5;
	v3 =	vadd.f32 v3, v6  }
0x30c: {  	v52 =	vld [tilespmem:s2+$0xB580];
	v1 =	vadd.f32 v1, v2;
	v2 =	vmul.f32 v23, v4  }
0x30d: {  	v53 =	vmul.f32 v24, v8;
	v3 =	vadd.f32 v5, v3  }
0x30e: {  	v54 =	vld [tilespmem:s2+$0xC180];
	v1 =	vadd.f32 v2, v1;
	v2 =	vmul.f32 v24, v7  }
0x30f: {  	v55 =	vmul.f32 v51, v10;
	v3 =	vadd.f32 v53, v3  }
0x310: {  	v56 =	vld [tilespmem:s2+$0xCD80];
	v1 =	vadd.f32 v2, v1;
	v2 =	vmul.f32 v51, v9  }
0x311: {  	v57 =	vmul.f32 v52, v12;
	v3 =	vadd.f32 v55, v3  }
0x312: {  	v58 =	vld [tilespmem:s2+$0xD980];
	v1 =	vadd.f32 v2, v1;
	v2 =	vmul.f32 v52, v11  }
0x313: {  	v59 =	vmul.f32 v54, v14;
	v3 =	vadd.f32 v57, v3  }
0x314: {  	v60 =	vld [tilespmem:s2+$0xE580];
	v1 =	vadd.f32 v2, v1;
	v2 =	vmul.f32 v54, v13  }
0x315: {  	v61 =	vmul.f32 v56, v15;
	v3 =	vadd.f32 v59, v3  }
0x316: {  	v1 =	vadd.f32 v2, v1;
	v2 =	vmul.f32 v56, v16  }
0x317: {  	v62 =	vmul.f32 v58, v17;
	v3 =	vadd.f32 v61, v3  }
0x318: {  	v1 =	vadd.f32 v2, v1;
	v2 =	vmul.f32 v58, v19  }
0x319: {  	s21 =	sadd.s32 $0x1, s21;
	v63 =	vmul.f32 v60, v20;
	v3 =	vadd.f32 v62, v3  }
0x31a: {  	s28 =	sshll.u32 s17, $0x5;
	p0 =	sne.s32 s21, $0x20;
	v1 =	vadd.f32 v2, v1;
	v2 =	vmul.f32 v60, v18  }
.Ltmp8:
0x31b: {  	s2 =	sand.u32 $0x3FFFFF00, s28;
	v3 =	vadd.f32 v63, v3;
	(pc) =	sbr.rel @p0 .LBB2_2-.Ltmp8, $4  }
0x31c: {  	s30 =	smul.u32 $0xC0, s7;
	s1 =	sor.u32 s1, s2;
	v1 =	vadd.f32 v2, v1  }
0x31d: {  	[tilespmem:s1+$0x11A80] =	vst v3  }
0x31e: {  	s31 =	sadd.s32 s3, s30;
	[tilespmem:s1+$0x11A00] =	vst v1  }
0x31f: {  	[hbm4b:s31+s4] =	stream.linear.scatter [tilespmem:s16], [sflag:$0x4], $0x1800, $0x38;
	[tilespmem:$0x13680] =	vst v63  }
0x320: {  	s2 =	simm.s32 $0x3  }
0x321: {  	s1 =	simm.s32 $0x0;
	_ =	swait.ge [sflag:s2], $0x1800  }
0x322: {  	v20 =	vor.u32 s1, v0;
	[sflag:s2] =	ssyncset.done $0x0  }
0x323: {  	s30 =	simm.s32 $0x4;
	v36 =	vmul.u32 $0x14, v20;
	[sflag:s2] =	ssyncadd.s32 $0xFFFFE800  }
0x324: {  	_ =	swait.ge [sflag:s30], $0x1800  }
0x325: {  	[sflag:s30] =	ssyncset.done $0x0  }
0x326: {  	[sflag:s30] =	ssyncadd.s32 $0xFFFFE800  }
0x327: {  	v35 =	vld [tilespmem:$0x13400]  }
0x328: {  	v2 =	vor.u32 $0x2, v36  }
0x329: {  	v3 =	vld.idx.msk [tilespmem:v36+s26+$0x0], $0xffff;
	_ =	sdelay $0x1  }
0x32a: {  	v39 =	vld [tilespmem:$0x13410]  }
0x32b: {  	v4 =	vadd.s32 $0x4, v36;
	v1 =	vbroadcast v35, $0x0  }
0x32c: {  	v5 =	vld.idx.msk [tilespmem:v2+s26+$0x0], $0xffff  }
0x32d: {  	v6 =	vmul.f32 v3, v1  }
0x32e: {  	v7 =	vadd.s32 $0x6, v36  }
0x32f: {  	v2 =	vbroadcast v39, $0x4;
	v3 =	vbroadcast v35, $0x2;
	v6 =	vadd.f32 $0.0e+00, v6  }
0x330: {  	v8 =	vld.idx.msk [tilespmem:v4+s26+$0x0], $0xffff  }
0x331: {  	v9 =	vmul.f32 v5, v3;
	v6 =	vadd.f32 v6, v2  }
0x332: {  	v10 =	vadd.s32 $0x8, v36  }
0x333: {  	v4 =	vbroadcast v39, $0x6;
	v5 =	vbroadcast v35, $0x4;
	v6 =	vadd.f32 v6, v9  }
0x334: {  	v9 =	vld.idx.msk [tilespmem:v7+s26+$0x0], $0xffff  }
0x335: {  	v8 =	vmul.f32 v8, v5;
	v11 =	vadd.f32 v6, v4  }
0x336: {  	v12 =	vadd.s32 $0xA, v36  }
0x337: {  	v7 =	vbroadcast v35, $0x6;
	v6 =	vbroadcast v39, $0x8;
	v8 =	vadd.f32 v11, v8  }
0x338: {  	v10 =	vld.idx.msk [tilespmem:v10+s26+$0x0], $0xffff  }
0x339: {  	v13 =	vmul.f32 v9, v7;
	v11 =	vadd.f32 v8, v6  }
0x33a: {  	v14 =	vadd.s32 $0xC, v36  }
0x33b: {  	v9 =	vbroadcast v35, $0x8;
	v8 =	vbroadcast v39, $0xA;
	v11 =	vadd.f32 v11, v13  }
0x33c: {  	v12 =	vld.idx.msk [tilespmem:v12+s26+$0x0], $0xffff  }
0x33d: {  	v15 =	vmul.f32 v10, v9;
	v13 =	vadd.f32 v11, v8  }
0x33e: {  	v16 =	vadd.s32 $0xE, v36  }
0x33f: {  	v10 =	vbroadcast v39, $0xC;
	v11 =	vbroadcast v35, $0xA;
	v13 =	vadd.f32 v13, v15  }
0x340: {  	v14 =	vld.idx.msk [tilespmem:v14+s26+$0x0], $0xffff  }
0x341: {  	v17 =	vmul.f32 v12, v11;
	v15 =	vadd.f32 v13, v10  }
0x342: {  	v18 =	vadd.s32 $0x10, v36;
	v40 =	vld [tilespmem:$0x13420]  }
0x343: {  	v12 =	vbroadcast v39, $0xE;
	v13 =	vbroadcast v35, $0xC;
	v15 =	vadd.f32 v15, v17  }
0x344: {  	v16 =	vld.idx.msk [tilespmem:v16+s26+$0x0], $0xffff  }
0x345: {  	v19 =	vmul.f32 v14, v13;
	v17 =	vadd.f32 v15, v12  }
0x346: {  	v21 =	vadd.s32 $0x12, v36  }
0x347: {  	v14 =	vbroadcast v40, $0x0;
	v15 =	vbroadcast v35, $0xE;
	v17 =	vadd.f32 v17, v19  }
0x348: {  	v18 =	vld.idx.msk [tilespmem:v18+s26+$0x0], $0xffff  }
0x349: {  	v22 =	vmul.f32 v16, v15;
	v19 =	vadd.f32 v17, v14;
	_ =	sdelay $0x1  }
0x34a: {  	v16 =	vbroadcast v40, $0x2;
	v17 =	vbroadcast v39, $0x0;
	v19 =	vadd.f32 v19, v22  }
0x34b: {  	v21 =	vld.idx.msk [tilespmem:v21+s26+$0x0], $0xffff  }
0x34c: {  	v23 =	vmul.f32 v18, v17;
	v22 =	vadd.f32 v19, v16;
	_ =	sdelay $0x1  }
0x34d: {  	v18 =	vbroadcast v40, $0x4;
	v19 =	vbroadcast v39, $0x2;
	v22 =	vadd.f32 v22, v23;
	_ =	sdelay $0x1  }
0x34e: {  	v21 =	vmul.f32 v21, v19;
	v22 =	vadd.f32 v22, v18  }
0x34f: {  	v43 =	vshll.u32 v20, $0x1  }
0x350: {  	v20 =	vbroadcast v40, $0x6;
	v21 =	vadd.f32 v22, v21;
	v22 =	vor.u32 $0x1, v36;
	_ =	sdelay $0x1  }
0x351: {  	v21 =	vadd.f32 v21, v20;
	_ =	sdelay $0x1  }
0x352: {  	v23 =	vor.u32 $0x3, v36;
	[tilespmem:v43+s19+$0x0] =	vst.idx.msk $0xffff, v21  }
0x353: {  	v22 =	vld.idx.msk [tilespmem:v22+s26+$0x0], $0xffff;
	_ =	sdelay $0x2  }
0x354: {  	v24 =	vadd.s32 $0x5, v36;
	v21 =	vbroadcast v35, $0x1  }
0x355: {  	v25 =	vld.idx.msk [tilespmem:v23+s26+$0x0], $0xffff  }
0x356: {  	v26 =	vmul.f32 v22, v21  }
0x357: {  	v27 =	vadd.s32 $0x7, v36  }
0x358: {  	v23 =	vbroadcast v35, $0x3;
	v22 =	vbroadcast v39, $0x5;
	v26 =	vadd.f32 $0.0e+00, v26  }
0x359: {  	v28 =	vld.idx.msk [tilespmem:v24+s26+$0x0], $0xffff  }
0x35a: {  	v29 =	vmul.f32 v25, v23;
	v26 =	vadd.f32 v26, v22  }
0x35b: {  	v30 =	vadd.s32 $0x9, v36  }
0x35c: {  	v24 =	vbroadcast v39, $0x7;
	v25 =	vbroadcast v35, $0x5;
	v26 =	vadd.f32 v26, v29  }
0x35d: {  	v29 =	vld.idx.msk [tilespmem:v27+s26+$0x0], $0xffff  }
0x35e: {  	v28 =	vmul.f32 v28, v25;
	v31 =	vadd.f32 v26, v24  }
0x35f: {  	v32 =	vadd.s32 $0xB, v36  }
0x360: {  	v27 =	vbroadcast v35, $0x7;
	v26 =	vbroadcast v39, $0x9;
	v28 =	vadd.f32 v31, v28  }
0x361: {  	v30 =	vld.idx.msk [tilespmem:v30+s26+$0x0], $0xffff  }
0x362: {  	v33 =	vmul.f32 v29, v27;
	v31 =	vadd.f32 v28, v26  }
0x363: {  	v34 =	vadd.s32 $0xD, v36  }
0x364: {  	v29 =	vbroadcast v35, $0x9;
	v28 =	vbroadcast v39, $0xB;
	v31 =	vadd.f32 v31, v33  }
0x365: {  	v32 =	vld.idx.msk [tilespmem:v32+s26+$0x0], $0xffff  }
0x366: {  	v37 =	vmul.f32 v30, v29;
	v33 =	vadd.f32 v31, v28  }
0x367: {  	v38 =	vadd.s32 $0xF, v36  }
0x368: {  	v30 =	vbroadcast v39, $0xD;
	v31 =	vbroadcast v35, $0xB;
	v33 =	vadd.f32 v33, v37  }
0x369: {  	v34 =	vld.idx.msk [tilespmem:v34+s26+$0x0], $0xffff  }
0x36a: {  	v41 =	vmul.f32 v32, v31;
	v37 =	vadd.f32 v33, v30  }
0x36b: {  	v42 =	vadd.s32 $0x11, v36  }
0x36c: {  	v32 =	vbroadcast v39, $0xF;
	v33 =	vbroadcast v35, $0xD;
	v37 =	vadd.f32 v37, v41  }
0x36d: {  	v38 =	vld.idx.msk [tilespmem:v38+s26+$0x0], $0xffff  }
0x36e: {  	v59 =	vmul.f32 v34, v33;
	v37 =	vadd.f32 v37, v32  }
0x36f: {  	v44 =	vadd.s32 $0x13, v36  }
0x370: {  	v35 =	vbroadcast v35, $0xF;
	v34 =	vbroadcast v40, $0x1;
	v60 =	vadd.f32 v37, v59  }
0x371: {  	v61 =	vld.idx.msk [tilespmem:v42+s26+$0x0], $0xffff  }
0x372: {  	v38 =	vmul.f32 v38, v35;
	v62 =	vadd.f32 v60, v34;
	_ =	sdelay $0x1  }
0x373: {  	v36 =	vbroadcast v40, $0x3;
	v37 =	vbroadcast v39, $0x1;
	v38 =	vadd.f32 v62, v38  }
0x374: {  	v44 =	vld.idx.msk [tilespmem:v44+s26+$0x0], $0xffff  }
0x375: {  	v41 =	vmul.f32 v61, v37;
	v42 =	vadd.f32 v38, v36;
	_ =	sdelay $0x1  }
0x376: {  	v39 =	vbroadcast v39, $0x3;
	v38 =	vbroadcast v40, $0x5;
	v41 =	vadd.f32 v42, v41  }
0x377: {  	s31 =	simm.s32 $0x10  }
0x378: {  	v44 =	vmul.f32 v44, v39;
	v42 =	vor.u32 s31, v0;
	v45 =	vadd.f32 v41, v38  }
0x379: {  	v51 =	vor.u32 $0x1, v43;
	v41 =	vmul.u32 $0x14, v42  }
0x37a: {  	v40 =	vbroadcast v40, $0x7;
	v63 =	vadd.f32 v45, v44  }
0x37b: {  	v50 =	vor.u32 $0x2, v41;
	v49 =	vadd.s32 $0x4, v41;
	v48 =	vadd.s32 $0x6, v41  }
0x37c: {  	v47 =	vadd.s32 $0x8, v41;
	v46 =	vadd.s32 $0xA, v41;
	v52 =	vadd.f32 v63, v40  }
0x37d: {  	s7 =	simm.s32 $0x20;
	v45 =	vadd.s32 $0xC, v41;
	v44 =	vadd.s32 $0xE, v41;
	v43 =	vadd.s32 $0x10, v41  }
.LBB2_20:
0x37e: {  	p0 =	sne.s32 s7, $0xF0;
	v53 =	vadd.s32 $0x12, v41;
	[tilespmem:v51+s19+$0x0] =	vst.idx.msk $0xffff, v52;
	s17 =	smov.u32 s7;
	s7 =	sadd.s32 $0x10, s7  }
0x37f: {  	v51 =	vld.idx.msk [tilespmem:v41+s26+$0x0], $0xffff;
	_ =	sdelay $0x3  }
0x380: {  	v50 =	vld.idx.msk [tilespmem:v50+s26+$0x0], $0xffff;
	_ =	sdelay $0x1  }
0x381: {  	v51 =	vmul.f32 v51, v1;
	_ =	sdelay $0x1  }
0x382: {  	v51 =	vadd.f32 $0.0e+00, v51;
	v49 =	vld.idx.msk [tilespmem:v49+s26+$0x0], $0xffff;
	_ =	sdelay $0x1  }
0x383: {  	v51 =	vadd.f32 v51, v2;
	v50 =	vmul.f32 v50, v3;
	_ =	sdelay $0x1  }
0x384: {  	v50 =	vadd.f32 v51, v50;
	v48 =	vld.idx.msk [tilespmem:v48+s26+$0x0], $0xffff;
	_ =	sdelay $0x1  }
0x385: {  	v50 =	vadd.f32 v50, v4;
	v49 =	vmul.f32 v49, v5;
	_ =	sdelay $0x1  }
0x386: {  	v49 =	vadd.f32 v50, v49;
	v47 =	vld.idx.msk [tilespmem:v47+s26+$0x0], $0xffff;
	_ =	sdelay $0x1  }
0x387: {  	v49 =	vadd.f32 v49, v6;
	v48 =	vmul.f32 v48, v7;
	_ =	sdelay $0x1  }
0x388: {  	v48 =	vadd.f32 v49, v48;
	v46 =	vld.idx.msk [tilespmem:v46+s26+$0x0], $0xffff;
	_ =	sdelay $0x1  }
0x389: {  	v48 =	vadd.f32 v48, v8;
	v47 =	vmul.f32 v47, v9;
	_ =	sdelay $0x1  }
0x38a: {  	v47 =	vadd.f32 v48, v47;
	v45 =	vld.idx.msk [tilespmem:v45+s26+$0x0], $0xffff;
	_ =	sdelay $0x1  }
0x38b: {  	v47 =	vadd.f32 v47, v10;
	v46 =	vmul.f32 v46, v11;
	_ =	sdelay $0x1  }
0x38c: {  	v46 =	vadd.f32 v47, v46;
	v44 =	vld.idx.msk [tilespmem:v44+s26+$0x0], $0xffff;
	_ =	sdelay $0x1  }
0x38d: {  	v46 =	vadd.f32 v46, v12;
	v45 =	vmul.f32 v45, v13;
	_ =	sdelay $0x1  }
0x38e: {  	v45 =	vadd.f32 v46, v45;
	v43 =	vld.idx.msk [tilespmem:v43+s26+$0x0], $0xffff;
	_ =	sdelay $0x1  }
0x38f: {  	v45 =	vadd.f32 v45, v14;
	v44 =	vmul.f32 v44, v15;
	_ =	sdelay $0x1  }
0x390: {  	v44 =	vadd.f32 v45, v44;
	v45 =	vld.idx.msk [tilespmem:v53+s26+$0x0], $0xffff;
	_ =	sdelay $0x1  }
0x391: {  	v44 =	vadd.f32 v44, v16;
	v43 =	vmul.f32 v43, v17;
	_ =	sdelay $0x1  }
0x392: {  	v43 =	vadd.f32 v44, v43;
	_ =	sdelay $0x1  }
0x393: {  	v43 =	vadd.f32 v43, v18;
	v44 =	vmul.f32 v45, v19  }
0x394: {  	v45 =	vshll.u32 v42, $0x1  }
0x395: {  	v42 =	vadd.f32 v43, v44;
	v43 =	vor.u32 $0x1, v41;
	_ =	sdelay $0x1  }
0x396: {  	v42 =	vadd.f32 v42, v20;
	_ =	sdelay $0x1  }
0x397: {  	[tilespmem:v45+s19+$0x0] =	vst.idx.msk $0xffff, v42;
	v42 =	vor.u32 $0x3, v41  }
0x398: {  	v43 =	vld.idx.msk [tilespmem:v43+s26+$0x0], $0xffff;
	_ =	sdelay $0x2  }
0x399: {  	v44 =	vadd.s32 $0x5, v41  }
0x39a: {  	v42 =	vld.idx.msk [tilespmem:v42+s26+$0x0], $0xffff;
	_ =	sdelay $0x1  }
0x39b: {  	v43 =	vmul.f32 v43, v21  }
0x39c: {  	v46 =	vadd.s32 $0x7, v41  }
0x39d: {  	v43 =	vadd.f32 $0.0e+00, v43;
	v44 =	vld.idx.msk [tilespmem:v44+s26+$0x0], $0xffff;
	_ =	sdelay $0x1  }
0x39e: {  	v43 =	vadd.f32 v43, v22;
	v42 =	vmul.f32 v42, v23  }
0x39f: {  	v47 =	vadd.s32 $0x9, v41  }
0x3a0: {  	v42 =	vadd.f32 v43, v42;
	v43 =	vld.idx.msk [tilespmem:v46+s26+$0x0], $0xffff;
	_ =	sdelay $0x1  }
0x3a1: {  	v42 =	vadd.f32 v42, v24;
	v44 =	vmul.f32 v44, v25  }
0x3a2: {  	v46 =	vadd.s32 $0xB, v41  }
0x3a3: {  	v42 =	vadd.f32 v42, v44;
	v44 =	vld.idx.msk [tilespmem:v47+s26+$0x0], $0xffff;
	_ =	sdelay $0x1  }
0x3a4: {  	v42 =	vadd.f32 v42, v26;
	v43 =	vmul.f32 v43, v27  }
0x3a5: {  	v47 =	vadd.s32 $0xD, v41  }
0x3a6: {  	v42 =	vadd.f32 v42, v43;
	v43 =	vld.idx.msk [tilespmem:v46+s26+$0x0], $0xffff;
	_ =	sdelay $0x1  }
0x3a7: {  	v42 =	vadd.f32 v42, v28;
	v44 =	vmul.f32 v44, v29  }
0x3a8: {  	v46 =	vadd.s32 $0xF, v41  }
0x3a9: {  	v42 =	vadd.f32 v42, v44;
	v44 =	vld.idx.msk [tilespmem:v47+s26+$0x0], $0xffff;
	_ =	sdelay $0x1  }
0x3aa: {  	v42 =	vadd.f32 v42, v30;
	v43 =	vmul.f32 v43, v31  }
0x3ab: {  	v47 =	vadd.s32 $0x11, v41  }
0x3ac: {  	v42 =	vadd.f32 v42, v43;
	v43 =	vld.idx.msk [tilespmem:v46+s26+$0x0], $0xffff;
	_ =	sdelay $0x1  }
0x3ad: {  	v42 =	vadd.f32 v42, v32;
	v44 =	vmul.f32 v44, v33  }
0x3ae: {  	v41 =	vadd.s32 $0x13, v41  }
0x3af: {  	v42 =	vadd.f32 v42, v44;
	v44 =	vld.idx.msk [tilespmem:v47+s26+$0x0], $0xffff;
	_ =	sdelay $0x1  }
0x3b0: {  	v42 =	vadd.f32 v42, v34;
	v43 =	vmul.f32 v43, v35;
	_ =	sdelay $0x1  }
0x3b1: {  	v42 =	vadd.f32 v42, v43;
	v41 =	vld.idx.msk [tilespmem:v41+s26+$0x0], $0xffff;
	_ =	sdelay $0x1  }
0x3b2: {  	v42 =	vadd.f32 v42, v36;
	v43 =	vmul.f32 v44, v37;
	_ =	sdelay $0x1  }
0x3b3: {  	v43 =	vadd.f32 v42, v43;
	_ =	sdelay $0x1  }
0x3b4: {  	v42 =	vor.u32 s17, v0;
	v43 =	vadd.f32 v43, v38;
	v44 =	vmul.f32 v41, v39  }
.Ltmp9:
0x3b5: {  	v51 =	vor.u32 $0x1, v45;
	v41 =	vmul.u32 $0x14, v42;
	(pc) =	sbr.rel @p0 .LBB2_20-.Ltmp9, $4  }
0x3b6: {  	v43 =	vadd.f32 v43, v44  }
0x3b7: {  	v50 =	vor.u32 $0x2, v41;
	v49 =	vadd.s32 $0x4, v41;
	v48 =	vadd.s32 $0x6, v41  }
0x3b8: {  	v47 =	vadd.s32 $0x8, v41;
	v46 =	vadd.s32 $0xA, v41;
	v52 =	vadd.f32 v43, v40  }
0x3b9: {  	v45 =	vadd.s32 $0xC, v41;
	v44 =	vadd.s32 $0xE, v41;
	v43 =	vadd.s32 $0x10, v41  }
0x3ba: {  	_ =	sdelay $0x3  }
0x3bb: {  	[tilespmem:v51+s19+$0x0] =	vst.idx.msk $0xffff, v52  }
0x3bc: {  	v51 =	vld.idx.msk [tilespmem:v41+s26+$0x0], $0xffff;
	_ =	sdelay $0x3  }
0x3bd: {  	v50 =	vld.idx.msk [tilespmem:v50+s26+$0x0], $0xffff  }
0x3be: {  	v1 =	vmul.f32 v51, v1;
	_ =	sdelay $0x1  }
0x3bf: {  	v1 =	vadd.f32 $0.0e+00, v1  }
0x3c0: {  	v49 =	vld.idx.msk [tilespmem:v49+s26+$0x0], $0xffff  }
0x3c1: {  	v1 =	vadd.f32 v1, v2;
	v2 =	vmul.f32 v50, v3;
	_ =	sdelay $0x1  }
0x3c2: {  	v1 =	vadd.f32 v1, v2  }
0x3c3: {  	v2 =	vld.idx.msk [tilespmem:v48+s26+$0x0], $0xffff  }
0x3c4: {  	v3 =	vmul.f32 v49, v5;
	v1 =	vadd.f32 v1, v4;
	_ =	sdelay $0x1  }
0x3c5: {  	v1 =	vadd.f32 v1, v3  }
0x3c6: {  	v3 =	vld.idx.msk [tilespmem:v47+s26+$0x0], $0xffff  }
0x3c7: {  	v2 =	vmul.f32 v2, v7;
	v1 =	vadd.f32 v1, v6;
	_ =	sdelay $0x1  }
0x3c8: {  	v1 =	vadd.f32 v1, v2  }
0x3c9: {  	v2 =	vld.idx.msk [tilespmem:v46+s26+$0x0], $0xffff  }
0x3ca: {  	v3 =	vmul.f32 v3, v9;
	v1 =	vadd.f32 v1, v8;
	_ =	sdelay $0x1  }
0x3cb: {  	v1 =	vadd.f32 v1, v3  }
0x3cc: {  	v3 =	vld.idx.msk [tilespmem:v45+s26+$0x0], $0xffff  }
0x3cd: {  	v2 =	vmul.f32 v2, v11;
	v1 =	vadd.f32 v1, v10;
	_ =	sdelay $0x1  }
0x3ce: {  	v1 =	vadd.f32 v1, v2  }
0x3cf: {  	v2 =	vld.idx.msk [tilespmem:v44+s26+$0x0], $0xffff  }
0x3d0: {  	v3 =	vmul.f32 v3, v13;
	v1 =	vadd.f32 v1, v12;
	_ =	sdelay $0x1  }
0x3d1: {  	v52 =	vadd.s32 $0x12, v41;
	v1 =	vadd.f32 v1, v3  }
0x3d2: {  	v3 =	vld.idx.msk [tilespmem:v43+s26+$0x0], $0xffff  }
0x3d3: {  	v2 =	vmul.f32 v2, v15;
	v1 =	vadd.f32 v1, v14;
	_ =	sdelay $0x1  }
0x3d4: {  	v1 =	vadd.f32 v1, v2  }
0x3d5: {  	v2 =	vld.idx.msk [tilespmem:v52+s26+$0x0], $0xffff  }
0x3d6: {  	v3 =	vmul.f32 v3, v17;
	v1 =	vadd.f32 v1, v16;
	_ =	sdelay $0x1  }
0x3d7: {  	v1 =	vadd.f32 v1, v3;
	_ =	sdelay $0x1  }
0x3d8: {  	v2 =	vmul.f32 v2, v19;
	v1 =	vadd.f32 v1, v18  }
0x3d9: {  	v3 =	vshll.u32 v42, $0x1  }
0x3da: {  	v1 =	vadd.f32 v1, v2;
	v2 =	vor.u32 $0x1, v41;
	_ =	sdelay $0x1  }
0x3db: {  	v1 =	vadd.f32 v1, v20;
	_ =	sdelay $0x1  }
0x3dc: {  	[tilespmem:v3+s19+$0x0] =	vst.idx.msk $0xffff, v1;
	v1 =	vor.u32 $0x3, v41  }
0x3dd: {  	v2 =	vld.idx.msk [tilespmem:v2+s26+$0x0], $0xffff;
	_ =	sdelay $0x2  }
0x3de: {  	v53 =	vadd.s32 $0x5, v41  }
0x3df: {  	v1 =	vld.idx.msk [tilespmem:v1+s26+$0x0], $0xffff  }
0x3e0: {  	v2 =	vmul.f32 v2, v21;
	_ =	sdelay $0x1  }
0x3e1: {  	v54 =	vadd.s32 $0x7, v41;
	v2 =	vadd.f32 $0.0e+00, v2  }
0x3e2: {  	v4 =	vld.idx.msk [tilespmem:v53+s26+$0x0], $0xffff  }
0x3e3: {  	v2 =	vadd.f32 v2, v22;
	v1 =	vmul.f32 v1, v23;
	_ =	sdelay $0x1  }
0x3e4: {  	v55 =	vadd.s32 $0x9, v41;
	v1 =	vadd.f32 v2, v1  }
0x3e5: {  	v2 =	vld.idx.msk [tilespmem:v54+s26+$0x0], $0xffff  }
0x3e6: {  	v4 =	vmul.f32 v4, v25;
	v1 =	vadd.f32 v1, v24;
	_ =	sdelay $0x1  }
0x3e7: {  	v56 =	vadd.s32 $0xB, v41;
	v1 =	vadd.f32 v1, v4  }
0x3e8: {  	v57 =	vld.idx.msk [tilespmem:v55+s26+$0x0], $0xffff  }
0x3e9: {  	v2 =	vmul.f32 v2, v27;
	v1 =	vadd.f32 v1, v26;
	_ =	sdelay $0x1  }
0x3ea: {  	v58 =	vadd.s32 $0xD, v41;
	v1 =	vadd.f32 v1, v2  }
0x3eb: {  	v2 =	vld.idx.msk [tilespmem:v56+s26+$0x0], $0xffff  }
0x3ec: {  	v4 =	vmul.f32 v57, v29;
	v1 =	vadd.f32 v1, v28;
	_ =	sdelay $0x1  }
0x3ed: {  	v59 =	vadd.s32 $0xF, v41;
	v1 =	vadd.f32 v1, v4  }
0x3ee: {  	v60 =	vld.idx.msk [tilespmem:v58+s26+$0x0], $0xffff  }
0x3ef: {  	v2 =	vmul.f32 v2, v31;
	v1 =	vadd.f32 v1, v30;
	_ =	sdelay $0x1  }
0x3f0: {  	v61 =	vadd.s32 $0x11, v41;
	v1 =	vadd.f32 v1, v2  }
0x3f1: {  	v2 =	vld.idx.msk [tilespmem:v59+s26+$0x0], $0xffff  }
0x3f2: {  	v4 =	vmul.f32 v60, v33;
	v1 =	vadd.f32 v1, v32;
	_ =	sdelay $0x1  }
0x3f3: {  	v62 =	vadd.s32 $0x13, v41;
	v1 =	vadd.f32 v1, v4  }
0x3f4: {  	v63 =	vld.idx.msk [tilespmem:v61+s26+$0x0], $0xffff  }
0x3f5: {  	v2 =	vmul.f32 v2, v35;
	v1 =	vadd.f32 v1, v34;
	_ =	sdelay $0x1  }
0x3f6: {  	v1 =	vadd.f32 v1, v2  }
0x3f7: {  	v2 =	vld.idx.msk [tilespmem:v62+s26+$0x0], $0xffff  }
0x3f8: {  	v4 =	vmul.f32 v63, v37;
	v1 =	vadd.f32 v1, v36;
	_ =	sdelay $0x1  }
0x3f9: {  	v1 =	vadd.f32 v1, v4;
	_ =	sdelay $0x1  }
0x3fa: {  	v2 =	vmul.f32 v2, v39;
	v1 =	vadd.f32 v1, v38  }
0x3fb: {  	v3 =	vor.u32 $0x1, v3  }
0x3fc: {  	v1 =	vadd.f32 v1, v2;
	_ =	sdelay $0x1  }
0x3fd: {  	v1 =	vadd.f32 v1, v40;
	_ =	sdelay $0x1  }
0x3fe: {  	s1 =	rddreg [dreg:$0x8];
	s7 =	simm.s32 $0x5;
	[tilespmem:v3+s19+$0x0] =	vst.idx.msk $0xffff, v1  }
0x3ff: {  	[hbm4b:s1+s4] =	stream.linear.scatter [tilespmem:s19], [sflag:$0x5], $0x200, $0x38;
	[tilespmem:$0x13680] =	vst v63  }
0x400: {  	_ =	swait.ge [sflag:s7], $0x200  }
0x401: {  	s2 =	rddreg [dreg:$0x13]  }
0x402: {  	s31 =	rddreg [dreg:$0x9];
	s2 =	sadd.s32 $0x1, s2  }
0x403: {  	p0 =	sne.s32 s2, s31  }
.Ltmp10:
0x404: {  	_ = 	snop;
	(pc) =	sbr.rel @p0 .LBB2_1-.Ltmp10, $3  }
0x405: {  	_ =	sdelay $0x1  }
0x406: {  	[sflag:s7] =	ssyncset.done $0x0  }
0x407: {  	[sflag:s7] =	ssyncadd.s32 $0xFFFFFE00  }
0x408: {  	_ =	sfence.sel $0x180000  }
0x409: {  	[bflag:$0x0] =	sbarrier.arrive $0xFFFF  }
0x40a: {  	_ =	strace $0x90000047  }
0x40b: {  	s0 =	stileid.u32;
	[bflag:$0x2] =	sbarrier.arrive $0xFFFF  }
0x40c: {  	p0 =	sne.s32 s0, $0x0;
	s0 =	rddreg [dreg:$0x4]  }
0x40d: {  	s0 =	sadd.s32 @!p0 $0x100000, s0  }
0x40e: {  	[sflag:s0] =	ssyncadd.tile.s32 @!p0 $0x1;
	_ =	shalt  }
.Lfunc_end2:
_tile_overlayer_lowered:
.L_overlay_start_2:
0x40f: {  	(tag) =	ssettag $0x2  }
0x410: {  	s0 =	rddreg [dreg:$0x0];
	s2 =	stileid.u32  }
0x411: {  	s1 =	rddreg [dreg:$0x1];
	p0 =	sne.s32 s2, $0x0  }
0x412: {  	s3 =	rddreg [dreg:$0x2];
	[bflag:$0x3] =	sbarrier.arrive $0xFFFF;
	s2 =	simm.s32 @!p0 $0x1C05  }
0x413: {  	[timem:s3], [sflag:s2] =	dma.local @!p0 [hbm:s0], s1  }
0x414: {  	s0 =	simm.s32 @!p0 $0x5  }
0x415: {  	_ =	swait.ge @!p0 [sflag:s0], s1  }
0x416: {  	s1 =	ssub.s32 @!p0 $0x0, s1;
	[sflag:s0] =	ssyncset.done @!p0 $0x0  }
0x417: {  	[sflag:s0] =	ssyncadd.s32 @!p0 s1  }
0x418: {  	[bflag:$0x3] =	sbarrier.arrive $0xFFFF  }
0x419: {  	_ =	shalt  }

</sc_bundles>
